<compile_context>
chip_gen: v7x
topology: tpu7x:2x2x1
jax: 0.10.2.dev20260603
libtpu: 0.0.44.dev20260713+nightly
codegen_flags: <defaults>
</compile_context>

<pallas_src>
import functools

import numpy as np
import jax
import jax.numpy as jnp
from jax import lax
from jax.experimental import pallas as pl
from jax.experimental.pallas import tpu as pltpu
from jax.experimental.pallas import tpu_sc as plsc

_N = 262144
_B = 1024
_NODE_DIM = 20
_X_DIM = 3

_start = np.arccos(np.float32(0.95))
_end = np.arccos(np.float32(0.02))
_ang = np.float32(_start + np.float32(1.0) * (_end - _start))
_ALPHA = np.float32(np.cos(_ang))
_SIGMA = np.float32(np.sin(_ang))
_L = np.float32(np.log(np.float32(1.0) / _SIGMA))
_Q = np.float32(_SIGMA * _SIGMA)
_A2 = np.float32(_ALPHA * _ALPHA)
_WH = np.float32(np.float32(20.0) * (_L + np.float32(0.5) * _Q - np.float32(0.5)))

_TN = 131072
_G = _N // _TN


def _sq_body(h_ref, x_ref, o_ref):
    hb = h_ref[...]
    xb = x_ref[...]
    s = jnp.sum(hb * hb, axis=0) + jnp.sum(xb * xb, axis=0)
    o_ref[...] = s.reshape(1, 1, _TN)


def _node_sq(h, x):
    ht = h.T
    xt = x.T
    out = pl.pallas_call(
        _sq_body,
        grid=(_G,),
        in_specs=[
            pl.BlockSpec((_NODE_DIM, _TN), lambda i: (0, i)),
            pl.BlockSpec((_X_DIM, _TN), lambda i: (0, i)),
        ],
        out_specs=pl.BlockSpec((1, 1, _TN), lambda i: (i, 0, 0)),
        out_shape=jax.ShapeDtypeStruct((_G, 1, _TN), jnp.float32),
    )(ht, xt)
    return out


_NS = 16
_CHUNK = _N // _NS
_NG = _CHUNK // 16
_SLICE = _B // _NS

@functools.cache
def _build_seg_kernel():
  mesh = plsc.VectorSubcoreMesh(
      core_axis_name="c", subcore_axis_name="s", num_cores=1, num_subcores=_NS)

  @functools.partial(
      pl.kernel,
      out_type=jax.ShapeDtypeStruct((_B,), jnp.float32),
      mesh=mesh,
      scratch_types=[
          pltpu.VMEM((_CHUNK,), jnp.float32),
          pltpu.VMEM((_CHUNK + 16,), jnp.int32),
          pltpu.VMEM((_B,), jnp.float32),
          pltpu.VMEM((_B,), jnp.int32),
          pltpu.VMEM_SHARED((_NS, _B), jnp.float32),
          pltpu.VMEM_SHARED((_NS, _B), jnp.int32),
          pltpu.VMEM((_NS, 128), jnp.float32),
          pltpu.VMEM((_NS, 128), jnp.int32),
          pltpu.VMEM((128,), jnp.float32),
          pltpu.SemaphoreType.DMA,
          pltpu.SemaphoreType.DMA,
      ],
      compiler_params=pltpu.CompilerParams(needs_layout_passes=False),
  )
  def _seg_kernel(s_hbm, g_hbm, out_hbm,
                  sbuf, gbuf, Sloc, Cloc, Ssh, Csh, Stmp, Ctmp, obuf,
                  sem_a, sem_b):
    sid = lax.axis_index("s")
    base = sid * _CHUNK
    half = _CHUNK // 2
    cp_sa = pltpu.async_copy(
        s_hbm.at[pl.ds(base, half)], sbuf.at[pl.ds(0, half)], sem_a)
    cp_ga = pltpu.async_copy(
        g_hbm.at[pl.ds(base, half)], gbuf.at[pl.ds(0, half)], sem_a)
    cp_sb = pltpu.async_copy(
        s_hbm.at[pl.ds(base + half, half)], sbuf.at[pl.ds(half, half)], sem_b)
    cp_gb = pltpu.async_copy(
        g_hbm.at[pl.ds(base + half, half)], gbuf.at[pl.ds(half, half)], sem_b)
    gbuf[pl.ds(_CHUNK, 16)] = jnp.full((16,), -1, jnp.int32)

    zf = jnp.zeros((16,), jnp.float32)
    zi = jnp.zeros((16,), jnp.int32)

    @plsc.parallel_loop(0, _B // 16, unroll=4)
    def _zero(j):
      Sloc[pl.ds(j * 16, 16)] = zf
      Cloc[pl.ds(j * 16, 16)] = zi

    iota16 = lax.iota(jnp.int32, 16)
    pos = iota16 + 1
    lane15 = iota16 == 15

    def _accum(i):
      v = sbuf[pl.ds(i * 16, 16)]
      g = gbuf[pl.ds(i * 16, 16)]
      gn = gbuf[pl.ds(i * 16 + 1, 16)]
      c = plsc.cumsum(v)
      b = g != gn
      madd = b | lane15
      msub = b & (~lane15)
      plsc.addupdate_scatter(Sloc, [g], c, mask=madd)
      plsc.addupdate_scatter(Sloc, [gn], -c, mask=msub)
      plsc.addupdate_scatter(Cloc, [g], pos, mask=madd)
      plsc.addupdate_scatter(Cloc, [gn], -pos, mask=msub)

    _split = 504
    cp_sa.wait()
    cp_ga.wait()
    plsc.parallel_loop(0, _split, unroll=8)(_accum)
    cp_sb.wait()
    cp_gb.wait()
    plsc.parallel_loop(_split, _NG, unroll=8)(_accum)

    pltpu.sync_copy(Sloc, Ssh.at[sid])
    pltpu.sync_copy(Cloc, Csh.at[sid])
    plsc.subcore_barrier()

    @pl.when(sid < _B // 128)
    def _epilogue():
      col = sid * 128
      pltpu.sync_copy(Ssh.at[:, pl.ds(col, 128)], Stmp)
      pltpu.sync_copy(Csh.at[:, pl.ds(col, 128)], Ctmp)

      for k in range(128 // 16):
        acc_s = Stmp[0, pl.ds(k * 16, 16)]
        acc_c = Ctmp[0, pl.ds(k * 16, 16)]
        for r in range(1, _NS):
          acc_s = acc_s + Stmp[r, pl.ds(k * 16, 16)]
          acc_c = acc_c + Ctmp[r, pl.ds(k * 16, 16)]
        cf = acc_c.astype(jnp.float32)
        d = jnp.float32(3.0) * (cf - jnp.float32(1.0))
        wx = d * _L + jnp.float32(0.5) * (d * _Q) - jnp.float32(0.5) * d
        outv = cf * _WH + cf * wx + jnp.float32(0.5) * (_A2 * acc_s)
        obuf[pl.ds(k * 16, 16)] = outv

      pltpu.sync_copy(obuf, out_hbm.at[pl.ds(col, 128)])

  return _seg_kernel


def kernel(h, x, graph_indices):
    s = _node_sq(h, x).reshape(_N)
    return _build_seg_kernel()(s, graph_indices)

# --- scband reference (transcript-rebuilt; emitter-appended) ---
"""Pipeline reference for scband-variational-gaussian-diffusion-11922829214312 (READ-ONLY COPY).

The authoritative reference and input builder live on the scoring server;
editing this copy changes nothing except your own understanding.
"""

import jax, jax.numpy as jnp
import numpy as np

B = 1024
N = 262144
NODE_DIM = 20
X_DIM = 3
MIN_SIGNAL_RATE = 0.02
MAX_SIGNAL_RATE = 0.95


def gaussian_kl(mu_q, sigma_q, mu_p, sigma_p):
    # KL(N(mu_q, sigma_q^2) || N(mu_p, sigma_p^2)) summed over feature dim
    sigma_q = jnp.broadcast_to(sigma_q, mu_q.shape)
    sigma_p = jnp.broadcast_to(sigma_p, mu_q.shape)
    mu_p = jnp.broadcast_to(mu_p, mu_q.shape)
    kl = jnp.log(sigma_p / sigma_q) + 0.5 * (sigma_q ** 2 + (mu_q - mu_p) ** 2) / (sigma_p ** 2) - 0.5
    return jnp.sum(kl, axis=-1)


def gaussian_kl_subspace(mu_q, sigma_q, mu_p, sigma_p, d_sub):
    # KL over a d_sub-dimensional subspace (translation-invariant x subspace)
    d = jnp.squeeze(d_sub, axis=-1)
    sq = jnp.squeeze(sigma_q, axis=-1)
    sp = jnp.squeeze(sigma_p, axis=-1)
    mu_p = jnp.broadcast_to(mu_p, mu_q.shape)
    sq_norm = jnp.sum((mu_q - mu_p) ** 2, axis=-1)
    return d * jnp.log(sp / sq) + 0.5 * (d * sq ** 2 + sq_norm) / (sp ** 2) - 0.5 * d


def diffusion_schedule(t):
    start_angle = jnp.arccos(jnp.float32(MAX_SIGNAL_RATE))
    end_angle = jnp.arccos(jnp.float32(MIN_SIGNAL_RATE))
    angles = start_angle + t * (end_angle - start_angle)
    signal_rates = jnp.cos(angles)
    noise_rates = jnp.sin(angles)
    return signal_rates, noise_rates


def setup_inputs(seed: int = 0):
    key = jax.random.key(seed)
    k1, k2, k3 = jax.random.split(key, 3)
    h = jax.random.normal(k1, (N, NODE_DIM), dtype=jnp.float32)
    x = jax.random.normal(k2, (N, X_DIM), dtype=jnp.float32)
    graph_indices = jnp.sort(jax.random.randint(k3, (N,), 0, B, dtype=jnp.int32))
    return {"h": h, "x": x, "graph_indices": graph_indices}


def reference(h, x, graph_indices):
    # kl_prior of VariationalGaussianDiffusion with builtin schedule at t=1
    ones_t = jnp.ones((h.shape[0], 1), dtype=jnp.float32)
    alpha_1, sigma_1 = diffusion_schedule(ones_t)  # [N,1] each

    mu_1_h = alpha_1 * h
    mu_1_x = alpha_1 * x

    zeros_h = jnp.zeros_like(mu_1_h)
    ones_s = jnp.ones_like(sigma_1)
    kl_h = gaussian_kl(mu_1_h, sigma_1, zeros_h, ones_s)  # [N]
    kl_h = jax.ops.segment_sum(kl_h, graph_indices, num_segments=B)  # [B]

    num_nodes = jnp.bincount(graph_indices, length=B).astype(jnp.float32)[:, None]  # [B,1]
    d_sub = (num_nodes - 1.0) * X_DIM  # [B,1]
    d_sub = jnp.take(d_sub, graph_indices, axis=0)  # [N,1]

    zeros_x = jnp.zeros_like(mu_1_x)
    kl_x = gaussian_kl_subspace(mu_1_x, sigma_1, zeros_x, ones_s, d_sub)  # [N]
    kl_x = jax.ops.segment_sum(kl_x, graph_indices, num_segments=B)  # [B]

    return kl_h + kl_x

if __name__ == "__main__":
    import jax
    _d = setup_inputs()
    print(jax.jit(kernel)(*tuple(_d.values())))

</pallas_src>

<mosaic_0001>
#map = affine_map<(d0, d1) -> (0)>
module attributes {stable_mosaic.version = 14 : i64} {
  func.func @_seg_kernel(%arg0: i32, %arg1: i32, %arg2: memref<262144xf32, #tpu.memory_space<hbm>>, %arg3: memref<262144xi32, #tpu.memory_space<hbm>>, %arg4: memref<1024xf32, #tpu.memory_space<hbm>>, %arg5: memref<16384xf32, #tpu.memory_space<vmem>>, %arg6: memref<16400xi32, #tpu.memory_space<vmem>>, %arg7: memref<1024xf32, #tpu.memory_space<vmem>>, %arg8: memref<1024xi32, #tpu.memory_space<vmem>>, %arg9: memref<16x1024xf32, #tpu.memory_space<vmem_shared>>, %arg10: memref<16x1024xi32, #tpu.memory_space<vmem_shared>>, %arg11: memref<16x128xf32, #tpu.memory_space<vmem>>, %arg12: memref<16x128xi32, #tpu.memory_space<vmem>>, %arg13: memref<128xf32, #tpu.memory_space<vmem>>, %arg14: memref<!tpu.dma_semaphore, #tpu.memory_space<semaphore_mem>>, %arg15: memref<!tpu.dma_semaphore, #tpu.memory_space<semaphore_mem>>) attributes {dimension_semantics = [#tpu.dimension_semantics<core_parallel>, #tpu.dimension_semantics<subcore_parallel>], iteration_bounds = array<i64: 1, 16>, scalar_prefetch = 0 : i64, scratch_operands = 11 : i64, tpu.core_type = #tpu.core_type<sc_vector_subcore>, window_params = [{transform_indices = #map}, {transform_indices = #map}, {transform_indices = #map}]} {
    %mul3A = arith.constant 16384 : i32
    %mul3A_0 = arith.muli %arg1, %mul3A : i32
    %dma_start3A = arith.constant 0 : i32
    %dma_start3A_1 = tpu.memref_slice %arg5[%dma_start3A] : memref<16384xf32, #tpu.memory_space<vmem>> -> memref<8192xf32, #tpu.memory_space<vmem>>
    %dma_start3A_2 = tpu.memref_slice %arg2[%mul3A_0] : memref<262144xf32, #tpu.memory_space<hbm>> -> memref<8192xf32, #tpu.memory_space<hbm>>
    %dma_start3A_3 = arith.constant 0 : i32
    %dma_start3A_4 = tpu.memref_slice %arg5[%dma_start3A_3] : memref<16384xf32, #tpu.memory_space<vmem>> -> memref<8192xf32, #tpu.memory_space<vmem>>
    %dma_start3A_5 = tpu.memref_slice %arg2[%mul3A_0] : memref<262144xf32, #tpu.memory_space<hbm>> -> memref<8192xf32, #tpu.memory_space<hbm>>
    tpu.enqueue_dma source(%dma_start3A_5 : memref<8192xf32, #tpu.memory_space<hbm>>) target(%dma_start3A_4 : memref<8192xf32, #tpu.memory_space<vmem>>) target_semaphore(%arg14 : memref<!tpu.dma_semaphore, #tpu.memory_space<semaphore_mem>>)
    %dma_start3A_6 = arith.constant 0 : i32
    %dma_start3A_7 = tpu.memref_slice %arg6[%dma_start3A_6] : memref<16400xi32, #tpu.memory_space<vmem>> -> memref<8192xi32, #tpu.memory_space<vmem>>
    %dma_start3A_8 = tpu.memref_slice %arg3[%mul3A_0] : memref<262144xi32, #tpu.memory_space<hbm>> -> memref<8192xi32, #tpu.memory_space<hbm>>
    %dma_start3A_9 = arith.constant 0 : i32
    %dma_start3A_10 = tpu.memref_slice %arg6[%dma_start3A_9] : memref<16400xi32, #tpu.memory_space<vmem>> -> memref<8192xi32, #tpu.memory_space<vmem>>
    %dma_start3A_11 = tpu.memref_slice %arg3[%mul3A_0] : memref<262144xi32, #tpu.memory_space<hbm>> -> memref<8192xi32, #tpu.memory_space<hbm>>
    tpu.enqueue_dma source(%dma_start3A_11 : memref<8192xi32, #tpu.memory_space<hbm>>) target(%dma_start3A_10 : memref<8192xi32, #tpu.memory_space<vmem>>) target_semaphore(%arg14 : memref<!tpu.dma_semaphore, #tpu.memory_space<semaphore_mem>>)
    %add3A = arith.constant 8192 : i32
    %add3A_12 = arith.addi %mul3A_0, %add3A : i32
    %dma_start3A_13 = arith.constant 8192 : i32
    %dma_start3A_14 = tpu.memref_slice %arg5[%dma_start3A_13] : memref<16384xf32, #tpu.memory_space<vmem>> -> memref<8192xf32, #tpu.memory_space<vmem>>
    %dma_start3A_15 = tpu.memref_slice %arg2[%add3A_12] : memref<262144xf32, #tpu.memory_space<hbm>> -> memref<8192xf32, #tpu.memory_space<hbm>>
    %dma_start3A_16 = arith.constant 8192 : i32
    %dma_start3A_17 = tpu.memref_slice %arg5[%dma_start3A_16] : memref<16384xf32, #tpu.memory_space<vmem>> -> memref<8192xf32, #tpu.memory_space<vmem>>
    %dma_start3A_18 = tpu.memref_slice %arg2[%add3A_12] : memref<262144xf32, #tpu.memory_space<hbm>> -> memref<8192xf32, #tpu.memory_space<hbm>>
    tpu.enqueue_dma source(%dma_start3A_18 : memref<8192xf32, #tpu.memory_space<hbm>>) target(%dma_start3A_17 : memref<8192xf32, #tpu.memory_space<vmem>>) target_semaphore(%arg15 : memref<!tpu.dma_semaphore, #tpu.memory_space<semaphore_mem>>)
    %add3A_19 = arith.constant 8192 : i32
    %add3A_20 = arith.addi %mul3A_0, %add3A_19 : i32
    %dma_start3A_21 = arith.constant 8192 : i32
    %dma_start3A_22 = tpu.memref_slice %arg6[%dma_start3A_21] : memref<16400xi32, #tpu.memory_space<vmem>> -> memref<8192xi32, #tpu.memory_space<vmem>>
    %dma_start3A_23 = tpu.memref_slice %arg3[%add3A_20] : memref<262144xi32, #tpu.memory_space<hbm>> -> memref<8192xi32, #tpu.memory_space<hbm>>
    %dma_start3A_24 = arith.constant 8192 : i32
    %dma_start3A_25 = tpu.memref_slice %arg6[%dma_start3A_24] : memref<16400xi32, #tpu.memory_space<vmem>> -> memref<8192xi32, #tpu.memory_space<vmem>>
    %dma_start3A_26 = tpu.memref_slice %arg3[%add3A_20] : memref<262144xi32, #tpu.memory_space<hbm>> -> memref<8192xi32, #tpu.memory_space<hbm>>
    tpu.enqueue_dma source(%dma_start3A_26 : memref<8192xi32, #tpu.memory_space<hbm>>) target(%dma_start3A_25 : memref<8192xi32, #tpu.memory_space<vmem>>) target_semaphore(%arg15 : memref<!tpu.dma_semaphore, #tpu.memory_space<semaphore_mem>>)
    %broadcast_in_dim3A = arith.constant -1 : i32
    %broadcast_in_dim3A_27 = vector.broadcast %broadcast_in_dim3A : i32 to vector<16xi32>
    %swap3A = arith.constant 16384 : index
    %swap3A_28 = tpu.vector_load %arg6[%swap3A] {strides = array<i32>} : memref<16400xi32, #tpu.memory_space<vmem>>, vector<16xi32>,
    tpu.vector_store %arg6[%swap3A], %broadcast_in_dim3A_27 {strides = array<i32>} : memref<16400xi32, #tpu.memory_space<vmem>>, vector<16xi32>,
    %broadcast_in_dim3A_29 = arith.constant 0.000000e+00 : f32
    %broadcast_in_dim3A_30 = vector.broadcast %broadcast_in_dim3A_29 : f32 to vector<16xf32>
    %broadcast_in_dim3A_31 = arith.constant 0 : i32
    %broadcast_in_dim3A_32 = vector.broadcast %broadcast_in_dim3A_31 : i32 to vector<16xi32>
    %parallel_loop3A = arith.constant 0 : i32
    %parallel_loop3A_33 = arith.constant 64 : i32
    %parallel_loop3A_34 = arith.constant 1 : i32
    scf.for %parallel_loop3A_71 = %parallel_loop3A to %parallel_loop3A_33 step %parallel_loop3A_34  : i32 {
      %parallel_loop3A_72 = arith.constant 16 : i32
      %parallel_loop3A_73 = arith.muli %parallel_loop3A_71, %parallel_loop3A_72 : i32
      %parallel_loop3A_74 = arith.index_cast %parallel_loop3A_73 : i32 to index
      %parallel_loop3A_75 = tpu.vector_load %arg7[%parallel_loop3A_74] {strides = array<i32>} : memref<1024xf32, #tpu.memory_space<vmem>>, vector<16xf32>,
      tpu.vector_store %arg7[%parallel_loop3A_74], %broadcast_in_dim3A_30 {strides = array<i32>} : memref<1024xf32, #tpu.memory_space<vmem>>, vector<16xf32>,
      %parallel_loop3A_76 = arith.constant 16 : i32
      %parallel_loop3A_77 = arith.muli %parallel_loop3A_71, %parallel_loop3A_76 : i32
      %parallel_loop3A_78 = arith.index_cast %parallel_loop3A_77 : i32 to index
      %parallel_loop3A_79 = tpu.vector_load %arg8[%parallel_loop3A_78] {strides = array<i32>} : memref<1024xi32, #tpu.memory_space<vmem>>, vector<16xi32>,
      tpu.vector_store %arg8[%parallel_loop3A_78], %broadcast_in_dim3A_32 {strides = array<i32>} : memref<1024xi32, #tpu.memory_space<vmem>>, vector<16xi32>,
    } {sc.loop_unroll_factor = 4 : i64, sc.parallel_access}
    %iota3A = tpu.iota {dimensions = array<i32: 0>} : vector<16xi32>
    %add3A_35 = arith.constant 1 : i32
    %add3A_36 = vector.broadcast %add3A_35 : i32 to vector<16xi32>
    %add3A_37 = arith.addi %iota3A, %add3A_36 : vector<16xi32>
    %eq3A = arith.constant 15 : i32
    %eq3A_38 = vector.broadcast %eq3A : i32 to vector<16xi32>
    %eq3A_39 = arith.cmpi eq, %iota3A, %eq3A_38 : vector<16xi32>
    %dma_wait3A = arith.constant 0 : i32
    %dma_wait3A_40 = tpu.memref_slice %arg5[%dma_wait3A] : memref<16384xf32, #tpu.memory_space<vmem>> -> memref<8192xf32, #tpu.memory_space<vmem>>
    %dma_wait3A_41 = tpu.memref_slice %arg2[%mul3A_0] : memref<262144xf32, #tpu.memory_space<hbm>> -> memref<8192xf32, #tpu.memory_space<hbm>>
    %dma_wait3A_42 = arith.constant 0 : i32
    %dma_wait3A_43 = tpu.memref_slice %arg5[%dma_wait3A_42] : memref<16384xf32, #tpu.memory_space<vmem>> -> memref<8192xf32, #tpu.memory_space<vmem>>
    %dma_wait3A_44 = tpu.memref_slice %arg2[%mul3A_0] : memref<262144xf32, #tpu.memory_space<hbm>> -> memref<8192xf32, #tpu.memory_space<hbm>>
    tpu.wait_dma2 semaphore(%arg14 : memref<!tpu.dma_semaphore, #tpu.memory_space<semaphore_mem>>) src(%dma_wait3A_44 : memref<8192xf32, #tpu.memory_space<hbm>>) dst(%dma_wait3A_43 : memref<8192xf32, #tpu.memory_space<vmem>>)
    %dma_wait3A_45 = arith.constant 0 : i32
    %dma_wait3A_46 = tpu.memref_slice %arg6[%dma_wait3A_45] : memref<16400xi32, #tpu.memory_space<vmem>> -> memref<8192xi32, #tpu.memory_space<vmem>>
    %dma_wait3A_47 = tpu.memref_slice %arg3[%mul3A_0] : memref<262144xi32, #tpu.memory_space<hbm>> -> memref<8192xi32, #tpu.memory_space<hbm>>
    %dma_wait3A_48 = arith.constant 0 : i32
    %dma_wait3A_49 = tpu.memref_slice %arg6[%dma_wait3A_48] : memref<16400xi32, #tpu.memory_space<vmem>> -> memref<8192xi32, #tpu.memory_space<vmem>>
    %dma_wait3A_50 = tpu.memref_slice %arg3[%mul3A_0] : memref<262144xi32, #tpu.memory_space<hbm>> -> memref<8192xi32, #tpu.memory_space<hbm>>
    tpu.wait_dma2 semaphore(%arg14 : memref<!tpu.dma_semaphore, #tpu.memory_space<semaphore_mem>>) src(%dma_wait3A_50 : memref<8192xi32, #tpu.memory_space<hbm>>) dst(%dma_wait3A_49 : memref<8192xi32, #tpu.memory_space<vmem>>)
    %parallel_loop3A_51 = arith.constant 0 : i32
    %parallel_loop3A_52 = arith.constant 504 : i32
    %parallel_loop3A_53 = arith.constant 1 : i32
    scf.for %parallel_loop3A_71 = %parallel_loop3A_51 to %parallel_loop3A_52 step %parallel_loop3A_53  : i32 {
      %parallel_loop3A_72 = arith.constant 16 : i32
      %parallel_loop3A_73 = arith.muli %parallel_loop3A_71, %parallel_loop3A_72 : i32
      %parallel_loop3A_74 = arith.index_cast %parallel_loop3A_73 : i32 to index
      %parallel_loop3A_75 = tpu.vector_load %arg5[%parallel_loop3A_74] {strides = array<i32>} : memref<16384xf32, #tpu.memory_space<vmem>>, vector<16xf32>,
      %parallel_loop3A_76 = arith.constant 16 : i32
      %parallel_loop3A_77 = arith.muli %parallel_loop3A_71, %parallel_loop3A_76 : i32
      %parallel_loop3A_78 = arith.index_cast %parallel_loop3A_77 : i32 to index
      %parallel_loop3A_79 = tpu.vector_load %arg6[%parallel_loop3A_78] {strides = array<i32>} : memref<16400xi32, #tpu.memory_space<vmem>>, vector<16xi32>,
      %parallel_loop3A_80 = arith.constant 16 : i32
      %parallel_loop3A_81 = arith.muli %parallel_loop3A_71, %parallel_loop3A_80 : i32
      %parallel_loop3A_82 = arith.constant 1 : i32
      %parallel_loop3A_83 = arith.addi %parallel_loop3A_81, %parallel_loop3A_82 : i32
      %parallel_loop3A_84 = arith.index_cast %parallel_loop3A_83 : i32 to index
      %parallel_loop3A_85 = tpu.vector_load %arg6[%parallel_loop3A_84] {strides = array<i32>} : memref<16400xi32, #tpu.memory_space<vmem>>, vector<16xi32>,
      %parallel_loop3A_86 = arith.constant true
      %parallel_loop3A_87 = vector.broadcast %parallel_loop3A_86 : i1 to vector<16xi1>
      %parallel_loop3A_88 = tpu.scan <sum>, %parallel_loop3A_75 masked %parallel_loop3A_87 : vector<16xf32>, vector<16xi1> -> vector<16xf32>
      %parallel_loop3A_89 = arith.cmpi ne, %parallel_loop3A_79, %parallel_loop3A_85 : vector<16xi32>
      %parallel_loop3A_90 = arith.ori %parallel_loop3A_89, %eq3A_39 : vector<16xi1>
      %parallel_loop3A_91 = arith.constant dense<true> : vector<16xi1>
      %parallel_loop3A_92 = arith.xori %eq3A_39, %parallel_loop3A_91 : vector<16xi1>
      %parallel_loop3A_93 = arith.andi %parallel_loop3A_89, %parallel_loop3A_92 : vector<16xi1>
      tpu.vector_store_idx %arg7[%parallel_loop3A_79], %parallel_loop3A_88 masked %parallel_loop3A_90 {add = true} : memref<1024xf32, #tpu.memory_space<vmem>>[vector<16xi32>], vector<16xf32>, vector<16xi1>
      %parallel_loop3A_94 = arith.constant 0.000000e+00 : f32
      %parallel_loop3A_95 = vector.broadcast %parallel_loop3A_94 : f32 to vector<16xf32>
      %parallel_loop3A_96 = arith.subf %parallel_loop3A_95, %parallel_loop3A_88 : vector<16xf32>
      tpu.vector_store_idx %arg7[%parallel_loop3A_85], %parallel_loop3A_96 masked %parallel_loop3A_93 {add = true} : memref<1024xf32, #tpu.memory_space<vmem>>[vector<16xi32>], vector<16xf32>, vector<16xi1>
      tpu.vector_store_idx %arg8[%parallel_loop3A_79], %add3A_37 masked %parallel_loop3A_90 {add = true} : memref<1024xi32, #tpu.memory_space<vmem>>[vector<16xi32>], vector<16xi32>, vector<16xi1>
      %parallel_loop3A_97 = arith.constant 0 : i32
      %parallel_loop3A_98 = vector.broadcast %parallel_loop3A_97 : i32 to vector<16xi32>
      %parallel_loop3A_99 = arith.subi %parallel_loop3A_98, %add3A_37 : vector<16xi32>
      tpu.vector_store_idx %arg8[%parallel_loop3A_85], %parallel_loop3A_99 masked %parallel_loop3A_93 {add = true} : memref<1024xi32, #tpu.memory_space<vmem>>[vector<16xi32>], vector<16xi32>, vector<16xi1>
    } {sc.loop_unroll_factor = 8 : i64, sc.parallel_access}
    %dma_wait3A_54 = arith.constant 8192 : i32
    %dma_wait3A_55 = tpu.memref_slice %arg5[%dma_wait3A_54] : memref<16384xf32, #tpu.memory_space<vmem>> -> memref<8192xf32, #tpu.memory_space<vmem>>
    %dma_wait3A_56 = tpu.memref_slice %arg2[%add3A_12] : memref<262144xf32, #tpu.memory_space<hbm>> -> memref<8192xf32, #tpu.memory_space<hbm>>
    %dma_wait3A_57 = arith.constant 8192 : i32
    %dma_wait3A_58 = tpu.memref_slice %arg5[%dma_wait3A_57] : memref<16384xf32, #tpu.memory_space<vmem>> -> memref<8192xf32, #tpu.memory_space<vmem>>
    %dma_wait3A_59 = tpu.memref_slice %arg2[%add3A_12] : memref<262144xf32, #tpu.memory_space<hbm>> -> memref<8192xf32, #tpu.memory_space<hbm>>
    tpu.wait_dma2 semaphore(%arg15 : memref<!tpu.dma_semaphore, #tpu.memory_space<semaphore_mem>>) src(%dma_wait3A_59 : memref<8192xf32, #tpu.memory_space<hbm>>) dst(%dma_wait3A_58 : memref<8192xf32, #tpu.memory_space<vmem>>)
    %dma_wait3A_60 = arith.constant 8192 : i32
    %dma_wait3A_61 = tpu.memref_slice %arg6[%dma_wait3A_60] : memref<16400xi32, #tpu.memory_space<vmem>> -> memref<8192xi32, #tpu.memory_space<vmem>>
    %dma_wait3A_62 = tpu.memref_slice %arg3[%add3A_20] : memref<262144xi32, #tpu.memory_space<hbm>> -> memref<8192xi32, #tpu.memory_space<hbm>>
    %dma_wait3A_63 = arith.constant 8192 : i32
    %dma_wait3A_64 = tpu.memref_slice %arg6[%dma_wait3A_63] : memref<16400xi32, #tpu.memory_space<vmem>> -> memref<8192xi32, #tpu.memory_space<vmem>>
    %dma_wait3A_65 = tpu.memref_slice %arg3[%add3A_20] : memref<262144xi32, #tpu.memory_space<hbm>> -> memref<8192xi32, #tpu.memory_space<hbm>>
    tpu.wait_dma2 semaphore(%arg15 : memref<!tpu.dma_semaphore, #tpu.memory_space<semaphore_mem>>) src(%dma_wait3A_65 : memref<8192xi32, #tpu.memory_space<hbm>>) dst(%dma_wait3A_64 : memref<8192xi32, #tpu.memory_space<vmem>>)
    %parallel_loop3A_66 = arith.constant 504 : i32
    %parallel_loop3A_67 = arith.constant 1024 : i32
    %parallel_loop3A_68 = arith.constant 1 : i32
    scf.for %parallel_loop3A_71 = %parallel_loop3A_66 to %parallel_loop3A_67 step %parallel_loop3A_68  : i32 {
      %parallel_loop3A_72 = arith.constant 16 : i32
      %parallel_loop3A_73 = arith.muli %parallel_loop3A_71, %parallel_loop3A_72 : i32
      %parallel_loop3A_74 = arith.index_cast %parallel_loop3A_73 : i32 to index
      %parallel_loop3A_75 = tpu.vector_load %arg5[%parallel_loop3A_74] {strides = array<i32>} : memref<16384xf32, #tpu.memory_space<vmem>>, vector<16xf32>,
      %parallel_loop3A_76 = arith.constant 16 : i32
      %parallel_loop3A_77 = arith.muli %parallel_loop3A_71, %parallel_loop3A_76 : i32
      %parallel_loop3A_78 = arith.index_cast %parallel_loop3A_77 : i32 to index
      %parallel_loop3A_79 = tpu.vector_load %arg6[%parallel_loop3A_78] {strides = array<i32>} : memref<16400xi32, #tpu.memory_space<vmem>>, vector<16xi32>,
      %parallel_loop3A_80 = arith.constant 16 : i32
      %parallel_loop3A_81 = arith.muli %parallel_loop3A_71, %parallel_loop3A_80 : i32
      %parallel_loop3A_82 = arith.constant 1 : i32
      %parallel_loop3A_83 = arith.addi %parallel_loop3A_81, %parallel_loop3A_82 : i32
      %parallel_loop3A_84 = arith.index_cast %parallel_loop3A_83 : i32 to index
      %parallel_loop3A_85 = tpu.vector_load %arg6[%parallel_loop3A_84] {strides = array<i32>} : memref<16400xi32, #tpu.memory_space<vmem>>, vector<16xi32>,
      %parallel_loop3A_86 = arith.constant true
      %parallel_loop3A_87 = vector.broadcast %parallel_loop3A_86 : i1 to vector<16xi1>
      %parallel_loop3A_88 = tpu.scan <sum>, %parallel_loop3A_75 masked %parallel_loop3A_87 : vector<16xf32>, vector<16xi1> -> vector<16xf32>
      %parallel_loop3A_89 = arith.cmpi ne, %parallel_loop3A_79, %parallel_loop3A_85 : vector<16xi32>
      %parallel_loop3A_90 = arith.ori %parallel_loop3A_89, %eq3A_39 : vector<16xi1>
      %parallel_loop3A_91 = arith.constant dense<true> : vector<16xi1>
      %parallel_loop3A_92 = arith.xori %eq3A_39, %parallel_loop3A_91 : vector<16xi1>
      %parallel_loop3A_93 = arith.andi %parallel_loop3A_89, %parallel_loop3A_92 : vector<16xi1>
      tpu.vector_store_idx %arg7[%parallel_loop3A_79], %parallel_loop3A_88 masked %parallel_loop3A_90 {add = true} : memref<1024xf32, #tpu.memory_space<vmem>>[vector<16xi32>], vector<16xf32>, vector<16xi1>
      %parallel_loop3A_94 = arith.constant 0.000000e+00 : f32
      %parallel_loop3A_95 = vector.broadcast %parallel_loop3A_94 : f32 to vector<16xf32>
      %parallel_loop3A_96 = arith.subf %parallel_loop3A_95, %parallel_loop3A_88 : vector<16xf32>
      tpu.vector_store_idx %arg7[%parallel_loop3A_85], %parallel_loop3A_96 masked %parallel_loop3A_93 {add = true} : memref<1024xf32, #tpu.memory_space<vmem>>[vector<16xi32>], vector<16xf32>, vector<16xi1>
      tpu.vector_store_idx %arg8[%parallel_loop3A_79], %add3A_37 masked %parallel_loop3A_90 {add = true} : memref<1024xi32, #tpu.memory_space<vmem>>[vector<16xi32>], vector<16xi32>, vector<16xi1>
      %parallel_loop3A_97 = arith.constant 0 : i32
      %parallel_loop3A_98 = vector.broadcast %parallel_loop3A_97 : i32 to vector<16xi32>
      %parallel_loop3A_99 = arith.subi %parallel_loop3A_98, %add3A_37 : vector<16xi32>
      tpu.vector_store_idx %arg8[%parallel_loop3A_85], %parallel_loop3A_99 masked %parallel_loop3A_93 {add = true} : memref<1024xi32, #tpu.memory_space<vmem>>[vector<16xi32>], vector<16xi32>, vector<16xi1>
    } {sc.loop_unroll_factor = 8 : i64, sc.parallel_access}
    "tpu.region"() ({
      %run_scoped3A = tpu.sem_alloc : memref<!tpu.dma_semaphore, #tpu.memory_space<semaphore_mem>>
      %dma_start3A_71 = arith.constant 0 : i32
      %dma_start3A_72 = tpu.memref_slice %arg9[%arg1, %dma_start3A_71] : memref<16x1024xf32, #tpu.memory_space<vmem_shared>> -> memref<1x1024xf32, #tpu.memory_space<vmem_shared>>
      %dma_start3A_73 = tpu.memref_squeeze %dma_start3A_72 : memref<1x1024xf32, #tpu.memory_space<vmem_shared>> -> memref<1024xf32, #tpu.memory_space<vmem_shared>>
      %dma_start3A_74 = arith.constant 0 : i32
      %dma_start3A_75 = tpu.memref_slice %arg9[%arg1, %dma_start3A_74] : memref<16x1024xf32, #tpu.memory_space<vmem_shared>> -> memref<1x1024xf32, #tpu.memory_space<vmem_shared>>
      %dma_start3A_76 = tpu.memref_squeeze %dma_start3A_75 : memref<1x1024xf32, #tpu.memory_space<vmem_shared>> -> memref<1024xf32, #tpu.memory_space<vmem_shared>>
      tpu.enqueue_dma source(%arg7 : memref<1024xf32, #tpu.memory_space<vmem>>) target(%dma_start3A_76 : memref<1024xf32, #tpu.memory_space<vmem_shared>>) target_semaphore(%run_scoped3A : memref<!tpu.dma_semaphore, #tpu.memory_space<semaphore_mem>>)
      %dma_wait3A_77 = arith.constant 0 : i32
      %dma_wait3A_78 = tpu.memref_slice %arg9[%arg1, %dma_wait3A_77] : memref<16x1024xf32, #tpu.memory_space<vmem_shared>> -> memref<1x1024xf32, #tpu.memory_space<vmem_shared>>
      %dma_wait3A_79 = tpu.memref_squeeze %dma_wait3A_78 : memref<1x1024xf32, #tpu.memory_space<vmem_shared>> -> memref<1024xf32, #tpu.memory_space<vmem_shared>>
      %dma_wait3A_80 = arith.constant 0 : i32
      %dma_wait3A_81 = tpu.memref_slice %arg9[%arg1, %dma_wait3A_80] : memref<16x1024xf32, #tpu.memory_space<vmem_shared>> -> memref<1x1024xf32, #tpu.memory_space<vmem_shared>>
      %dma_wait3A_82 = tpu.memref_squeeze %dma_wait3A_81 : memref<1x1024xf32, #tpu.memory_space<vmem_shared>> -> memref<1024xf32, #tpu.memory_space<vmem_shared>>
      tpu.wait_dma2 semaphore(%run_scoped3A : memref<!tpu.dma_semaphore, #tpu.memory_space<semaphore_mem>>) src(%arg7 : memref<1024xf32, #tpu.memory_space<vmem>>) dst(%dma_wait3A_82 : memref<1024xf32, #tpu.memory_space<vmem_shared>>)
      tpu.yield
    }) : () -> ()
    "tpu.region"() ({
      %run_scoped3A = tpu.sem_alloc : memref<!tpu.dma_semaphore, #tpu.memory_space<semaphore_mem>>
      %dma_start3A_71 = arith.constant 0 : i32
      %dma_start3A_72 = tpu.memref_slice %arg10[%arg1, %dma_start3A_71] : memref<16x1024xi32, #tpu.memory_space<vmem_shared>> -> memref<1x1024xi32, #tpu.memory_space<vmem_shared>>
      %dma_start3A_73 = tpu.memref_squeeze %dma_start3A_72 : memref<1x1024xi32, #tpu.memory_space<vmem_shared>> -> memref<1024xi32, #tpu.memory_space<vmem_shared>>
      %dma_start3A_74 = arith.constant 0 : i32
      %dma_start3A_75 = tpu.memref_slice %arg10[%arg1, %dma_start3A_74] : memref<16x1024xi32, #tpu.memory_space<vmem_shared>> -> memref<1x1024xi32, #tpu.memory_space<vmem_shared>>
      %dma_start3A_76 = tpu.memref_squeeze %dma_start3A_75 : memref<1x1024xi32, #tpu.memory_space<vmem_shared>> -> memref<1024xi32, #tpu.memory_space<vmem_shared>>
      tpu.enqueue_dma source(%arg8 : memref<1024xi32, #tpu.memory_space<vmem>>) target(%dma_start3A_76 : memref<1024xi32, #tpu.memory_space<vmem_shared>>) target_semaphore(%run_scoped3A : memref<!tpu.dma_semaphore, #tpu.memory_space<semaphore_mem>>)
      %dma_wait3A_77 = arith.constant 0 : i32
      %dma_wait3A_78 = tpu.memref_slice %arg10[%arg1, %dma_wait3A_77] : memref<16x1024xi32, #tpu.memory_space<vmem_shared>> -> memref<1x1024xi32, #tpu.memory_space<vmem_shared>>
      %dma_wait3A_79 = tpu.memref_squeeze %dma_wait3A_78 : memref<1x1024xi32, #tpu.memory_space<vmem_shared>> -> memref<1024xi32, #tpu.memory_space<vmem_shared>>
      %dma_wait3A_80 = arith.constant 0 : i32
      %dma_wait3A_81 = tpu.memref_slice %arg10[%arg1, %dma_wait3A_80] : memref<16x1024xi32, #tpu.memory_space<vmem_shared>> -> memref<1x1024xi32, #tpu.memory_space<vmem_shared>>
      %dma_wait3A_82 = tpu.memref_squeeze %dma_wait3A_81 : memref<1x1024xi32, #tpu.memory_space<vmem_shared>> -> memref<1024xi32, #tpu.memory_space<vmem_shared>>
      tpu.wait_dma2 semaphore(%run_scoped3A : memref<!tpu.dma_semaphore, #tpu.memory_space<semaphore_mem>>) src(%arg8 : memref<1024xi32, #tpu.memory_space<vmem>>) dst(%dma_wait3A_82 : memref<1024xi32, #tpu.memory_space<vmem_shared>>)
      tpu.yield
    }) : () -> ()
    %barrier3A = arith.constant 0 : index
    tpu.barrier barrier_id(%barrier3A)
    %lt3A = arith.constant 8 : i32
    %lt3A_69 = arith.cmpi slt, %arg1, %lt3A : i32
    %convert_element_type3A = arith.extui %lt3A_69 : i1 to i32
    %cond3A = arith.constant 0 : i32
    %cond3A_70 = arith.cmpi ne, %convert_element_type3A, %cond3A : i32
    scf.if %cond3A_70 {
      %mul3A_71 = arith.constant 128 : i32
      %mul3A_72 = arith.muli %arg1, %mul3A_71 : i32
      "tpu.region"() ({
        %run_scoped3A = tpu.sem_alloc : memref<!tpu.dma_semaphore, #tpu.memory_space<semaphore_mem>>
        %dma_start3A_1615 = arith.constant 0 : i32
        %dma_start3A_1616 = tpu.memref_slice %arg9[%dma_start3A_1615, %mul3A_72] : memref<16x1024xf32, #tpu.memory_space<vmem_shared>> -> memref<16x128xf32, #tpu.memory_space<vmem_shared>>
        %dma_start3A_1617 = arith.constant 0 : i32
        %dma_start3A_1618 = tpu.memref_slice %arg9[%dma_start3A_1617, %mul3A_72] : memref<16x1024xf32, #tpu.memory_space<vmem_shared>> -> memref<16x128xf32, #tpu.memory_space<vmem_shared>>
        tpu.enqueue_dma source(%dma_start3A_1618 : memref<16x128xf32, #tpu.memory_space<vmem_shared>>) target(%arg11 : memref<16x128xf32, #tpu.memory_space<vmem>>) target_semaphore(%run_scoped3A : memref<!tpu.dma_semaphore, #tpu.memory_space<semaphore_mem>>)
        %dma_wait3A_1619 = arith.constant 0 : i32
        %dma_wait3A_1620 = tpu.memref_slice %arg9[%dma_wait3A_1619, %mul3A_72] : memref<16x1024xf32, #tpu.memory_space<vmem_shared>> -> memref<16x128xf32, #tpu.memory_space<vmem_shared>>
        %dma_wait3A_1621 = arith.constant 0 : i32
        %dma_wait3A_1622 = tpu.memref_slice %arg9[%dma_wait3A_1621, %mul3A_72] : memref<16x1024xf32, #tpu.memory_space<vmem_shared>> -> memref<16x128xf32, #tpu.memory_space<vmem_shared>>
        tpu.wait_dma2 semaphore(%run_scoped3A : memref<!tpu.dma_semaphore, #tpu.memory_space<semaphore_mem>>) src(%dma_wait3A_1622 : memref<16x128xf32, #tpu.memory_space<vmem_shared>>) dst(%arg11 : memref<16x128xf32, #tpu.memory_space<vmem>>)
        tpu.yield
      }) : () -> ()
      "tpu.region"() ({
        %run_scoped3A = tpu.sem_alloc : memref<!tpu.dma_semaphore, #tpu.memory_space<semaphore_mem>>
        %dma_start3A_1615 = arith.constant 0 : i32
        %dma_start3A_1616 = tpu.memref_slice %arg10[%dma_start3A_1615, %mul3A_72] : memref<16x1024xi32, #tpu.memory_space<vmem_shared>> -> memref<16x128xi32, #tpu.memory_space<vmem_shared>>
        %dma_start3A_1617 = arith.constant 0 : i32
        %dma_start3A_1618 = tpu.memref_slice %arg10[%dma_start3A_1617, %mul3A_72] : memref<16x1024xi32, #tpu.memory_space<vmem_shared>> -> memref<16x128xi32, #tpu.memory_space<vmem_shared>>
        tpu.enqueue_dma source(%dma_start3A_1618 : memref<16x128xi32, #tpu.memory_space<vmem_shared>>) target(%arg12 : memref<16x128xi32, #tpu.memory_space<vmem>>) target_semaphore(%run_scoped3A : memref<!tpu.dma_semaphore, #tpu.memory_space<semaphore_mem>>)
        %dma_wait3A_1619 = arith.constant 0 : i32
        %dma_wait3A_1620 = tpu.memref_slice %arg10[%dma_wait3A_1619, %mul3A_72] : memref<16x1024xi32, #tpu.memory_space<vmem_shared>> -> memref<16x128xi32, #tpu.memory_space<vmem_shared>>
        %dma_wait3A_1621 = arith.constant 0 : i32
        %dma_wait3A_1622 = tpu.memref_slice %arg10[%dma_wait3A_1621, %mul3A_72] : memref<16x1024xi32, #tpu.memory_space<vmem_shared>> -> memref<16x128xi32, #tpu.memory_space<vmem_shared>>
        tpu.wait_dma2 semaphore(%run_scoped3A : memref<!tpu.dma_semaphore, #tpu.memory_space<semaphore_mem>>) src(%dma_wait3A_1622 : memref<16x128xi32, #tpu.memory_space<vmem_shared>>) dst(%arg12 : memref<16x128xi32, #tpu.memory_space<vmem>>)
        tpu.yield
      }) : () -> ()
      %get3A = arith.constant 0 : i32
      %get3A_73 = arith.index_cast %get3A : i32 to index
      %get3A_74 = arith.constant 0 : index
      %get3A_75 = tpu.vector_load %arg11[%get3A_73, %get3A_74] {strides = array<i32>} : memref<16x128xf32, #tpu.memory_space<vmem>>, vector<16xf32>,
      %get3A_76 = arith.constant 0 : i32
      %get3A_77 = arith.index_cast %get3A_76 : i32 to index
      %get3A_78 = arith.constant 0 : index
      %get3A_79 = tpu.vector_load %arg12[%get3A_77, %get3A_78] {strides = array<i32>} : memref<16x128xi32, #tpu.memory_space<vmem>>, vector<16xi32>,
      %get3A_80 = arith.constant 1 : i32
      %get3A_81 = arith.index_cast %get3A_80 : i32 to index
      %get3A_82 = arith.constant 0 : index
      %get3A_83 = tpu.vector_load %arg11[%get3A_81, %get3A_82] {strides = array<i32>} : memref<16x128xf32, #tpu.memory_space<vmem>>, vector<16xf32>,
      %add3A_84 = arith.addf %get3A_75, %get3A_83 : vector<16xf32>
      %get3A_85 = arith.constant 1 : i32
      %get3A_86 = arith.index_cast %get3A_85 : i32 to index
      %get3A_87 = arith.constant 0 : index
      %get3A_88 = tpu.vector_load %arg12[%get3A_86, %get3A_87] {strides = array<i32>} : memref<16x128xi32, #tpu.memory_space<vmem>>, vector<16xi32>,
      %add3A_89 = arith.addi %get3A_79, %get3A_88 : vector<16xi32>
      %get3A_90 = arith.constant 2 : i32
      %get3A_91 = arith.index_cast %get3A_90 : i32 to index
      %get3A_92 = arith.constant 0 : index
      %get3A_93 = tpu.vector_load %arg11[%get3A_91, %get3A_92] {strides = array<i32>} : memref<16x128xf32, #tpu.memory_space<vmem>>, vector<16xf32>,
      %add3A_94 = arith.addf %add3A_84, %get3A_93 : vector<16xf32>
      %get3A_95 = arith.constant 2 : i32
      %get3A_96 = arith.index_cast %get3A_95 : i32 to index
      %get3A_97 = arith.constant 0 : index
      %get3A_98 = tpu.vector_load %arg12[%get3A_96, %get3A_97] {strides = array<i32>} : memref<16x128xi32, #tpu.memory_space<vmem>>, vector<16xi32>,
      %add3A_99 = arith.addi %add3A_89, %get3A_98 : vector<16xi32>
      %get3A_100 = arith.constant 3 : i32
      %get3A_101 = arith.index_cast %get3A_100 : i32 to index
      %get3A_102 = arith.constant 0 : index
      %get3A_103 = tpu.vector_load %arg11[%get3A_101, %get3A_102] {strides = array<i32>} : memref<16x128xf32, #tpu.memory_space<vmem>>, vector<16xf32>,
      %add3A_104 = arith.addf %add3A_94, %get3A_103 : vector<16xf32>
      %get3A_105 = arith.constant 3 : i32
      %get3A_106 = arith.index_cast %get3A_105 : i32 to index
      %get3A_107 = arith.constant 0 : index
      %get3A_108 = tpu.vector_load %arg12[%get3A_106, %get3A_107] {strides = array<i32>} : memref<16x128xi32, #tpu.memory_space<vmem>>, vector<16xi32>,
      %add3A_109 = arith.addi %add3A_99, %get3A_108 : vector<16xi32>
      %get3A_110 = arith.constant 4 : i32
      %get3A_111 = arith.index_cast %get3A_110 : i32 to index
      %get3A_112 = arith.constant 0 : index
      %get3A_113 = tpu.vector_load %arg11[%get3A_111, %get3A_112] {strides = array<i32>} : memref<16x128xf32, #tpu.memory_space<vmem>>, vector<16xf32>,
      %add3A_114 = arith.addf %add3A_104, %get3A_113 : vector<16xf32>
      %get3A_115 = arith.constant 4 : i32
      %get3A_116 = arith.index_cast %get3A_115 : i32 to index
      %get3A_117 = arith.constant 0 : index
      %get3A_118 = tpu.vector_load %arg12[%get3A_116, %get3A_117] {strides = array<i32>} : memref<16x128xi32, #tpu.memory_space<vmem>>, vector<16xi32>,
      %add3A_119 = arith.addi %add3A_109, %get3A_118 : vector<16xi32>
      %get3A_120 = arith.constant 5 : i32
      %get3A_121 = arith.index_cast %get3A_120 : i32 to index
      %get3A_122 = arith.constant 0 : index
      %get3A_123 = tpu.vector_load %arg11[%get3A_121, %get3A_122] {strides = array<i32>} : memref<16x128xf32, #tpu.memory_space<vmem>>, vector<16xf32>,
      %add3A_124 = arith.addf %add3A_114, %get3A_123 : vector<16xf32>
      %get3A_125 = arith.constant 5 : i32
      %get3A_126 = arith.index_cast %get3A_125 : i32 to index
      %get3A_127 = arith.constant 0 : index
      %get3A_128 = tpu.vector_load %arg12[%get3A_126, %get3A_127] {strides = array<i32>} : memref<16x128xi32, #tpu.memory_space<vmem>>, vector<16xi32>,
      %add3A_129 = arith.addi %add3A_119, %get3A_128 : vector<16xi32>
      %get3A_130 = arith.constant 6 : i32
      %get3A_131 = arith.index_cast %get3A_130 : i32 to index
      %get3A_132 = arith.constant 0 : index
      %get3A_133 = tpu.vector_load %arg11[%get3A_131, %get3A_132] {strides = array<i32>} : memref<16x128xf32, #tpu.memory_space<vmem>>, vector<16xf32>,
      %add3A_134 = arith.addf %add3A_124, %get3A_133 : vector<16xf32>
      %get3A_135 = arith.constant 6 : i32
      %get3A_136 = arith.index_cast %get3A_135 : i32 to index
      %get3A_137 = arith.constant 0 : index
      %get3A_138 = tpu.vector_load %arg12[%get3A_136, %get3A_137] {strides = array<i32>} : memref<16x128xi32, #tpu.memory_space<vmem>>, vector<16xi32>,
      %add3A_139 = arith.addi %add3A_129, %get3A_138 : vector<16xi32>
      %get3A_140 = arith.constant 7 : i32
      %get3A_141 = arith.index_cast %get3A_140 : i32 to index
      %get3A_142 = arith.constant 0 : index
      %get3A_143 = tpu.vector_load %arg11[%get3A_141, %get3A_142] {strides = array<i32>} : memref<16x128xf32, #tpu.memory_space<vmem>>, vector<16xf32>,
      %add3A_144 = arith.addf %add3A_134, %get3A_143 : vector<16xf32>
      %get3A_145 = arith.constant 7 : i32
      %get3A_146 = arith.index_cast %get3A_145 : i32 to index
      %get3A_147 = arith.constant 0 : index
      %get3A_148 = tpu.vector_load %arg12[%get3A_146, %get3A_147] {strides = array<i32>} : memref<16x128xi32, #tpu.memory_space<vmem>>, vector<16xi32>,
      %add3A_149 = arith.addi %add3A_139, %get3A_148 : vector<16xi32>
      %get3A_150 = arith.constant 8 : i32
      %get3A_151 = arith.index_cast %get3A_150 : i32 to index
      %get3A_152 = arith.constant 0 : index
      %get3A_153 = tpu.vector_load %arg11[%get3A_151, %get3A_152] {strides = array<i32>} : memref<16x128xf32, #tpu.memory_space<vmem>>, vector<16xf32>,
      %add3A_154 = arith.addf %add3A_144, %get3A_153 : vector<16xf32>
      %get3A_155 = arith.constant 8 : i32
      %get3A_156 = arith.index_cast %get3A_155 : i32 to index
      %get3A_157 = arith.constant 0 : index
      %get3A_158 = tpu.vector_load %arg12[%get3A_156, %get3A_157] {strides = array<i32>} : memref<16x128xi32, #tpu.memory_space<vmem>>, vector<16xi32>,
      %add3A_159 = arith.addi %add3A_149, %get3A_158 : vector<16xi32>
      %get3A_160 = arith.constant 9 : i32
      %get3A_161 = arith.index_cast %get3A_160 : i32 to index
      %get3A_162 = arith.constant 0 : index
      %get3A_163 = tpu.vector_load %arg11[%get3A_161, %get3A_162] {strides = array<i32>} : memref<16x128xf32, #tpu.memory_space<vmem>>, vector<16xf32>,
      %add3A_164 = arith.addf %add3A_154, %get3A_163 : vector<16xf32>
      %get3A_165 = arith.constant 9 : i32
      %get3A_166 = arith.index_cast %get3A_165 : i32 to index
      %get3A_167 = arith.constant 0 : index
      %get3A_168 = tpu.vector_load %arg12[%get3A_166, %get3A_167] {strides = array<i32>} : memref<16x128xi32, #tpu.memory_space<vmem>>, vector<16xi32>,
      %add3A_169 = arith.addi %add3A_159, %get3A_168 : vector<16xi32>
      %get3A_170 = arith.constant 10 : i32
      %get3A_171 = arith.index_cast %get3A_170 : i32 to index
      %get3A_172 = arith.constant 0 : index
      %get3A_173 = tpu.vector_load %arg11[%get3A_171, %get3A_172] {strides = array<i32>} : memref<16x128xf32, #tpu.memory_space<vmem>>, vector<16xf32>,
      %add3A_174 = arith.addf %add3A_164, %get3A_173 : vector<16xf32>
      %get3A_175 = arith.constant 10 : i32
      %get3A_176 = arith.index_cast %get3A_175 : i32 to index
      %get3A_177 = arith.constant 0 : index
      %get3A_178 = tpu.vector_load %arg12[%get3A_176, %get3A_177] {strides = array<i32>} : memref<16x128xi32, #tpu.memory_space<vmem>>, vector<16xi32>,
      %add3A_179 = arith.addi %add3A_169, %get3A_178 : vector<16xi32>
      %get3A_180 = arith.constant 11 : i32
      %get3A_181 = arith.index_cast %get3A_180 : i32 to index
      %get3A_182 = arith.constant 0 : index
      %get3A_183 = tpu.vector_load %arg11[%get3A_181, %get3A_182] {strides = array<i32>} : memref<16x128xf32, #tpu.memory_space<vmem>>, vector<16xf32>,
      %add3A_184 = arith.addf %add3A_174, %get3A_183 : vector<16xf32>
      %get3A_185 = arith.constant 11 : i32
      %get3A_186 = arith.index_cast %get3A_185 : i32 to index
      %get3A_187 = arith.constant 0 : index
      %get3A_188 = tpu.vector_load %arg12[%get3A_186, %get3A_187] {strides = array<i32>} : memref<16x128xi32, #tpu.memory_space<vmem>>, vector<16xi32>,
      %add3A_189 = arith.addi %add3A_179, %get3A_188 : vector<16xi32>
      %get3A_190 = arith.constant 12 : i32
      %get3A_191 = arith.index_cast %get3A_190 : i32 to index
      %get3A_192 = arith.constant 0 : index
      %get3A_193 = tpu.vector_load %arg11[%get3A_191, %get3A_192] {strides = array<i32>} : memref<16x128xf32, #tpu.memory_space<vmem>>, vector<16xf32>,
      %add3A_194 = arith.addf %add3A_184, %get3A_193 : vector<16xf32>
      %get3A_195 = arith.constant 12 : i32
      %get3A_196 = arith.index_cast %get3A_195 : i32 to index
      %get3A_197 = arith.constant 0 : index
      %get3A_198 = tpu.vector_load %arg12[%get3A_196, %get3A_197] {strides = array<i32>} : memref<16x128xi32, #tpu.memory_space<vmem>>, vector<16xi32>,
      %add3A_199 = arith.addi %add3A_189, %get3A_198 : vector<16xi32>
      %get3A_200 = arith.constant 13 : i32
      %get3A_201 = arith.index_cast %get3A_200 : i32 to index
      %get3A_202 = arith.constant 0 : index
      %get3A_203 = tpu.vector_load %arg11[%get3A_201, %get3A_202] {strides = array<i32>} : memref<16x128xf32, #tpu.memory_space<vmem>>, vector<16xf32>,
      %add3A_204 = arith.addf %add3A_194, %get3A_203 : vector<16xf32>
      %get3A_205 = arith.constant 13 : i32
      %get3A_206 = arith.index_cast %get3A_205 : i32 to index
      %get3A_207 = arith.constant 0 : index
      %get3A_208 = tpu.vector_load %arg12[%get3A_206, %get3A_207] {strides = array<i32>} : memref<16x128xi32, #tpu.memory_space<vmem>>, vector<16xi32>,
      %add3A_209 = arith.addi %add3A_199, %get3A_208 : vector<16xi32>
      %get3A_210 = arith.constant 14 : i32
      %get3A_211 = arith.index_cast %get3A_210 : i32 to index
      %get3A_212 = arith.constant 0 : index
      %get3A_213 = tpu.vector_load %arg11[%get3A_211, %get3A_212] {strides = array<i32>} : memref<16x128xf32, #tpu.memory_space<vmem>>, vector<16xf32>,
      %add3A_214 = arith.addf %add3A_204, %get3A_213 : vector<16xf32>
      %get3A_215 = arith.constant 14 : i32
      %get3A_216 = arith.index_cast %get3A_215 : i32 to index
      %get3A_217 = arith.constant 0 : index
      %get3A_218 = tpu.vector_load %arg12[%get3A_216, %get3A_217] {strides = array<i32>} : memref<16x128xi32, #tpu.memory_space<vmem>>, vector<16xi32>,
      %add3A_219 = arith.addi %add3A_209, %get3A_218 : vector<16xi32>
      %get3A_220 = arith.constant 15 : i32
      %get3A_221 = arith.index_cast %get3A_220 : i32 to index
      %get3A_222 = arith.constant 0 : index
      %get3A_223 = tpu.vector_load %arg11[%get3A_221, %get3A_222] {strides = array<i32>} : memref<16x128xf32, #tpu.memory_space<vmem>>, vector<16xf32>,
      %add3A_224 = arith.addf %add3A_214, %get3A_223 : vector<16xf32>
      %get3A_225 = arith.constant 15 : i32
      %get3A_226 = arith.index_cast %get3A_225 : i32 to index
      %get3A_227 = arith.constant 0 : index
      %get3A_228 = tpu.vector_load %arg12[%get3A_226, %get3A_227] {strides = array<i32>} : memref<16x128xi32, #tpu.memory_space<vmem>>, vector<16xi32>,
      %add3A_229 = arith.addi %add3A_219, %get3A_228 : vector<16xi32>
      %convert_element_type3A_230 = arith.sitofp %add3A_229 : vector<16xi32> to vector<16xf32>
      %sub3A = arith.constant 1.000000e+00 : f32
      %sub3A_231 = vector.broadcast %sub3A : f32 to vector<16xf32>
      %sub3A_232 = arith.subf %convert_element_type3A_230, %sub3A_231 : vector<16xf32>
      %mul3A_233 = arith.constant 3.000000e+00 : f32
      %mul3A_234 = vector.broadcast %mul3A_233 : f32 to vector<16xf32>
      %mul3A_235 = arith.mulf %mul3A_234, %sub3A_232 : vector<16xf32>
      %mul3A_236 = arith.constant 2.00013194E-4 : f32
      %mul3A_237 = vector.broadcast %mul3A_236 : f32 to vector<16xf32>
      %mul3A_238 = arith.mulf %mul3A_235, %mul3A_237 : vector<16xf32>
      %mul3A_239 = arith.constant 0.999599993 : f32
      %mul3A_240 = vector.broadcast %mul3A_239 : f32 to vector<16xf32>
      %mul3A_241 = arith.mulf %mul3A_235, %mul3A_240 : vector<16xf32>
      %mul3A_242 = arith.constant 5.000000e-01 : f32
      %mul3A_243 = vector.broadcast %mul3A_242 : f32 to vector<16xf32>
      %mul3A_244 = arith.mulf %mul3A_243, %mul3A_241 : vector<16xf32>
      %add3A_245 = arith.addf %mul3A_238, %mul3A_244 : vector<16xf32>
      %mul3A_246 = arith.constant 5.000000e-01 : f32
      %mul3A_247 = vector.broadcast %mul3A_246 : f32 to vector<16xf32>
      %mul3A_248 = arith.mulf %mul3A_247, %mul3A_235 : vector<16xf32>
      %sub3A_249 = arith.subf %add3A_245, %mul3A_248 : vector<16xf32>
      %mul3A_250 = arith.constant 0.000000e+00 : f32
      %mul3A_251 = vector.broadcast %mul3A_250 : f32 to vector<16xf32>
      %mul3A_252 = arith.mulf %convert_element_type3A_230, %mul3A_251 : vector<16xf32>
      %mul3A_253 = arith.mulf %convert_element_type3A_230, %sub3A_249 : vector<16xf32>
      %add3A_254 = arith.addf %mul3A_252, %mul3A_253 : vector<16xf32>
      %mul3A_255 = arith.constant 3.99996643E-4 : f32
      %mul3A_256 = vector.broadcast %mul3A_255 : f32 to vector<16xf32>
      %mul3A_257 = arith.mulf %mul3A_256, %add3A_224 : vector<16xf32>
      %mul3A_258 = arith.constant 5.000000e-01 : f32
      %mul3A_259 = vector.broadcast %mul3A_258 : f32 to vector<16xf32>
      %mul3A_260 = arith.mulf %mul3A_259, %mul3A_257 : vector<16xf32>
      %add3A_261 = arith.addf %add3A_254, %mul3A_260 : vector<16xf32>
      %swap3A_262 = arith.constant 0 : index
      %swap3A_263 = tpu.vector_load %arg13[%swap3A_262] {strides = array<i32>} : memref<128xf32, #tpu.memory_space<vmem>>, vector<16xf32>,
      tpu.vector_store %arg13[%swap3A_262], %add3A_261 {strides = array<i32>} : memref<128xf32, #tpu.memory_space<vmem>>, vector<16xf32>,
      %get3A_264 = arith.constant 0 : i32
      %get3A_265 = arith.index_cast %get3A_264 : i32 to index
      %get3A_266 = arith.constant 16 : index
      %get3A_267 = tpu.vector_load %arg11[%get3A_265, %get3A_266] {strides = array<i32>} : memref<16x128xf32, #tpu.memory_space<vmem>>, vector<16xf32>,
      %get3A_268 = arith.constant 0 : i32
      %get3A_269 = arith.index_cast %get3A_268 : i32 to index
      %get3A_270 = arith.constant 16 : index
      %get3A_271 = tpu.vector_load %arg12[%get3A_269, %get3A_270] {strides = array<i32>} : memref<16x128xi32, #tpu.memory_space<vmem>>, vector<16xi32>,
      %get3A_272 = arith.constant 1 : i32
      %get3A_273 = arith.index_cast %get3A_272 : i32 to index
      %get3A_274 = arith.constant 16 : index
      %get3A_275 = tpu.vector_load %arg11[%get3A_273, %get3A_274] {strides = array<i32>} : memref<16x128xf32, #tpu.memory_space<vmem>>, vector<16xf32>,
      %add3A_276 = arith.addf %get3A_267, %get3A_275 : vector<16xf32>
      %get3A_277 = arith.constant 1 : i32
      %get3A_278 = arith.index_cast %get3A_277 : i32 to index
      %get3A_279 = arith.constant 16 : index
      %get3A_280 = tpu.vector_load %arg12[%get3A_278, %get3A_279] {strides = array<i32>} : memref<16x128xi32, #tpu.memory_space<vmem>>, vector<16xi32>,
      %add3A_281 = arith.addi %get3A_271, %get3A_280 : vector<16xi32>
      %get3A_282 = arith.constant 2 : i32
      %get3A_283 = arith.index_cast %get3A_282 : i32 to index
      %get3A_284 = arith.constant 16 : index
      %get3A_285 = tpu.vector_load %arg11[%get3A_283, %get3A_284] {strides = array<i32>} : memref<16x128xf32, #tpu.memory_space<vmem>>, vector<16xf32>,
      %add3A_286 = arith.addf %add3A_276, %get3A_285 : vector<16xf32>
      %get3A_287 = arith.constant 2 : i32
      %get3A_288 = arith.index_cast %get3A_287 : i32 to index
      %get3A_289 = arith.constant 16 : index
      %get3A_290 = tpu.vector_load %arg12[%get3A_288, %get3A_289] {strides = array<i32>} : memref<16x128xi32, #tpu.memory_space<vmem>>, vector<16xi32>,
      %add3A_291 = arith.addi %add3A_281, %get3A_290 : vector<16xi32>
      %get3A_292 = arith.constant 3 : i32
      %get3A_293 = arith.index_cast %get3A_292 : i32 to index
      %get3A_294 = arith.constant 16 : index
      %get3A_295 = tpu.vector_load %arg11[%get3A_293, %get3A_294] {strides = array<i32>} : memref<16x128xf32, #tpu.memory_space<vmem>>, vector<16xf32>,
      %add3A_296 = arith.addf %add3A_286, %get3A_295 : vector<16xf32>
      %get3A_297 = arith.constant 3 : i32
      %get3A_298 = arith.index_cast %get3A_297 : i32 to index
      %get3A_299 = arith.constant 16 : index
      %get3A_300 = tpu.vector_load %arg12[%get3A_298, %get3A_299] {strides = array<i32>} : memref<16x128xi32, #tpu.memory_space<vmem>>, vector<16xi32>,
      %add3A_301 = arith.addi %add3A_291, %get3A_300 : vector<16xi32>
      %get3A_302 = arith.constant 4 : i32
      %get3A_303 = arith.index_cast %get3A_302 : i32 to index
      %get3A_304 = arith.constant 16 : index
      %get3A_305 = tpu.vector_load %arg11[%get3A_303, %get3A_304] {strides = array<i32>} : memref<16x128xf32, #tpu.memory_space<vmem>>, vector<16xf32>,
      %add3A_306 = arith.addf %add3A_296, %get3A_305 : vector<16xf32>
      %get3A_307 = arith.constant 4 : i32
      %get3A_308 = arith.index_cast %get3A_307 : i32 to index
      %get3A_309 = arith.constant 16 : index
      %get3A_310 = tpu.vector_load %arg12[%get3A_308, %get3A_309] {strides = array<i32>} : memref<16x128xi32, #tpu.memory_space<vmem>>, vector<16xi32>,
      %add3A_311 = arith.addi %add3A_301, %get3A_310 : vector<16xi32>
      %get3A_312 = arith.constant 5 : i32
      %get3A_313 = arith.index_cast %get3A_312 : i32 to index
      %get3A_314 = arith.constant 16 : index
      %get3A_315 = tpu.vector_load %arg11[%get3A_313, %get3A_314] {strides = array<i32>} : memref<16x128xf32, #tpu.memory_space<vmem>>, vector<16xf32>,
      %add3A_316 = arith.addf %add3A_306, %get3A_315 : vector<16xf32>
      %get3A_317 = arith.constant 5 : i32
      %get3A_318 = arith.index_cast %get3A_317 : i32 to index
      %get3A_319 = arith.constant 16 : index
      %get3A_320 = tpu.vector_load %arg12[%get3A_318, %get3A_319] {strides = array<i32>} : memref<16x128xi32, #tpu.memory_space<vmem>>, vector<16xi32>,
      %add3A_321 = arith.addi %add3A_311, %get3A_320 : vector<16xi32>
      %get3A_322 = arith.constant 6 : i32
      %get3A_323 = arith.index_cast %get3A_322 : i32 to index
      %get3A_324 = arith.constant 16 : index
      %get3A_325 = tpu.vector_load %arg11[%get3A_323, %get3A_324] {strides = array<i32>} : memref<16x128xf32, #tpu.memory_space<vmem>>, vector<16xf32>,
      %add3A_326 = arith.addf %add3A_316, %get3A_325 : vector<16xf32>
      %get3A_327 = arith.constant 6 : i32
      %get3A_328 = arith.index_cast %get3A_327 : i32 to index
      %get3A_329 = arith.constant 16 : index
      %get3A_330 = tpu.vector_load %arg12[%get3A_328, %get3A_329] {strides = array<i32>} : memref<16x128xi32, #tpu.memory_space<vmem>>, vector<16xi32>,
      %add3A_331 = arith.addi %add3A_321, %get3A_330 : vector<16xi32>
      %get3A_332 = arith.constant 7 : i32
      %get3A_333 = arith.index_cast %get3A_332 : i32 to index
      %get3A_334 = arith.constant 16 : index
      %get3A_335 = tpu.vector_load %arg11[%get3A_333, %get3A_334] {strides = array<i32>} : memref<16x128xf32, #tpu.memory_space<vmem>>, vector<16xf32>,
      %add3A_336 = arith.addf %add3A_326, %get3A_335 : vector<16xf32>
      %get3A_337 = arith.constant 7 : i32
      %get3A_338 = arith.index_cast %get3A_337 : i32 to index
      %get3A_339 = arith.constant 16 : index
      %get3A_340 = tpu.vector_load %arg12[%get3A_338, %get3A_339] {strides = array<i32>} : memref<16x128xi32, #tpu.memory_space<vmem>>, vector<16xi32>,
      %add3A_341 = arith.addi %add3A_331, %get3A_340 : vector<16xi32>
      %get3A_342 = arith.constant 8 : i32
      %get3A_343 = arith.index_cast %get3A_342 : i32 to index
      %get3A_344 = arith.constant 16 : index
      %get3A_345 = tpu.vector_load %arg11[%get3A_343, %get3A_344] {strides = array<i32>} : memref<16x128xf32, #tpu.memory_space<vmem>>, vector<16xf32>,
      %add3A_346 = arith.addf %add3A_336, %get3A_345 : vector<16xf32>
      %get3A_347 = arith.constant 8 : i32
      %get3A_348 = arith.index_cast %get3A_347 : i32 to index
      %get3A_349 = arith.constant 16 : index
      %get3A_350 = tpu.vector_load %arg12[%get3A_348, %get3A_349] {strides = array<i32>} : memref<16x128xi32, #tpu.memory_space<vmem>>, vector<16xi32>,
      %add3A_351 = arith.addi %add3A_341, %get3A_350 : vector<16xi32>
      %get3A_352 = arith.constant 9 : i32
      %get3A_353 = arith.index_cast %get3A_352 : i32 to index
      %get3A_354 = arith.constant 16 : index
      %get3A_355 = tpu.vector_load %arg11[%get3A_353, %get3A_354] {strides = array<i32>} : memref<16x128xf32, #tpu.memory_space<vmem>>, vector<16xf32>,
      %add3A_356 = arith.addf %add3A_346, %get3A_355 : vector<16xf32>
      %get3A_357 = arith.constant 9 : i32
      %get3A_358 = arith.index_cast %get3A_357 : i32 to index
      %get3A_359 = arith.constant 16 : index
      %get3A_360 = tpu.vector_load %arg12[%get3A_358, %get3A_359] {strides = array<i32>} : memref<16x128xi32, #tpu.memory_space<vmem>>, vector<16xi32>,
      %add3A_361 = arith.addi %add3A_351, %get3A_360 : vector<16xi32>
      %get3A_362 = arith.constant 10 : i32
      %get3A_363 = arith.index_cast %get3A_362 : i32 to index
      %get3A_364 = arith.constant 16 : index
      %get3A_365 = tpu.vector_load %arg11[%get3A_363, %get3A_364] {strides = array<i32>} : memref<16x128xf32, #tpu.memory_space<vmem>>, vector<16xf32>,
      %add3A_366 = arith.addf %add3A_356, %get3A_365 : vector<16xf32>
      %get3A_367 = arith.constant 10 : i32
      %get3A_368 = arith.index_cast %get3A_367 : i32 to index
      %get3A_369 = arith.constant 16 : index
      %get3A_370 = tpu.vector_load %arg12[%get3A_368, %get3A_369] {strides = array<i32>} : memref<16x128xi32, #tpu.memory_space<vmem>>, vector<16xi32>,
      %add3A_371 = arith.addi %add3A_361, %get3A_370 : vector<16xi32>
      %get3A_372 = arith.constant 11 : i32
      %get3A_373 = arith.index_cast %get3A_372 : i32 to index
      %get3A_374 = arith.constant 16 : index
      %get3A_375 = tpu.vector_load %arg11[%get3A_373, %get3A_374] {strides = array<i32>} : memref<16x128xf32, #tpu.memory_space<vmem>>, vector<16xf32>,
      %add3A_376 = arith.addf %add3A_366, %get3A_375 : vector<16xf32>
      %get3A_377 = arith.constant 11 : i32
      %get3A_378 = arith.index_cast %get3A_377 : i32 to index
      %get3A_379 = arith.constant 16 : index
      %get3A_380 = tpu.vector_load %arg12[%get3A_378, %get3A_379] {strides = array<i32>} : memref<16x128xi32, #tpu.memory_space<vmem>>, vector<16xi32>,
      %add3A_381 = arith.addi %add3A_371, %get3A_380 : vector<16xi32>
      %get3A_382 = arith.constant 12 : i32
      %get3A_383 = arith.index_cast %get3A_382 : i32 to index
      %get3A_384 = arith.constant 16 : index
      %get3A_385 = tpu.vector_load %arg11[%get3A_383, %get3A_384] {strides = array<i32>} : memref<16x128xf32, #tpu.memory_space<vmem>>, vector<16xf32>,
      %add3A_386 = arith.addf %add3A_376, %get3A_385 : vector<16xf32>
      %get3A_387 = arith.constant 12 : i32
      %get3A_388 = arith.index_cast %get3A_387 : i32 to index
      %get3A_389 = arith.constant 16 : index
      %get3A_390 = tpu.vector_load %arg12[%get3A_388, %get3A_389] {strides = array<i32>} : memref<16x128xi32, #tpu.memory_space<vmem>>, vector<16xi32>,
      %add3A_391 = arith.addi %add3A_381, %get3A_390 : vector<16xi32>
      %get3A_392 = arith.constant 13 : i32
      %get3A_393 = arith.index_cast %get3A_392 : i32 to index
      %get3A_394 = arith.constant 16 : index
      %get3A_395 = tpu.vector_load %arg11[%get3A_393, %get3A_394] {strides = array<i32>} : memref<16x128xf32, #tpu.memory_space<vmem>>, vector<16xf32>,
      %add3A_396 = arith.addf %add3A_386, %get3A_395 : vector<16xf32>
      %get3A_397 = arith.constant 13 : i32
      %get3A_398 = arith.index_cast %get3A_397 : i32 to index
      %get3A_399 = arith.constant 16 : index
      %get3A_400 = tpu.vector_load %arg12[%get3A_398, %get3A_399] {strides = array<i32>} : memref<16x128xi32, #tpu.memory_space<vmem>>, vector<16xi32>,
      %add3A_401 = arith.addi %add3A_391, %get3A_400 : vector<16xi32>
      %get3A_402 = arith.constant 14 : i32
      %get3A_403 = arith.index_cast %get3A_402 : i32 to index
      %get3A_404 = arith.constant 16 : index
      %get3A_405 = tpu.vector_load %arg11[%get3A_403, %get3A_404] {strides = array<i32>} : memref<16x128xf32, #tpu.memory_space<vmem>>, vector<16xf32>,
      %add3A_406 = arith.addf %add3A_396, %get3A_405 : vector<16xf32>
      %get3A_407 = arith.constant 14 : i32
      %get3A_408 = arith.index_cast %get3A_407 : i32 to index
      %get3A_409 = arith.constant 16 : index
      %get3A_410 = tpu.vector_load %arg12[%get3A_408, %get3A_409] {strides = array<i32>} : memref<16x128xi32, #tpu.memory_space<vmem>>, vector<16xi32>,
      %add3A_411 = arith.addi %add3A_401, %get3A_410 : vector<16xi32>
      %get3A_412 = arith.constant 15 : i32
      %get3A_413 = arith.index_cast %get3A_412 : i32 to index
      %get3A_414 = arith.constant 16 : index
      %get3A_415 = tpu.vector_load %arg11[%get3A_413, %get3A_414] {strides = array<i32>} : memref<16x128xf32, #tpu.memory_space<vmem>>, vector<16xf32>,
      %add3A_416 = arith.addf %add3A_406, %get3A_415 : vector<16xf32>
      %get3A_417 = arith.constant 15 : i32
      %get3A_418 = arith.index_cast %get3A_417 : i32 to index
      %get3A_419 = arith.constant 16 : index
      %get3A_420 = tpu.vector_load %arg12[%get3A_418, %get3A_419] {strides = array<i32>} : memref<16x128xi32, #tpu.memory_space<vmem>>, vector<16xi32>,
      %add3A_421 = arith.addi %add3A_411, %get3A_420 : vector<16xi32>
      %convert_element_type3A_422 = arith.sitofp %add3A_421 : vector<16xi32> to vector<16xf32>
      %sub3A_423 = arith.constant 1.000000e+00 : f32
      %sub3A_424 = vector.broadcast %sub3A_423 : f32 to vector<16xf32>
      %sub3A_425 = arith.subf %convert_element_type3A_422, %sub3A_424 : vector<16xf32>
      %mul3A_426 = arith.constant 3.000000e+00 : f32
      %mul3A_427 = vector.broadcast %mul3A_426 : f32 to vector<16xf32>
      %mul3A_428 = arith.mulf %mul3A_427, %sub3A_425 : vector<16xf32>
      %mul3A_429 = arith.constant 2.00013194E-4 : f32
      %mul3A_430 = vector.broadcast %mul3A_429 : f32 to vector<16xf32>
      %mul3A_431 = arith.mulf %mul3A_428, %mul3A_430 : vector<16xf32>
      %mul3A_432 = arith.constant 0.999599993 : f32
      %mul3A_433 = vector.broadcast %mul3A_432 : f32 to vector<16xf32>
      %mul3A_434 = arith.mulf %mul3A_428, %mul3A_433 : vector<16xf32>
      %mul3A_435 = arith.constant 5.000000e-01 : f32
      %mul3A_436 = vector.broadcast %mul3A_435 : f32 to vector<16xf32>
      %mul3A_437 = arith.mulf %mul3A_436, %mul3A_434 : vector<16xf32>
      %add3A_438 = arith.addf %mul3A_431, %mul3A_437 : vector<16xf32>
      %mul3A_439 = arith.constant 5.000000e-01 : f32
      %mul3A_440 = vector.broadcast %mul3A_439 : f32 to vector<16xf32>
      %mul3A_441 = arith.mulf %mul3A_440, %mul3A_428 : vector<16xf32>
      %sub3A_442 = arith.subf %add3A_438, %mul3A_441 : vector<16xf32>
      %mul3A_443 = arith.constant 0.000000e+00 : f32
      %mul3A_444 = vector.broadcast %mul3A_443 : f32 to vector<16xf32>
      %mul3A_445 = arith.mulf %convert_element_type3A_422, %mul3A_444 : vector<16xf32>
      %mul3A_446 = arith.mulf %convert_element_type3A_422, %sub3A_442 : vector<16xf32>
      %add3A_447 = arith.addf %mul3A_445, %mul3A_446 : vector<16xf32>
      %mul3A_448 = arith.constant 3.99996643E-4 : f32
      %mul3A_449 = vector.broadcast %mul3A_448 : f32 to vector<16xf32>
      %mul3A_450 = arith.mulf %mul3A_449, %add3A_416 : vector<16xf32>
      %mul3A_451 = arith.constant 5.000000e-01 : f32
      %mul3A_452 = vector.broadcast %mul3A_451 : f32 to vector<16xf32>
      %mul3A_453 = arith.mulf %mul3A_452, %mul3A_450 : vector<16xf32>
      %add3A_454 = arith.addf %add3A_447, %mul3A_453 : vector<16xf32>
      %swap3A_455 = arith.constant 16 : index
      %swap3A_456 = tpu.vector_load %arg13[%swap3A_455] {strides = array<i32>} : memref<128xf32, #tpu.memory_space<vmem>>, vector<16xf32>,
      tpu.vector_store %arg13[%swap3A_455], %add3A_454 {strides = array<i32>} : memref<128xf32, #tpu.memory_space<vmem>>, vector<16xf32>,
      %get3A_457 = arith.constant 0 : i32
      %get3A_458 = arith.index_cast %get3A_457 : i32 to index
      %get3A_459 = arith.constant 32 : index
      %get3A_460 = tpu.vector_load %arg11[%get3A_458, %get3A_459] {strides = array<i32>} : memref<16x128xf32, #tpu.memory_space<vmem>>, vector<16xf32>,
      %get3A_461 = arith.constant 0 : i32
      %get3A_462 = arith.index_cast %get3A_461 : i32 to index
      %get3A_463 = arith.constant 32 : index
      %get3A_464 = tpu.vector_load %arg12[%get3A_462, %get3A_463] {strides = array<i32>} : memref<16x128xi32, #tpu.memory_space<vmem>>, vector<16xi32>,
      %get3A_465 = arith.constant 1 : i32
      %get3A_466 = arith.index_cast %get3A_465 : i32 to index
      %get3A_467 = arith.constant 32 : index
      %get3A_468 = tpu.vector_load %arg11[%get3A_466, %get3A_467] {strides = array<i32>} : memref<16x128xf32, #tpu.memory_space<vmem>>, vector<16xf32>,
      %add3A_469 = arith.addf %get3A_460, %get3A_468 : vector<16xf32>
      %get3A_470 = arith.constant 1 : i32
      %get3A_471 = arith.index_cast %get3A_470 : i32 to index
      %get3A_472 = arith.constant 32 : index
      %get3A_473 = tpu.vector_load %arg12[%get3A_471, %get3A_472] {strides = array<i32>} : memref<16x128xi32, #tpu.memory_space<vmem>>, vector<16xi32>,
      %add3A_474 = arith.addi %get3A_464, %get3A_473 : vector<16xi32>
      %get3A_475 = arith.constant 2 : i32
      %get3A_476 = arith.index_cast %get3A_475 : i32 to index
      %get3A_477 = arith.constant 32 : index
      %get3A_478 = tpu.vector_load %arg11[%get3A_476, %get3A_477] {strides = array<i32>} : memref<16x128xf32, #tpu.memory_space<vmem>>, vector<16xf32>,
      %add3A_479 = arith.addf %add3A_469, %get3A_478 : vector<16xf32>
      %get3A_480 = arith.constant 2 : i32
      %get3A_481 = arith.index_cast %get3A_480 : i32 to index
      %get3A_482 = arith.constant 32 : index
      %get3A_483 = tpu.vector_load %arg12[%get3A_481, %get3A_482] {strides = array<i32>} : memref<16x128xi32, #tpu.memory_space<vmem>>, vector<16xi32>,
      %add3A_484 = arith.addi %add3A_474, %get3A_483 : vector<16xi32>
      %get3A_485 = arith.constant 3 : i32
      %get3A_486 = arith.index_cast %get3A_485 : i32 to index
      %get3A_487 = arith.constant 32 : index
      %get3A_488 = tpu.vector_load %arg11[%get3A_486, %get3A_487] {strides = array<i32>} : memref<16x128xf32, #tpu.memory_space<vmem>>, vector<16xf32>,
      %add3A_489 = arith.addf %add3A_479, %get3A_488 : vector<16xf32>
      %get3A_490 = arith.constant 3 : i32
      %get3A_491 = arith.index_cast %get3A_490 : i32 to index
      %get3A_492 = arith.constant 32 : index
      %get3A_493 = tpu.vector_load %arg12[%get3A_491, %get3A_492] {strides = array<i32>} : memref<16x128xi32, #tpu.memory_space<vmem>>, vector<16xi32>,
      %add3A_494 = arith.addi %add3A_484, %get3A_493 : vector<16xi32>
      %get3A_495 = arith.constant 4 : i32
      %get3A_496 = arith.index_cast %get3A_495 : i32 to index
      %get3A_497 = arith.constant 32 : index
      %get3A_498 = tpu.vector_load %arg11[%get3A_496, %get3A_497] {strides = array<i32>} : memref<16x128xf32, #tpu.memory_space<vmem>>, vector<16xf32>,
      %add3A_499 = arith.addf %add3A_489, %get3A_498 : vector<16xf32>
      %get3A_500 = arith.constant 4 : i32
      %get3A_501 = arith.index_cast %get3A_500 : i32 to index
      %get3A_502 = arith.constant 32 : index
      %get3A_503 = tpu.vector_load %arg12[%get3A_501, %get3A_502] {strides = array<i32>} : memref<16x128xi32, #tpu.memory_space<vmem>>, vector<16xi32>,
      %add3A_504 = arith.addi %add3A_494, %get3A_503 : vector<16xi32>
      %get3A_505 = arith.constant 5 : i32
      %get3A_506 = arith.index_cast %get3A_505 : i32 to index
      %get3A_507 = arith.constant 32 : index
      %get3A_508 = tpu.vector_load %arg11[%get3A_506, %get3A_507] {strides = array<i32>} : memref<16x128xf32, #tpu.memory_space<vmem>>, vector<16xf32>,
      %add3A_509 = arith.addf %add3A_499, %get3A_508 : vector<16xf32>
      %get3A_510 = arith.constant 5 : i32
      %get3A_511 = arith.index_cast %get3A_510 : i32 to index
      %get3A_512 = arith.constant 32 : index
      %get3A_513 = tpu.vector_load %arg12[%get3A_511, %get3A_512] {strides = array<i32>} : memref<16x128xi32, #tpu.memory_space<vmem>>, vector<16xi32>,
      %add3A_514 = arith.addi %add3A_504, %get3A_513 : vector<16xi32>
      %get3A_515 = arith.constant 6 : i32
      %get3A_516 = arith.index_cast %get3A_515 : i32 to index
      %get3A_517 = arith.constant 32 : index
      %get3A_518 = tpu.vector_load %arg11[%get3A_516, %get3A_517] {strides = array<i32>} : memref<16x128xf32, #tpu.memory_space<vmem>>, vector<16xf32>,
      %add3A_519 = arith.addf %add3A_509, %get3A_518 : vector<16xf32>
      %get3A_520 = arith.constant 6 : i32
      %get3A_521 = arith.index_cast %get3A_520 : i32 to index
      %get3A_522 = arith.constant 32 : index
      %get3A_523 = tpu.vector_load %arg12[%get3A_521, %get3A_522] {strides = array<i32>} : memref<16x128xi32, #tpu.memory_space<vmem>>, vector<16xi32>,
      %add3A_524 = arith.addi %add3A_514, %get3A_523 : vector<16xi32>
      %get3A_525 = arith.constant 7 : i32
      %get3A_526 = arith.index_cast %get3A_525 : i32 to index
      %get3A_527 = arith.constant 32 : index
      %get3A_528 = tpu.vector_load %arg11[%get3A_526, %get3A_527] {strides = array<i32>} : memref<16x128xf32, #tpu.memory_space<vmem>>, vector<16xf32>,
      %add3A_529 = arith.addf %add3A_519, %get3A_528 : vector<16xf32>
      %get3A_530 = arith.constant 7 : i32
      %get3A_531 = arith.index_cast %get3A_530 : i32 to index
      %get3A_532 = arith.constant 32 : index
      %get3A_533 = tpu.vector_load %arg12[%get3A_531, %get3A_532] {strides = array<i32>} : memref<16x128xi32, #tpu.memory_space<vmem>>, vector<16xi32>,
      %add3A_534 = arith.addi %add3A_524, %get3A_533 : vector<16xi32>
      %get3A_535 = arith.constant 8 : i32
      %get3A_536 = arith.index_cast %get3A_535 : i32 to index
      %get3A_537 = arith.constant 32 : index
      %get3A_538 = tpu.vector_load %arg11[%get3A_536, %get3A_537] {strides = array<i32>} : memref<16x128xf32, #tpu.memory_space<vmem>>, vector<16xf32>,
      %add3A_539 = arith.addf %add3A_529, %get3A_538 : vector<16xf32>
      %get3A_540 = arith.constant 8 : i32
      %get3A_541 = arith.index_cast %get3A_540 : i32 to index
      %get3A_542 = arith.constant 32 : index
      %get3A_543 = tpu.vector_load %arg12[%get3A_541, %get3A_542] {strides = array<i32>} : memref<16x128xi32, #tpu.memory_space<vmem>>, vector<16xi32>,
      %add3A_544 = arith.addi %add3A_534, %get3A_543 : vector<16xi32>
      %get3A_545 = arith.constant 9 : i32
      %get3A_546 = arith.index_cast %get3A_545 : i32 to index
      %get3A_547 = arith.constant 32 : index
      %get3A_548 = tpu.vector_load %arg11[%get3A_546, %get3A_547] {strides = array<i32>} : memref<16x128xf32, #tpu.memory_space<vmem>>, vector<16xf32>,
      %add3A_549 = arith.addf %add3A_539, %get3A_548 : vector<16xf32>
      %get3A_550 = arith.constant 9 : i32
      %get3A_551 = arith.index_cast %get3A_550 : i32 to index
      %get3A_552 = arith.constant 32 : index
      %get3A_553 = tpu.vector_load %arg12[%get3A_551, %get3A_552] {strides = array<i32>} : memref<16x128xi32, #tpu.memory_space<vmem>>, vector<16xi32>,
      %add3A_554 = arith.addi %add3A_544, %get3A_553 : vector<16xi32>
      %get3A_555 = arith.constant 10 : i32
      %get3A_556 = arith.index_cast %get3A_555 : i32 to index
      %get3A_557 = arith.constant 32 : index
      %get3A_558 = tpu.vector_load %arg11[%get3A_556, %get3A_557] {strides = array<i32>} : memref<16x128xf32, #tpu.memory_space<vmem>>, vector<16xf32>,
      %add3A_559 = arith.addf %add3A_549, %get3A_558 : vector<16xf32>
      %get3A_560 = arith.constant 10 : i32
      %get3A_561 = arith.index_cast %get3A_560 : i32 to index
      %get3A_562 = arith.constant 32 : index
      %get3A_563 = tpu.vector_load %arg12[%get3A_561, %get3A_562] {strides = array<i32>} : memref<16x128xi32, #tpu.memory_space<vmem>>, vector<16xi32>,
      %add3A_564 = arith.addi %add3A_554, %get3A_563 : vector<16xi32>
      %get3A_565 = arith.constant 11 : i32
      %get3A_566 = arith.index_cast %get3A_565 : i32 to index
      %get3A_567 = arith.constant 32 : index
      %get3A_568 = tpu.vector_load %arg11[%get3A_566, %get3A_567] {strides = array<i32>} : memref<16x128xf32, #tpu.memory_space<vmem>>, vector<16xf32>,
      %add3A_569 = arith.addf %add3A_559, %get3A_568 : vector<16xf32>
      %get3A_570 = arith.constant 11 : i32
      %get3A_571 = arith.index_cast %get3A_570 : i32 to index
      %get3A_572 = arith.constant 32 : index
      %get3A_573 = tpu.vector_load %arg12[%get3A_571, %get3A_572] {strides = array<i32>} : memref<16x128xi32, #tpu.memory_space<vmem>>, vector<16xi32>,
      %add3A_574 = arith.addi %add3A_564, %get3A_573 : vector<16xi32>
      %get3A_575 = arith.constant 12 : i32
      %get3A_576 = arith.index_cast %get3A_575 : i32 to index
      %get3A_577 = arith.constant 32 : index
      %get3A_578 = tpu.vector_load %arg11[%get3A_576, %get3A_577] {strides = array<i32>} : memref<16x128xf32, #tpu.memory_space<vmem>>, vector<16xf32>,
      %add3A_579 = arith.addf %add3A_569, %get3A_578 : vector<16xf32>
      %get3A_580 = arith.constant 12 : i32
      %get3A_581 = arith.index_cast %get3A_580 : i32 to index
      %get3A_582 = arith.constant 32 : index
      %get3A_583 = tpu.vector_load %arg12[%get3A_581, %get3A_582] {strides = array<i32>} : memref<16x128xi32, #tpu.memory_space<vmem>>, vector<16xi32>,
      %add3A_584 = arith.addi %add3A_574, %get3A_583 : vector<16xi32>
      %get3A_585 = arith.constant 13 : i32
      %get3A_586 = arith.index_cast %get3A_585 : i32 to index
      %get3A_587 = arith.constant 32 : index
      %get3A_588 = tpu.vector_load %arg11[%get3A_586, %get3A_587] {strides = array<i32>} : memref<16x128xf32, #tpu.memory_space<vmem>>, vector<16xf32>,
      %add3A_589 = arith.addf %add3A_579, %get3A_588 : vector<16xf32>
      %get3A_590 = arith.constant 13 : i32
      %get3A_591 = arith.index_cast %get3A_590 : i32 to index
      %get3A_592 = arith.constant 32 : index
      %get3A_593 = tpu.vector_load %arg12[%get3A_591, %get3A_592] {strides = array<i32>} : memref<16x128xi32, #tpu.memory_space<vmem>>, vector<16xi32>,
      %add3A_594 = arith.addi %add3A_584, %get3A_593 : vector<16xi32>
      %get3A_595 = arith.constant 14 : i32
      %get3A_596 = arith.index_cast %get3A_595 : i32 to index
      %get3A_597 = arith.constant 32 : index
      %get3A_598 = tpu.vector_load %arg11[%get3A_596, %get3A_597] {strides = array<i32>} : memref<16x128xf32, #tpu.memory_space<vmem>>, vector<16xf32>,
      %add3A_599 = arith.addf %add3A_589, %get3A_598 : vector<16xf32>
      %get3A_600 = arith.constant 14 : i32
      %get3A_601 = arith.index_cast %get3A_600 : i32 to index
      %get3A_602 = arith.constant 32 : index
      %get3A_603 = tpu.vector_load %arg12[%get3A_601, %get3A_602] {strides = array<i32>} : memref<16x128xi32, #tpu.memory_space<vmem>>, vector<16xi32>,
      %add3A_604 = arith.addi %add3A_594, %get3A_603 : vector<16xi32>
      %get3A_605 = arith.constant 15 : i32
      %get3A_606 = arith.index_cast %get3A_605 : i32 to index
      %get3A_607 = arith.constant 32 : index
      %get3A_608 = tpu.vector_load %arg11[%get3A_606, %get3A_607] {strides = array<i32>} : memref<16x128xf32, #tpu.memory_space<vmem>>, vector<16xf32>,
      %add3A_609 = arith.addf %add3A_599, %get3A_608 : vector<16xf32>
      %get3A_610 = arith.constant 15 : i32
      %get3A_611 = arith.index_cast %get3A_610 : i32 to index
      %get3A_612 = arith.constant 32 : index
      %get3A_613 = tpu.vector_load %arg12[%get3A_611, %get3A_612] {strides = array<i32>} : memref<16x128xi32, #tpu.memory_space<vmem>>, vector<16xi32>,
      %add3A_614 = arith.addi %add3A_604, %get3A_613 : vector<16xi32>
      %convert_element_type3A_615 = arith.sitofp %add3A_614 : vector<16xi32> to vector<16xf32>
      %sub3A_616 = arith.constant 1.000000e+00 : f32
      %sub3A_617 = vector.broadcast %sub3A_616 : f32 to vector<16xf32>
      %sub3A_618 = arith.subf %convert_element_type3A_615, %sub3A_617 : vector<16xf32>
      %mul3A_619 = arith.constant 3.000000e+00 : f32
      %mul3A_620 = vector.broadcast %mul3A_619 : f32 to vector<16xf32>
      %mul3A_621 = arith.mulf %mul3A_620, %sub3A_618 : vector<16xf32>
      %mul3A_622 = arith.constant 2.00013194E-4 : f32
      %mul3A_623 = vector.broadcast %mul3A_622 : f32 to vector<16xf32>
      %mul3A_624 = arith.mulf %mul3A_621, %mul3A_623 : vector<16xf32>
      %mul3A_625 = arith.constant 0.999599993 : f32
      %mul3A_626 = vector.broadcast %mul3A_625 : f32 to vector<16xf32>
      %mul3A_627 = arith.mulf %mul3A_621, %mul3A_626 : vector<16xf32>
      %mul3A_628 = arith.constant 5.000000e-01 : f32
      %mul3A_629 = vector.broadcast %mul3A_628 : f32 to vector<16xf32>
      %mul3A_630 = arith.mulf %mul3A_629, %mul3A_627 : vector<16xf32>
      %add3A_631 = arith.addf %mul3A_624, %mul3A_630 : vector<16xf32>
      %mul3A_632 = arith.constant 5.000000e-01 : f32
      %mul3A_633 = vector.broadcast %mul3A_632 : f32 to vector<16xf32>
      %mul3A_634 = arith.mulf %mul3A_633, %mul3A_621 : vector<16xf32>
      %sub3A_635 = arith.subf %add3A_631, %mul3A_634 : vector<16xf32>
      %mul3A_636 = arith.constant 0.000000e+00 : f32
      %mul3A_637 = vector.broadcast %mul3A_636 : f32 to vector<16xf32>
      %mul3A_638 = arith.mulf %convert_element_type3A_615, %mul3A_637 : vector<16xf32>
      %mul3A_639 = arith.mulf %convert_element_type3A_615, %sub3A_635 : vector<16xf32>
      %add3A_640 = arith.addf %mul3A_638, %mul3A_639 : vector<16xf32>
      %mul3A_641 = arith.constant 3.99996643E-4 : f32
      %mul3A_642 = vector.broadcast %mul3A_641 : f32 to vector<16xf32>
      %mul3A_643 = arith.mulf %mul3A_642, %add3A_609 : vector<16xf32>
      %mul3A_644 = arith.constant 5.000000e-01 : f32
      %mul3A_645 = vector.broadcast %mul3A_644 : f32 to vector<16xf32>
      %mul3A_646 = arith.mulf %mul3A_645, %mul3A_643 : vector<16xf32>
      %add3A_647 = arith.addf %add3A_640, %mul3A_646 : vector<16xf32>
      %swap3A_648 = arith.constant 32 : index
      %swap3A_649 = tpu.vector_load %arg13[%swap3A_648] {strides = array<i32>} : memref<128xf32, #tpu.memory_space<vmem>>, vector<16xf32>,
      tpu.vector_store %arg13[%swap3A_648], %add3A_647 {strides = array<i32>} : memref<128xf32, #tpu.memory_space<vmem>>, vector<16xf32>,
      %get3A_650 = arith.constant 0 : i32
      %get3A_651 = arith.index_cast %get3A_650 : i32 to index
      %get3A_652 = arith.constant 48 : index
      %get3A_653 = tpu.vector_load %arg11[%get3A_651, %get3A_652] {strides = array<i32>} : memref<16x128xf32, #tpu.memory_space<vmem>>, vector<16xf32>,
      %get3A_654 = arith.constant 0 : i32
      %get3A_655 = arith.index_cast %get3A_654 : i32 to index
      %get3A_656 = arith.constant 48 : index
      %get3A_657 = tpu.vector_load %arg12[%get3A_655, %get3A_656] {strides = array<i32>} : memref<16x128xi32, #tpu.memory_space<vmem>>, vector<16xi32>,
      %get3A_658 = arith.constant 1 : i32
      %get3A_659 = arith.index_cast %get3A_658 : i32 to index
      %get3A_660 = arith.constant 48 : index
      %get3A_661 = tpu.vector_load %arg11[%get3A_659, %get3A_660] {strides = array<i32>} : memref<16x128xf32, #tpu.memory_space<vmem>>, vector<16xf32>,
      %add3A_662 = arith.addf %get3A_653, %get3A_661 : vector<16xf32>
      %get3A_663 = arith.constant 1 : i32
      %get3A_664 = arith.index_cast %get3A_663 : i32 to index
      %get3A_665 = arith.constant 48 : index
      %get3A_666 = tpu.vector_load %arg12[%get3A_664, %get3A_665] {strides = array<i32>} : memref<16x128xi32, #tpu.memory_space<vmem>>, vector<16xi32>,
      %add3A_667 = arith.addi %get3A_657, %get3A_666 : vector<16xi32>
      %get3A_668 = arith.constant 2 : i32
      %get3A_669 = arith.index_cast %get3A_668 : i32 to index
      %get3A_670 = arith.constant 48 : index
      %get3A_671 = tpu.vector_load %arg11[%get3A_669, %get3A_670] {strides = array<i32>} : memref<16x128xf32, #tpu.memory_space<vmem>>, vector<16xf32>,
      %add3A_672 = arith.addf %add3A_662, %get3A_671 : vector<16xf32>
      %get3A_673 = arith.constant 2 : i32
      %get3A_674 = arith.index_cast %get3A_673 : i32 to index
      %get3A_675 = arith.constant 48 : index
      %get3A_676 = tpu.vector_load %arg12[%get3A_674, %get3A_675] {strides = array<i32>} : memref<16x128xi32, #tpu.memory_space<vmem>>, vector<16xi32>,
      %add3A_677 = arith.addi %add3A_667, %get3A_676 : vector<16xi32>
      %get3A_678 = arith.constant 3 : i32
      %get3A_679 = arith.index_cast %get3A_678 : i32 to index
      %get3A_680 = arith.constant 48 : index
      %get3A_681 = tpu.vector_load %arg11[%get3A_679, %get3A_680] {strides = array<i32>} : memref<16x128xf32, #tpu.memory_space<vmem>>, vector<16xf32>,
      %add3A_682 = arith.addf %add3A_672, %get3A_681 : vector<16xf32>
      %get3A_683 = arith.constant 3 : i32
      %get3A_684 = arith.index_cast %get3A_683 : i32 to index
      %get3A_685 = arith.constant 48 : index
      %get3A_686 = tpu.vector_load %arg12[%get3A_684, %get3A_685] {strides = array<i32>} : memref<16x128xi32, #tpu.memory_space<vmem>>, vector<16xi32>,
      %add3A_687 = arith.addi %add3A_677, %get3A_686 : vector<16xi32>
      %get3A_688 = arith.constant 4 : i32
      %get3A_689 = arith.index_cast %get3A_688 : i32 to index
      %get3A_690 = arith.constant 48 : index
      %get3A_691 = tpu.vector_load %arg11[%get3A_689, %get3A_690] {strides = array<i32>} : memref<16x128xf32, #tpu.memory_space<vmem>>, vector<16xf32>,
      %add3A_692 = arith.addf %add3A_682, %get3A_691 : vector<16xf32>
      %get3A_693 = arith.constant 4 : i32
      %get3A_694 = arith.index_cast %get3A_693 : i32 to index
      %get3A_695 = arith.constant 48 : index
      %get3A_696 = tpu.vector_load %arg12[%get3A_694, %get3A_695] {strides = array<i32>} : memref<16x128xi32, #tpu.memory_space<vmem>>, vector<16xi32>,
      %add3A_697 = arith.addi %add3A_687, %get3A_696 : vector<16xi32>
      %get3A_698 = arith.constant 5 : i32
      %get3A_699 = arith.index_cast %get3A_698 : i32 to index
      %get3A_700 = arith.constant 48 : index
      %get3A_701 = tpu.vector_load %arg11[%get3A_699, %get3A_700] {strides = array<i32>} : memref<16x128xf32, #tpu.memory_space<vmem>>, vector<16xf32>,
      %add3A_702 = arith.addf %add3A_692, %get3A_701 : vector<16xf32>
      %get3A_703 = arith.constant 5 : i32
      %get3A_704 = arith.index_cast %get3A_703 : i32 to index
      %get3A_705 = arith.constant 48 : index
      %get3A_706 = tpu.vector_load %arg12[%get3A_704, %get3A_705] {strides = array<i32>} : memref<16x128xi32, #tpu.memory_space<vmem>>, vector<16xi32>,
      %add3A_707 = arith.addi %add3A_697, %get3A_706 : vector<16xi32>
      %get3A_708 = arith.constant 6 : i32
      %get3A_709 = arith.index_cast %get3A_708 : i32 to index
      %get3A_710 = arith.constant 48 : index
      %get3A_711 = tpu.vector_load %arg11[%get3A_709, %get3A_710] {strides = array<i32>} : memref<16x128xf32, #tpu.memory_space<vmem>>, vector<16xf32>,
      %add3A_712 = arith.addf %add3A_702, %get3A_711 : vector<16xf32>
      %get3A_713 = arith.constant 6 : i32
      %get3A_714 = arith.index_cast %get3A_713 : i32 to index
      %get3A_715 = arith.constant 48 : index
      %get3A_716 = tpu.vector_load %arg12[%get3A_714, %get3A_715] {strides = array<i32>} : memref<16x128xi32, #tpu.memory_space<vmem>>, vector<16xi32>,
      %add3A_717 = arith.addi %add3A_707, %get3A_716 : vector<16xi32>
      %get3A_718 = arith.constant 7 : i32
      %get3A_719 = arith.index_cast %get3A_718 : i32 to index
      %get3A_720 = arith.constant 48 : index
      %get3A_721 = tpu.vector_load %arg11[%get3A_719, %get3A_720] {strides = array<i32>} : memref<16x128xf32, #tpu.memory_space<vmem>>, vector<16xf32>,
      %add3A_722 = arith.addf %add3A_712, %get3A_721 : vector<16xf32>
      %get3A_723 = arith.constant 7 : i32
      %get3A_724 = arith.index_cast %get3A_723 : i32 to index
      %get3A_725 = arith.constant 48 : index
      %get3A_726 = tpu.vector_load %arg12[%get3A_724, %get3A_725] {strides = array<i32>} : memref<16x128xi32, #tpu.memory_space<vmem>>, vector<16xi32>,
      %add3A_727 = arith.addi %add3A_717, %get3A_726 : vector<16xi32>
      %get3A_728 = arith.constant 8 : i32
      %get3A_729 = arith.index_cast %get3A_728 : i32 to index
      %get3A_730 = arith.constant 48 : index
      %get3A_731 = tpu.vector_load %arg11[%get3A_729, %get3A_730] {strides = array<i32>} : memref<16x128xf32, #tpu.memory_space<vmem>>, vector<16xf32>,
      %add3A_732 = arith.addf %add3A_722, %get3A_731 : vector<16xf32>
      %get3A_733 = arith.constant 8 : i32
      %get3A_734 = arith.index_cast %get3A_733 : i32 to index
      %get3A_735 = arith.constant 48 : index
      %get3A_736 = tpu.vector_load %arg12[%get3A_734, %get3A_735] {strides = array<i32>} : memref<16x128xi32, #tpu.memory_space<vmem>>, vector<16xi32>,
      %add3A_737 = arith.addi %add3A_727, %get3A_736 : vector<16xi32>
      %get3A_738 = arith.constant 9 : i32
      %get3A_739 = arith.index_cast %get3A_738 : i32 to index
      %get3A_740 = arith.constant 48 : index
      %get3A_741 = tpu.vector_load %arg11[%get3A_739, %get3A_740] {strides = array<i32>} : memref<16x128xf32, #tpu.memory_space<vmem>>, vector<16xf32>,
      %add3A_742 = arith.addf %add3A_732, %get3A_741 : vector<16xf32>
      %get3A_743 = arith.constant 9 : i32
      %get3A_744 = arith.index_cast %get3A_743 : i32 to index
      %get3A_745 = arith.constant 48 : index
      %get3A_746 = tpu.vector_load %arg12[%get3A_744, %get3A_745] {strides = array<i32>} : memref<16x128xi32, #tpu.memory_space<vmem>>, vector<16xi32>,
      %add3A_747 = arith.addi %add3A_737, %get3A_746 : vector<16xi32>
      %get3A_748 = arith.constant 10 : i32
      %get3A_749 = arith.index_cast %get3A_748 : i32 to index
      %get3A_750 = arith.constant 48 : index
      %get3A_751 = tpu.vector_load %arg11[%get3A_749, %get3A_750] {strides = array<i32>} : memref<16x128xf32, #tpu.memory_space<vmem>>, vector<16xf32>,
      %add3A_752 = arith.addf %add3A_742, %get3A_751 : vector<16xf32>
      %get3A_753 = arith.constant 10 : i32
      %get3A_754 = arith.index_cast %get3A_753 : i32 to index
      %get3A_755 = arith.constant 48 : index
      %get3A_756 = tpu.vector_load %arg12[%get3A_754, %get3A_755] {strides = array<i32>} : memref<16x128xi32, #tpu.memory_space<vmem>>, vector<16xi32>,
      %add3A_757 = arith.addi %add3A_747, %get3A_756 : vector<16xi32>
      %get3A_758 = arith.constant 11 : i32
      %get3A_759 = arith.index_cast %get3A_758 : i32 to index
      %get3A_760 = arith.constant 48 : index
      %get3A_761 = tpu.vector_load %arg11[%get3A_759, %get3A_760] {strides = array<i32>} : memref<16x128xf32, #tpu.memory_space<vmem>>, vector<16xf32>,
      %add3A_762 = arith.addf %add3A_752, %get3A_761 : vector<16xf32>
      %get3A_763 = arith.constant 11 : i32
      %get3A_764 = arith.index_cast %get3A_763 : i32 to index
      %get3A_765 = arith.constant 48 : index
      %get3A_766 = tpu.vector_load %arg12[%get3A_764, %get3A_765] {strides = array<i32>} : memref<16x128xi32, #tpu.memory_space<vmem>>, vector<16xi32>,
      %add3A_767 = arith.addi %add3A_757, %get3A_766 : vector<16xi32>
      %get3A_768 = arith.constant 12 : i32
      %get3A_769 = arith.index_cast %get3A_768 : i32 to index
      %get3A_770 = arith.constant 48 : index
      %get3A_771 = tpu.vector_load %arg11[%get3A_769, %get3A_770] {strides = array<i32>} : memref<16x128xf32, #tpu.memory_space<vmem>>, vector<16xf32>,
      %add3A_772 = arith.addf %add3A_762, %get3A_771 : vector<16xf32>
      %get3A_773 = arith.constant 12 : i32
      %get3A_774 = arith.index_cast %get3A_773 : i32 to index
      %get3A_775 = arith.constant 48 : index
      %get3A_776 = tpu.vector_load %arg12[%get3A_774, %get3A_775] {strides = array<i32>} : memref<16x128xi32, #tpu.memory_space<vmem>>, vector<16xi32>,
      %add3A_777 = arith.addi %add3A_767, %get3A_776 : vector<16xi32>
      %get3A_778 = arith.constant 13 : i32
      %get3A_779 = arith.index_cast %get3A_778 : i32 to index
      %get3A_780 = arith.constant 48 : index
      %get3A_781 = tpu.vector_load %arg11[%get3A_779, %get3A_780] {strides = array<i32>} : memref<16x128xf32, #tpu.memory_space<vmem>>, vector<16xf32>,
      %add3A_782 = arith.addf %add3A_772, %get3A_781 : vector<16xf32>
      %get3A_783 = arith.constant 13 : i32
      %get3A_784 = arith.index_cast %get3A_783 : i32 to index
      %get3A_785 = arith.constant 48 : index
      %get3A_786 = tpu.vector_load %arg12[%get3A_784, %get3A_785] {strides = array<i32>} : memref<16x128xi32, #tpu.memory_space<vmem>>, vector<16xi32>,
      %add3A_787 = arith.addi %add3A_777, %get3A_786 : vector<16xi32>
      %get3A_788 = arith.constant 14 : i32
      %get3A_789 = arith.index_cast %get3A_788 : i32 to index
      %get3A_790 = arith.constant 48 : index
      %get3A_791 = tpu.vector_load %arg11[%get3A_789, %get3A_790] {strides = array<i32>} : memref<16x128xf32, #tpu.memory_space<vmem>>, vector<16xf32>,
      %add3A_792 = arith.addf %add3A_782, %get3A_791 : vector<16xf32>
      %get3A_793 = arith.constant 14 : i32
      %get3A_794 = arith.index_cast %get3A_793 : i32 to index
      %get3A_795 = arith.constant 48 : index
      %get3A_796 = tpu.vector_load %arg12[%get3A_794, %get3A_795] {strides = array<i32>} : memref<16x128xi32, #tpu.memory_space<vmem>>, vector<16xi32>,
      %add3A_797 = arith.addi %add3A_787, %get3A_796 : vector<16xi32>
      %get3A_798 = arith.constant 15 : i32
      %get3A_799 = arith.index_cast %get3A_798 : i32 to index
      %get3A_800 = arith.constant 48 : index
      %get3A_801 = tpu.vector_load %arg11[%get3A_799, %get3A_800] {strides = array<i32>} : memref<16x128xf32, #tpu.memory_space<vmem>>, vector<16xf32>,
      %add3A_802 = arith.addf %add3A_792, %get3A_801 : vector<16xf32>
      %get3A_803 = arith.constant 15 : i32
      %get3A_804 = arith.index_cast %get3A_803 : i32 to index
      %get3A_805 = arith.constant 48 : index
      %get3A_806 = tpu.vector_load %arg12[%get3A_804, %get3A_805] {strides = array<i32>} : memref<16x128xi32, #tpu.memory_space<vmem>>, vector<16xi32>,
      %add3A_807 = arith.addi %add3A_797, %get3A_806 : vector<16xi32>
      %convert_element_type3A_808 = arith.sitofp %add3A_807 : vector<16xi32> to vector<16xf32>
      %sub3A_809 = arith.constant 1.000000e+00 : f32
      %sub3A_810 = vector.broadcast %sub3A_809 : f32 to vector<16xf32>
      %sub3A_811 = arith.subf %convert_element_type3A_808, %sub3A_810 : vector<16xf32>
      %mul3A_812 = arith.constant 3.000000e+00 : f32
      %mul3A_813 = vector.broadcast %mul3A_812 : f32 to vector<16xf32>
      %mul3A_814 = arith.mulf %mul3A_813, %sub3A_811 : vector<16xf32>
      %mul3A_815 = arith.constant 2.00013194E-4 : f32
      %mul3A_816 = vector.broadcast %mul3A_815 : f32 to vector<16xf32>
      %mul3A_817 = arith.mulf %mul3A_814, %mul3A_816 : vector<16xf32>
      %mul3A_818 = arith.constant 0.999599993 : f32
      %mul3A_819 = vector.broadcast %mul3A_818 : f32 to vector<16xf32>
      %mul3A_820 = arith.mulf %mul3A_814, %mul3A_819 : vector<16xf32>
      %mul3A_821 = arith.constant 5.000000e-01 : f32
      %mul3A_822 = vector.broadcast %mul3A_821 : f32 to vector<16xf32>
      %mul3A_823 = arith.mulf %mul3A_822, %mul3A_820 : vector<16xf32>
      %add3A_824 = arith.addf %mul3A_817, %mul3A_823 : vector<16xf32>
      %mul3A_825 = arith.constant 5.000000e-01 : f32
      %mul3A_826 = vector.broadcast %mul3A_825 : f32 to vector<16xf32>
      %mul3A_827 = arith.mulf %mul3A_826, %mul3A_814 : vector<16xf32>
      %sub3A_828 = arith.subf %add3A_824, %mul3A_827 : vector<16xf32>
      %mul3A_829 = arith.constant 0.000000e+00 : f32
      %mul3A_830 = vector.broadcast %mul3A_829 : f32 to vector<16xf32>
      %mul3A_831 = arith.mulf %convert_element_type3A_808, %mul3A_830 : vector<16xf32>
      %mul3A_832 = arith.mulf %convert_element_type3A_808, %sub3A_828 : vector<16xf32>
      %add3A_833 = arith.addf %mul3A_831, %mul3A_832 : vector<16xf32>
      %mul3A_834 = arith.constant 3.99996643E-4 : f32
      %mul3A_835 = vector.broadcast %mul3A_834 : f32 to vector<16xf32>
      %mul3A_836 = arith.mulf %mul3A_835, %add3A_802 : vector<16xf32>
      %mul3A_837 = arith.constant 5.000000e-01 : f32
      %mul3A_838 = vector.broadcast %mul3A_837 : f32 to vector<16xf32>
      %mul3A_839 = arith.mulf %mul3A_838, %mul3A_836 : vector<16xf32>
      %add3A_840 = arith.addf %add3A_833, %mul3A_839 : vector<16xf32>
      %swap3A_841 = arith.constant 48 : index
      %swap3A_842 = tpu.vector_load %arg13[%swap3A_841] {strides = array<i32>} : memref<128xf32, #tpu.memory_space<vmem>>, vector<16xf32>,
      tpu.vector_store %arg13[%swap3A_841], %add3A_840 {strides = array<i32>} : memref<128xf32, #tpu.memory_space<vmem>>, vector<16xf32>,
      %get3A_843 = arith.constant 0 : i32
      %get3A_844 = arith.index_cast %get3A_843 : i32 to index
      %get3A_845 = arith.constant 64 : index
      %get3A_846 = tpu.vector_load %arg11[%get3A_844, %get3A_845] {strides = array<i32>} : memref<16x128xf32, #tpu.memory_space<vmem>>, vector<16xf32>,
      %get3A_847 = arith.constant 0 : i32
      %get3A_848 = arith.index_cast %get3A_847 : i32 to index
      %get3A_849 = arith.constant 64 : index
      %get3A_850 = tpu.vector_load %arg12[%get3A_848, %get3A_849] {strides = array<i32>} : memref<16x128xi32, #tpu.memory_space<vmem>>, vector<16xi32>,
      %get3A_851 = arith.constant 1 : i32
      %get3A_852 = arith.index_cast %get3A_851 : i32 to index
      %get3A_853 = arith.constant 64 : index
      %get3A_854 = tpu.vector_load %arg11[%get3A_852, %get3A_853] {strides = array<i32>} : memref<16x128xf32, #tpu.memory_space<vmem>>, vector<16xf32>,
      %add3A_855 = arith.addf %get3A_846, %get3A_854 : vector<16xf32>
      %get3A_856 = arith.constant 1 : i32
      %get3A_857 = arith.index_cast %get3A_856 : i32 to index
      %get3A_858 = arith.constant 64 : index
      %get3A_859 = tpu.vector_load %arg12[%get3A_857, %get3A_858] {strides = array<i32>} : memref<16x128xi32, #tpu.memory_space<vmem>>, vector<16xi32>,
      %add3A_860 = arith.addi %get3A_850, %get3A_859 : vector<16xi32>
      %get3A_861 = arith.constant 2 : i32
      %get3A_862 = arith.index_cast %get3A_861 : i32 to index
      %get3A_863 = arith.constant 64 : index
      %get3A_864 = tpu.vector_load %arg11[%get3A_862, %get3A_863] {strides = array<i32>} : memref<16x128xf32, #tpu.memory_space<vmem>>, vector<16xf32>,
      %add3A_865 = arith.addf %add3A_855, %get3A_864 : vector<16xf32>
      %get3A_866 = arith.constant 2 : i32
      %get3A_867 = arith.index_cast %get3A_866 : i32 to index
      %get3A_868 = arith.constant 64 : index
      %get3A_869 = tpu.vector_load %arg12[%get3A_867, %get3A_868] {strides = array<i32>} : memref<16x128xi32, #tpu.memory_space<vmem>>, vector<16xi32>,
      %add3A_870 = arith.addi %add3A_860, %get3A_869 : vector<16xi32>
      %get3A_871 = arith.constant 3 : i32
      %get3A_872 = arith.index_cast %get3A_871 : i32 to index
      %get3A_873 = arith.constant 64 : index
      %get3A_874 = tpu.vector_load %arg11[%get3A_872, %get3A_873] {strides = array<i32>} : memref<16x128xf32, #tpu.memory_space<vmem>>, vector<16xf32>,
      %add3A_875 = arith.addf %add3A_865, %get3A_874 : vector<16xf32>
      %get3A_876 = arith.constant 3 : i32
      %get3A_877 = arith.index_cast %get3A_876 : i32 to index
      %get3A_878 = arith.constant 64 : index
      %get3A_879 = tpu.vector_load %arg12[%get3A_877, %get3A_878] {strides = array<i32>} : memref<16x128xi32, #tpu.memory_space<vmem>>, vector<16xi32>,
      %add3A_880 = arith.addi %add3A_870, %get3A_879 : vector<16xi32>
      %get3A_881 = arith.constant 4 : i32
      %get3A_882 = arith.index_cast %get3A_881 : i32 to index
      %get3A_883 = arith.constant 64 : index
      %get3A_884 = tpu.vector_load %arg11[%get3A_882, %get3A_883] {strides = array<i32>} : memref<16x128xf32, #tpu.memory_space<vmem>>, vector<16xf32>,
      %add3A_885 = arith.addf %add3A_875, %get3A_884 : vector<16xf32>
      %get3A_886 = arith.constant 4 : i32
      %get3A_887 = arith.index_cast %get3A_886 : i32 to index
      %get3A_888 = arith.constant 64 : index
      %get3A_889 = tpu.vector_load %arg12[%get3A_887, %get3A_888] {strides = array<i32>} : memref<16x128xi32, #tpu.memory_space<vmem>>, vector<16xi32>,
      %add3A_890 = arith.addi %add3A_880, %get3A_889 : vector<16xi32>
      %get3A_891 = arith.constant 5 : i32
      %get3A_892 = arith.index_cast %get3A_891 : i32 to index
      %get3A_893 = arith.constant 64 : index
      %get3A_894 = tpu.vector_load %arg11[%get3A_892, %get3A_893] {strides = array<i32>} : memref<16x128xf32, #tpu.memory_space<vmem>>, vector<16xf32>,
      %add3A_895 = arith.addf %add3A_885, %get3A_894 : vector<16xf32>
      %get3A_896 = arith.constant 5 : i32
      %get3A_897 = arith.index_cast %get3A_896 : i32 to index
      %get3A_898 = arith.constant 64 : index
      %get3A_899 = tpu.vector_load %arg12[%get3A_897, %get3A_898] {strides = array<i32>} : memref<16x128xi32, #tpu.memory_space<vmem>>, vector<16xi32>,
      %add3A_900 = arith.addi %add3A_890, %get3A_899 : vector<16xi32>
      %get3A_901 = arith.constant 6 : i32
      %get3A_902 = arith.index_cast %get3A_901 : i32 to index
      %get3A_903 = arith.constant 64 : index
      %get3A_904 = tpu.vector_load %arg11[%get3A_902, %get3A_903] {strides = array<i32>} : memref<16x128xf32, #tpu.memory_space<vmem>>, vector<16xf32>,
      %add3A_905 = arith.addf %add3A_895, %get3A_904 : vector<16xf32>
      %get3A_906 = arith.constant 6 : i32
      %get3A_907 = arith.index_cast %get3A_906 : i32 to index
      %get3A_908 = arith.constant 64 : index
      %get3A_909 = tpu.vector_load %arg12[%get3A_907, %get3A_908] {strides = array<i32>} : memref<16x128xi32, #tpu.memory_space<vmem>>, vector<16xi32>,
      %add3A_910 = arith.addi %add3A_900, %get3A_909 : vector<16xi32>
      %get3A_911 = arith.constant 7 : i32
      %get3A_912 = arith.index_cast %get3A_911 : i32 to index
      %get3A_913 = arith.constant 64 : index
      %get3A_914 = tpu.vector_load %arg11[%get3A_912, %get3A_913] {strides = array<i32>} : memref<16x128xf32, #tpu.memory_space<vmem>>, vector<16xf32>,
      %add3A_915 = arith.addf %add3A_905, %get3A_914 : vector<16xf32>
      %get3A_916 = arith.constant 7 : i32
      %get3A_917 = arith.index_cast %get3A_916 : i32 to index
      %get3A_918 = arith.constant 64 : index
      %get3A_919 = tpu.vector_load %arg12[%get3A_917, %get3A_918] {strides = array<i32>} : memref<16x128xi32, #tpu.memory_space<vmem>>, vector<16xi32>,
      %add3A_920 = arith.addi %add3A_910, %get3A_919 : vector<16xi32>
      %get3A_921 = arith.constant 8 : i32
      %get3A_922 = arith.index_cast %get3A_921 : i32 to index
      %get3A_923 = arith.constant 64 : index
      %get3A_924 = tpu.vector_load %arg11[%get3A_922, %get3A_923] {strides = array<i32>} : memref<16x128xf32, #tpu.memory_space<vmem>>, vector<16xf32>,
      %add3A_925 = arith.addf %add3A_915, %get3A_924 : vector<16xf32>
      %get3A_926 = arith.constant 8 : i32
      %get3A_927 = arith.index_cast %get3A_926 : i32 to index
      %get3A_928 = arith.constant 64 : index
      %get3A_929 = tpu.vector_load %arg12[%get3A_927, %get3A_928] {strides = array<i32>} : memref<16x128xi32, #tpu.memory_space<vmem>>, vector<16xi32>,
      %add3A_930 = arith.addi %add3A_920, %get3A_929 : vector<16xi32>
      %get3A_931 = arith.constant 9 : i32
      %get3A_932 = arith.index_cast %get3A_931 : i32 to index
      %get3A_933 = arith.constant 64 : index
      %get3A_934 = tpu.vector_load %arg11[%get3A_932, %get3A_933] {strides = array<i32>} : memref<16x128xf32, #tpu.memory_space<vmem>>, vector<16xf32>,
      %add3A_935 = arith.addf %add3A_925, %get3A_934 : vector<16xf32>
      %get3A_936 = arith.constant 9 : i32
      %get3A_937 = arith.index_cast %get3A_936 : i32 to index
      %get3A_938 = arith.constant 64 : index
      %get3A_939 = tpu.vector_load %arg12[%get3A_937, %get3A_938] {strides = array<i32>} : memref<16x128xi32, #tpu.memory_space<vmem>>, vector<16xi32>,
      %add3A_940 = arith.addi %add3A_930, %get3A_939 : vector<16xi32>
      %get3A_941 = arith.constant 10 : i32
      %get3A_942 = arith.index_cast %get3A_941 : i32 to index
      %get3A_943 = arith.constant 64 : index
      %get3A_944 = tpu.vector_load %arg11[%get3A_942, %get3A_943] {strides = array<i32>} : memref<16x128xf32, #tpu.memory_space<vmem>>, vector<16xf32>,
      %add3A_945 = arith.addf %add3A_935, %get3A_944 : vector<16xf32>
      %get3A_946 = arith.constant 10 : i32
      %get3A_947 = arith.index_cast %get3A_946 : i32 to index
      %get3A_948 = arith.constant 64 : index
      %get3A_949 = tpu.vector_load %arg12[%get3A_947, %get3A_948] {strides = array<i32>} : memref<16x128xi32, #tpu.memory_space<vmem>>, vector<16xi32>,
      %add3A_950 = arith.addi %add3A_940, %get3A_949 : vector<16xi32>
      %get3A_951 = arith.constant 11 : i32
      %get3A_952 = arith.index_cast %get3A_951 : i32 to index
      %get3A_953 = arith.constant 64 : index
      %get3A_954 = tpu.vector_load %arg11[%get3A_952, %get3A_953] {strides = array<i32>} : memref<16x128xf32, #tpu.memory_space<vmem>>, vector<16xf32>,
      %add3A_955 = arith.addf %add3A_945, %get3A_954 : vector<16xf32>
      %get3A_956 = arith.constant 11 : i32
      %get3A_957 = arith.index_cast %get3A_956 : i32 to index
      %get3A_958 = arith.constant 64 : index
      %get3A_959 = tpu.vector_load %arg12[%get3A_957, %get3A_958] {strides = array<i32>} : memref<16x128xi32, #tpu.memory_space<vmem>>, vector<16xi32>,
      %add3A_960 = arith.addi %add3A_950, %get3A_959 : vector<16xi32>
      %get3A_961 = arith.constant 12 : i32
      %get3A_962 = arith.index_cast %get3A_961 : i32 to index
      %get3A_963 = arith.constant 64 : index
      %get3A_964 = tpu.vector_load %arg11[%get3A_962, %get3A_963] {strides = array<i32>} : memref<16x128xf32, #tpu.memory_space<vmem>>, vector<16xf32>,
      %add3A_965 = arith.addf %add3A_955, %get3A_964 : vector<16xf32>
      %get3A_966 = arith.constant 12 : i32
      %get3A_967 = arith.index_cast %get3A_966 : i32 to index
      %get3A_968 = arith.constant 64 : index
      %get3A_969 = tpu.vector_load %arg12[%get3A_967, %get3A_968] {strides = array<i32>} : memref<16x128xi32, #tpu.memory_space<vmem>>, vector<16xi32>,
      %add3A_970 = arith.addi %add3A_960, %get3A_969 : vector<16xi32>
      %get3A_971 = arith.constant 13 : i32
      %get3A_972 = arith.index_cast %get3A_971 : i32 to index
      %get3A_973 = arith.constant 64 : index
      %get3A_974 = tpu.vector_load %arg11[%get3A_972, %get3A_973] {strides = array<i32>} : memref<16x128xf32, #tpu.memory_space<vmem>>, vector<16xf32>,
      %add3A_975 = arith.addf %add3A_965, %get3A_974 : vector<16xf32>
      %get3A_976 = arith.constant 13 : i32
      %get3A_977 = arith.index_cast %get3A_976 : i32 to index
      %get3A_978 = arith.constant 64 : index
      %get3A_979 = tpu.vector_load %arg12[%get3A_977, %get3A_978] {strides = array<i32>} : memref<16x128xi32, #tpu.memory_space<vmem>>, vector<16xi32>,
      %add3A_980 = arith.addi %add3A_970, %get3A_979 : vector<16xi32>
      %get3A_981 = arith.constant 14 : i32
      %get3A_982 = arith.index_cast %get3A_981 : i32 to index
      %get3A_983 = arith.constant 64 : index
      %get3A_984 = tpu.vector_load %arg11[%get3A_982, %get3A_983] {strides = array<i32>} : memref<16x128xf32, #tpu.memory_space<vmem>>, vector<16xf32>,
      %add3A_985 = arith.addf %add3A_975, %get3A_984 : vector<16xf32>
      %get3A_986 = arith.constant 14 : i32
      %get3A_987 = arith.index_cast %get3A_986 : i32 to index
      %get3A_988 = arith.constant 64 : index
      %get3A_989 = tpu.vector_load %arg12[%get3A_987, %get3A_988] {strides = array<i32>} : memref<16x128xi32, #tpu.memory_space<vmem>>, vector<16xi32>,
      %add3A_990 = arith.addi %add3A_980, %get3A_989 : vector<16xi32>
      %get3A_991 = arith.constant 15 : i32
      %get3A_992 = arith.index_cast %get3A_991 : i32 to index
      %get3A_993 = arith.constant 64 : index
      %get3A_994 = tpu.vector_load %arg11[%get3A_992, %get3A_993] {strides = array<i32>} : memref<16x128xf32, #tpu.memory_space<vmem>>, vector<16xf32>,
      %add3A_995 = arith.addf %add3A_985, %get3A_994 : vector<16xf32>
      %get3A_996 = arith.constant 15 : i32
      %get3A_997 = arith.index_cast %get3A_996 : i32 to index
      %get3A_998 = arith.constant 64 : index
      %get3A_999 = tpu.vector_load %arg12[%get3A_997, %get3A_998] {strides = array<i32>} : memref<16x128xi32, #tpu.memory_space<vmem>>, vector<16xi32>,
      %add3A_1000 = arith.addi %add3A_990, %get3A_999 : vector<16xi32>
      %convert_element_type3A_1001 = arith.sitofp %add3A_1000 : vector<16xi32> to vector<16xf32>
      %sub3A_1002 = arith.constant 1.000000e+00 : f32
      %sub3A_1003 = vector.broadcast %sub3A_1002 : f32 to vector<16xf32>
      %sub3A_1004 = arith.subf %convert_element_type3A_1001, %sub3A_1003 : vector<16xf32>
      %mul3A_1005 = arith.constant 3.000000e+00 : f32
      %mul3A_1006 = vector.broadcast %mul3A_1005 : f32 to vector<16xf32>
      %mul3A_1007 = arith.mulf %mul3A_1006, %sub3A_1004 : vector<16xf32>
      %mul3A_1008 = arith.constant 2.00013194E-4 : f32
      %mul3A_1009 = vector.broadcast %mul3A_1008 : f32 to vector<16xf32>
      %mul3A_1010 = arith.mulf %mul3A_1007, %mul3A_1009 : vector<16xf32>
      %mul3A_1011 = arith.constant 0.999599993 : f32
      %mul3A_1012 = vector.broadcast %mul3A_1011 : f32 to vector<16xf32>
      %mul3A_1013 = arith.mulf %mul3A_1007, %mul3A_1012 : vector<16xf32>
      %mul3A_1014 = arith.constant 5.000000e-01 : f32
      %mul3A_1015 = vector.broadcast %mul3A_1014 : f32 to vector<16xf32>
      %mul3A_1016 = arith.mulf %mul3A_1015, %mul3A_1013 : vector<16xf32>
      %add3A_1017 = arith.addf %mul3A_1010, %mul3A_1016 : vector<16xf32>
      %mul3A_1018 = arith.constant 5.000000e-01 : f32
      %mul3A_1019 = vector.broadcast %mul3A_1018 : f32 to vector<16xf32>
      %mul3A_1020 = arith.mulf %mul3A_1019, %mul3A_1007 : vector<16xf32>
      %sub3A_1021 = arith.subf %add3A_1017, %mul3A_1020 : vector<16xf32>
      %mul3A_1022 = arith.constant 0.000000e+00 : f32
      %mul3A_1023 = vector.broadcast %mul3A_1022 : f32 to vector<16xf32>
      %mul3A_1024 = arith.mulf %convert_element_type3A_1001, %mul3A_1023 : vector<16xf32>
      %mul3A_1025 = arith.mulf %convert_element_type3A_1001, %sub3A_1021 : vector<16xf32>
      %add3A_1026 = arith.addf %mul3A_1024, %mul3A_1025 : vector<16xf32>
      %mul3A_1027 = arith.constant 3.99996643E-4 : f32
      %mul3A_1028 = vector.broadcast %mul3A_1027 : f32 to vector<16xf32>
      %mul3A_1029 = arith.mulf %mul3A_1028, %add3A_995 : vector<16xf32>
      %mul3A_1030 = arith.constant 5.000000e-01 : f32
      %mul3A_1031 = vector.broadcast %mul3A_1030 : f32 to vector<16xf32>
      %mul3A_1032 = arith.mulf %mul3A_1031, %mul3A_1029 : vector<16xf32>
      %add3A_1033 = arith.addf %add3A_1026, %mul3A_1032 : vector<16xf32>
      %swap3A_1034 = arith.constant 64 : index
      %swap3A_1035 = tpu.vector_load %arg13[%swap3A_1034] {strides = array<i32>} : memref<128xf32, #tpu.memory_space<vmem>>, vector<16xf32>,
      tpu.vector_store %arg13[%swap3A_1034], %add3A_1033 {strides = array<i32>} : memref<128xf32, #tpu.memory_space<vmem>>, vector<16xf32>,
      %get3A_1036 = arith.constant 0 : i32
      %get3A_1037 = arith.index_cast %get3A_1036 : i32 to index
      %get3A_1038 = arith.constant 80 : index
      %get3A_1039 = tpu.vector_load %arg11[%get3A_1037, %get3A_1038] {strides = array<i32>} : memref<16x128xf32, #tpu.memory_space<vmem>>, vector<16xf32>,
      %get3A_1040 = arith.constant 0 : i32
      %get3A_1041 = arith.index_cast %get3A_1040 : i32 to index
      %get3A_1042 = arith.constant 80 : index
      %get3A_1043 = tpu.vector_load %arg12[%get3A_1041, %get3A_1042] {strides = array<i32>} : memref<16x128xi32, #tpu.memory_space<vmem>>, vector<16xi32>,
      %get3A_1044 = arith.constant 1 : i32
      %get3A_1045 = arith.index_cast %get3A_1044 : i32 to index
      %get3A_1046 = arith.constant 80 : index
      %get3A_1047 = tpu.vector_load %arg11[%get3A_1045, %get3A_1046] {strides = array<i32>} : memref<16x128xf32, #tpu.memory_space<vmem>>, vector<16xf32>,
      %add3A_1048 = arith.addf %get3A_1039, %get3A_1047 : vector<16xf32>
      %get3A_1049 = arith.constant 1 : i32
      %get3A_1050 = arith.index_cast %get3A_1049 : i32 to index
      %get3A_1051 = arith.constant 80 : index
      %get3A_1052 = tpu.vector_load %arg12[%get3A_1050, %get3A_1051] {strides = array<i32>} : memref<16x128xi32, #tpu.memory_space<vmem>>, vector<16xi32>,
      %add3A_1053 = arith.addi %get3A_1043, %get3A_1052 : vector<16xi32>
      %get3A_1054 = arith.constant 2 : i32
      %get3A_1055 = arith.index_cast %get3A_1054 : i32 to index
      %get3A_1056 = arith.constant 80 : index
      %get3A_1057 = tpu.vector_load %arg11[%get3A_1055, %get3A_1056] {strides = array<i32>} : memref<16x128xf32, #tpu.memory_space<vmem>>, vector<16xf32>,
      %add3A_1058 = arith.addf %add3A_1048, %get3A_1057 : vector<16xf32>
      %get3A_1059 = arith.constant 2 : i32
      %get3A_1060 = arith.index_cast %get3A_1059 : i32 to index
      %get3A_1061 = arith.constant 80 : index
      %get3A_1062 = tpu.vector_load %arg12[%get3A_1060, %get3A_1061] {strides = array<i32>} : memref<16x128xi32, #tpu.memory_space<vmem>>, vector<16xi32>,
      %add3A_1063 = arith.addi %add3A_1053, %get3A_1062 : vector<16xi32>
      %get3A_1064 = arith.constant 3 : i32
      %get3A_1065 = arith.index_cast %get3A_1064 : i32 to index
      %get3A_1066 = arith.constant 80 : index
      %get3A_1067 = tpu.vector_load %arg11[%get3A_1065, %get3A_1066] {strides = array<i32>} : memref<16x128xf32, #tpu.memory_space<vmem>>, vector<16xf32>,
      %add3A_1068 = arith.addf %add3A_1058, %get3A_1067 : vector<16xf32>
      %get3A_1069 = arith.constant 3 : i32
      %get3A_1070 = arith.index_cast %get3A_1069 : i32 to index
      %get3A_1071 = arith.constant 80 : index
      %get3A_1072 = tpu.vector_load %arg12[%get3A_1070, %get3A_1071] {strides = array<i32>} : memref<16x128xi32, #tpu.memory_space<vmem>>, vector<16xi32>,
      %add3A_1073 = arith.addi %add3A_1063, %get3A_1072 : vector<16xi32>
      %get3A_1074 = arith.constant 4 : i32
      %get3A_1075 = arith.index_cast %get3A_1074 : i32 to index
      %get3A_1076 = arith.constant 80 : index
      %get3A_1077 = tpu.vector_load %arg11[%get3A_1075, %get3A_1076] {strides = array<i32>} : memref<16x128xf32, #tpu.memory_space<vmem>>, vector<16xf32>,
      %add3A_1078 = arith.addf %add3A_1068, %get3A_1077 : vector<16xf32>
      %get3A_1079 = arith.constant 4 : i32
      %get3A_1080 = arith.index_cast %get3A_1079 : i32 to index
      %get3A_1081 = arith.constant 80 : index
      %get3A_1082 = tpu.vector_load %arg12[%get3A_1080, %get3A_1081] {strides = array<i32>} : memref<16x128xi32, #tpu.memory_space<vmem>>, vector<16xi32>,
      %add3A_1083 = arith.addi %add3A_1073, %get3A_1082 : vector<16xi32>
      %get3A_1084 = arith.constant 5 : i32
      %get3A_1085 = arith.index_cast %get3A_1084 : i32 to index
      %get3A_1086 = arith.constant 80 : index
      %get3A_1087 = tpu.vector_load %arg11[%get3A_1085, %get3A_1086] {strides = array<i32>} : memref<16x128xf32, #tpu.memory_space<vmem>>, vector<16xf32>,
      %add3A_1088 = arith.addf %add3A_1078, %get3A_1087 : vector<16xf32>
      %get3A_1089 = arith.constant 5 : i32
      %get3A_1090 = arith.index_cast %get3A_1089 : i32 to index
      %get3A_1091 = arith.constant 80 : index
      %get3A_1092 = tpu.vector_load %arg12[%get3A_1090, %get3A_1091] {strides = array<i32>} : memref<16x128xi32, #tpu.memory_space<vmem>>, vector<16xi32>,
      %add3A_1093 = arith.addi %add3A_1083, %get3A_1092 : vector<16xi32>
      %get3A_1094 = arith.constant 6 : i32
      %get3A_1095 = arith.index_cast %get3A_1094 : i32 to index
      %get3A_1096 = arith.constant 80 : index
      %get3A_1097 = tpu.vector_load %arg11[%get3A_1095, %get3A_1096] {strides = array<i32>} : memref<16x128xf32, #tpu.memory_space<vmem>>, vector<16xf32>,
      %add3A_1098 = arith.addf %add3A_1088, %get3A_1097 : vector<16xf32>
      %get3A_1099 = arith.constant 6 : i32
      %get3A_1100 = arith.index_cast %get3A_1099 : i32 to index
      %get3A_1101 = arith.constant 80 : index
      %get3A_1102 = tpu.vector_load %arg12[%get3A_1100, %get3A_1101] {strides = array<i32>} : memref<16x128xi32, #tpu.memory_space<vmem>>, vector<16xi32>,
      %add3A_1103 = arith.addi %add3A_1093, %get3A_1102 : vector<16xi32>
      %get3A_1104 = arith.constant 7 : i32
      %get3A_1105 = arith.index_cast %get3A_1104 : i32 to index
      %get3A_1106 = arith.constant 80 : index
      %get3A_1107 = tpu.vector_load %arg11[%get3A_1105, %get3A_1106] {strides = array<i32>} : memref<16x128xf32, #tpu.memory_space<vmem>>, vector<16xf32>,
      %add3A_1108 = arith.addf %add3A_1098, %get3A_1107 : vector<16xf32>
      %get3A_1109 = arith.constant 7 : i32
      %get3A_1110 = arith.index_cast %get3A_1109 : i32 to index
      %get3A_1111 = arith.constant 80 : index
      %get3A_1112 = tpu.vector_load %arg12[%get3A_1110, %get3A_1111] {strides = array<i32>} : memref<16x128xi32, #tpu.memory_space<vmem>>, vector<16xi32>,
      %add3A_1113 = arith.addi %add3A_1103, %get3A_1112 : vector<16xi32>
      %get3A_1114 = arith.constant 8 : i32
      %get3A_1115 = arith.index_cast %get3A_1114 : i32 to index
      %get3A_1116 = arith.constant 80 : index
      %get3A_1117 = tpu.vector_load %arg11[%get3A_1115, %get3A_1116] {strides = array<i32>} : memref<16x128xf32, #tpu.memory_space<vmem>>, vector<16xf32>,
      %add3A_1118 = arith.addf %add3A_1108, %get3A_1117 : vector<16xf32>
      %get3A_1119 = arith.constant 8 : i32
      %get3A_1120 = arith.index_cast %get3A_1119 : i32 to index
      %get3A_1121 = arith.constant 80 : index
      %get3A_1122 = tpu.vector_load %arg12[%get3A_1120, %get3A_1121] {strides = array<i32>} : memref<16x128xi32, #tpu.memory_space<vmem>>, vector<16xi32>,
      %add3A_1123 = arith.addi %add3A_1113, %get3A_1122 : vector<16xi32>
      %get3A_1124 = arith.constant 9 : i32
      %get3A_1125 = arith.index_cast %get3A_1124 : i32 to index
      %get3A_1126 = arith.constant 80 : index
      %get3A_1127 = tpu.vector_load %arg11[%get3A_1125, %get3A_1126] {strides = array<i32>} : memref<16x128xf32, #tpu.memory_space<vmem>>, vector<16xf32>,
      %add3A_1128 = arith.addf %add3A_1118, %get3A_1127 : vector<16xf32>
      %get3A_1129 = arith.constant 9 : i32
      %get3A_1130 = arith.index_cast %get3A_1129 : i32 to index
      %get3A_1131 = arith.constant 80 : index
      %get3A_1132 = tpu.vector_load %arg12[%get3A_1130, %get3A_1131] {strides = array<i32>} : memref<16x128xi32, #tpu.memory_space<vmem>>, vector<16xi32>,
      %add3A_1133 = arith.addi %add3A_1123, %get3A_1132 : vector<16xi32>
      %get3A_1134 = arith.constant 10 : i32
      %get3A_1135 = arith.index_cast %get3A_1134 : i32 to index
      %get3A_1136 = arith.constant 80 : index
      %get3A_1137 = tpu.vector_load %arg11[%get3A_1135, %get3A_1136] {strides = array<i32>} : memref<16x128xf32, #tpu.memory_space<vmem>>, vector<16xf32>,
      %add3A_1138 = arith.addf %add3A_1128, %get3A_1137 : vector<16xf32>
      %get3A_1139 = arith.constant 10 : i32
      %get3A_1140 = arith.index_cast %get3A_1139 : i32 to index
      %get3A_1141 = arith.constant 80 : index
      %get3A_1142 = tpu.vector_load %arg12[%get3A_1140, %get3A_1141] {strides = array<i32>} : memref<16x128xi32, #tpu.memory_space<vmem>>, vector<16xi32>,
      %add3A_1143 = arith.addi %add3A_1133, %get3A_1142 : vector<16xi32>
      %get3A_1144 = arith.constant 11 : i32
      %get3A_1145 = arith.index_cast %get3A_1144 : i32 to index
      %get3A_1146 = arith.constant 80 : index
      %get3A_1147 = tpu.vector_load %arg11[%get3A_1145, %get3A_1146] {strides = array<i32>} : memref<16x128xf32, #tpu.memory_space<vmem>>, vector<16xf32>,
      %add3A_1148 = arith.addf %add3A_1138, %get3A_1147 : vector<16xf32>
      %get3A_1149 = arith.constant 11 : i32
      %get3A_1150 = arith.index_cast %get3A_1149 : i32 to index
      %get3A_1151 = arith.constant 80 : index
      %get3A_1152 = tpu.vector_load %arg12[%get3A_1150, %get3A_1151] {strides = array<i32>} : memref<16x128xi32, #tpu.memory_space<vmem>>, vector<16xi32>,
      %add3A_1153 = arith.addi %add3A_1143, %get3A_1152 : vector<16xi32>
      %get3A_1154 = arith.constant 12 : i32
      %get3A_1155 = arith.index_cast %get3A_1154 : i32 to index
      %get3A_1156 = arith.constant 80 : index
      %get3A_1157 = tpu.vector_load %arg11[%get3A_1155, %get3A_1156] {strides = array<i32>} : memref<16x128xf32, #tpu.memory_space<vmem>>, vector<16xf32>,
      %add3A_1158 = arith.addf %add3A_1148, %get3A_1157 : vector<16xf32>
      %get3A_1159 = arith.constant 12 : i32
      %get3A_1160 = arith.index_cast %get3A_1159 : i32 to index
      %get3A_1161 = arith.constant 80 : index
      %get3A_1162 = tpu.vector_load %arg12[%get3A_1160, %get3A_1161] {strides = array<i32>} : memref<16x128xi32, #tpu.memory_space<vmem>>, vector<16xi32>,
      %add3A_1163 = arith.addi %add3A_1153, %get3A_1162 : vector<16xi32>
      %get3A_1164 = arith.constant 13 : i32
      %get3A_1165 = arith.index_cast %get3A_1164 : i32 to index
      %get3A_1166 = arith.constant 80 : index
      %get3A_1167 = tpu.vector_load %arg11[%get3A_1165, %get3A_1166] {strides = array<i32>} : memref<16x128xf32, #tpu.memory_space<vmem>>, vector<16xf32>,
      %add3A_1168 = arith.addf %add3A_1158, %get3A_1167 : vector<16xf32>
      %get3A_1169 = arith.constant 13 : i32
      %get3A_1170 = arith.index_cast %get3A_1169 : i32 to index
      %get3A_1171 = arith.constant 80 : index
      %get3A_1172 = tpu.vector_load %arg12[%get3A_1170, %get3A_1171] {strides = array<i32>} : memref<16x128xi32, #tpu.memory_space<vmem>>, vector<16xi32>,
      %add3A_1173 = arith.addi %add3A_1163, %get3A_1172 : vector<16xi32>
      %get3A_1174 = arith.constant 14 : i32
      %get3A_1175 = arith.index_cast %get3A_1174 : i32 to index
      %get3A_1176 = arith.constant 80 : index
      %get3A_1177 = tpu.vector_load %arg11[%get3A_1175, %get3A_1176] {strides = array<i32>} : memref<16x128xf32, #tpu.memory_space<vmem>>, vector<16xf32>,
      %add3A_1178 = arith.addf %add3A_1168, %get3A_1177 : vector<16xf32>
      %get3A_1179 = arith.constant 14 : i32
      %get3A_1180 = arith.index_cast %get3A_1179 : i32 to index
      %get3A_1181 = arith.constant 80 : index
      %get3A_1182 = tpu.vector_load %arg12[%get3A_1180, %get3A_1181] {strides = array<i32>} : memref<16x128xi32, #tpu.memory_space<vmem>>, vector<16xi32>,
      %add3A_1183 = arith.addi %add3A_1173, %get3A_1182 : vector<16xi32>
      %get3A_1184 = arith.constant 15 : i32
      %get3A_1185 = arith.index_cast %get3A_1184 : i32 to index
      %get3A_1186 = arith.constant 80 : index
      %get3A_1187 = tpu.vector_load %arg11[%get3A_1185, %get3A_1186] {strides = array<i32>} : memref<16x128xf32, #tpu.memory_space<vmem>>, vector<16xf32>,
      %add3A_1188 = arith.addf %add3A_1178, %get3A_1187 : vector<16xf32>
      %get3A_1189 = arith.constant 15 : i32
      %get3A_1190 = arith.index_cast %get3A_1189 : i32 to index
      %get3A_1191 = arith.constant 80 : index
      %get3A_1192 = tpu.vector_load %arg12[%get3A_1190, %get3A_1191] {strides = array<i32>} : memref<16x128xi32, #tpu.memory_space<vmem>>, vector<16xi32>,
      %add3A_1193 = arith.addi %add3A_1183, %get3A_1192 : vector<16xi32>
      %convert_element_type3A_1194 = arith.sitofp %add3A_1193 : vector<16xi32> to vector<16xf32>
      %sub3A_1195 = arith.constant 1.000000e+00 : f32
      %sub3A_1196 = vector.broadcast %sub3A_1195 : f32 to vector<16xf32>
      %sub3A_1197 = arith.subf %convert_element_type3A_1194, %sub3A_1196 : vector<16xf32>
      %mul3A_1198 = arith.constant 3.000000e+00 : f32
      %mul3A_1199 = vector.broadcast %mul3A_1198 : f32 to vector<16xf32>
      %mul3A_1200 = arith.mulf %mul3A_1199, %sub3A_1197 : vector<16xf32>
      %mul3A_1201 = arith.constant 2.00013194E-4 : f32
      %mul3A_1202 = vector.broadcast %mul3A_1201 : f32 to vector<16xf32>
      %mul3A_1203 = arith.mulf %mul3A_1200, %mul3A_1202 : vector<16xf32>
      %mul3A_1204 = arith.constant 0.999599993 : f32
      %mul3A_1205 = vector.broadcast %mul3A_1204 : f32 to vector<16xf32>
      %mul3A_1206 = arith.mulf %mul3A_1200, %mul3A_1205 : vector<16xf32>
      %mul3A_1207 = arith.constant 5.000000e-01 : f32
      %mul3A_1208 = vector.broadcast %mul3A_1207 : f32 to vector<16xf32>
      %mul3A_1209 = arith.mulf %mul3A_1208, %mul3A_1206 : vector<16xf32>
      %add3A_1210 = arith.addf %mul3A_1203, %mul3A_1209 : vector<16xf32>
      %mul3A_1211 = arith.constant 5.000000e-01 : f32
      %mul3A_1212 = vector.broadcast %mul3A_1211 : f32 to vector<16xf32>
      %mul3A_1213 = arith.mulf %mul3A_1212, %mul3A_1200 : vector<16xf32>
      %sub3A_1214 = arith.subf %add3A_1210, %mul3A_1213 : vector<16xf32>
      %mul3A_1215 = arith.constant 0.000000e+00 : f32
      %mul3A_1216 = vector.broadcast %mul3A_1215 : f32 to vector<16xf32>
      %mul3A_1217 = arith.mulf %convert_element_type3A_1194, %mul3A_1216 : vector<16xf32>
      %mul3A_1218 = arith.mulf %convert_element_type3A_1194, %sub3A_1214 : vector<16xf32>
      %add3A_1219 = arith.addf %mul3A_1217, %mul3A_1218 : vector<16xf32>
      %mul3A_1220 = arith.constant 3.99996643E-4 : f32
      %mul3A_1221 = vector.broadcast %mul3A_1220 : f32 to vector<16xf32>
      %mul3A_1222 = arith.mulf %mul3A_1221, %add3A_1188 : vector<16xf32>
      %mul3A_1223 = arith.constant 5.000000e-01 : f32
      %mul3A_1224 = vector.broadcast %mul3A_1223 : f32 to vector<16xf32>
      %mul3A_1225 = arith.mulf %mul3A_1224, %mul3A_1222 : vector<16xf32>
      %add3A_1226 = arith.addf %add3A_1219, %mul3A_1225 : vector<16xf32>
      %swap3A_1227 = arith.constant 80 : index
      %swap3A_1228 = tpu.vector_load %arg13[%swap3A_1227] {strides = array<i32>} : memref<128xf32, #tpu.memory_space<vmem>>, vector<16xf32>,
      tpu.vector_store %arg13[%swap3A_1227], %add3A_1226 {strides = array<i32>} : memref<128xf32, #tpu.memory_space<vmem>>, vector<16xf32>,
      %get3A_1229 = arith.constant 0 : i32
      %get3A_1230 = arith.index_cast %get3A_1229 : i32 to index
      %get3A_1231 = arith.constant 96 : index
      %get3A_1232 = tpu.vector_load %arg11[%get3A_1230, %get3A_1231] {strides = array<i32>} : memref<16x128xf32, #tpu.memory_space<vmem>>, vector<16xf32>,
      %get3A_1233 = arith.constant 0 : i32
      %get3A_1234 = arith.index_cast %get3A_1233 : i32 to index
      %get3A_1235 = arith.constant 96 : index
      %get3A_1236 = tpu.vector_load %arg12[%get3A_1234, %get3A_1235] {strides = array<i32>} : memref<16x128xi32, #tpu.memory_space<vmem>>, vector<16xi32>,
      %get3A_1237 = arith.constant 1 : i32
      %get3A_1238 = arith.index_cast %get3A_1237 : i32 to index
      %get3A_1239 = arith.constant 96 : index
      %get3A_1240 = tpu.vector_load %arg11[%get3A_1238, %get3A_1239] {strides = array<i32>} : memref<16x128xf32, #tpu.memory_space<vmem>>, vector<16xf32>,
      %add3A_1241 = arith.addf %get3A_1232, %get3A_1240 : vector<16xf32>
      %get3A_1242 = arith.constant 1 : i32
      %get3A_1243 = arith.index_cast %get3A_1242 : i32 to index
      %get3A_1244 = arith.constant 96 : index
      %get3A_1245 = tpu.vector_load %arg12[%get3A_1243, %get3A_1244] {strides = array<i32>} : memref<16x128xi32, #tpu.memory_space<vmem>>, vector<16xi32>,
      %add3A_1246 = arith.addi %get3A_1236, %get3A_1245 : vector<16xi32>
      %get3A_1247 = arith.constant 2 : i32
      %get3A_1248 = arith.index_cast %get3A_1247 : i32 to index
      %get3A_1249 = arith.constant 96 : index
      %get3A_1250 = tpu.vector_load %arg11[%get3A_1248, %get3A_1249] {strides = array<i32>} : memref<16x128xf32, #tpu.memory_space<vmem>>, vector<16xf32>,
      %add3A_1251 = arith.addf %add3A_1241, %get3A_1250 : vector<16xf32>
      %get3A_1252 = arith.constant 2 : i32
      %get3A_1253 = arith.index_cast %get3A_1252 : i32 to index
      %get3A_1254 = arith.constant 96 : index
      %get3A_1255 = tpu.vector_load %arg12[%get3A_1253, %get3A_1254] {strides = array<i32>} : memref<16x128xi32, #tpu.memory_space<vmem>>, vector<16xi32>,
      %add3A_1256 = arith.addi %add3A_1246, %get3A_1255 : vector<16xi32>
      %get3A_1257 = arith.constant 3 : i32
      %get3A_1258 = arith.index_cast %get3A_1257 : i32 to index
      %get3A_1259 = arith.constant 96 : index
      %get3A_1260 = tpu.vector_load %arg11[%get3A_1258, %get3A_1259] {strides = array<i32>} : memref<16x128xf32, #tpu.memory_space<vmem>>, vector<16xf32>,
      %add3A_1261 = arith.addf %add3A_1251, %get3A_1260 : vector<16xf32>
      %get3A_1262 = arith.constant 3 : i32
      %get3A_1263 = arith.index_cast %get3A_1262 : i32 to index
      %get3A_1264 = arith.constant 96 : index
      %get3A_1265 = tpu.vector_load %arg12[%get3A_1263, %get3A_1264] {strides = array<i32>} : memref<16x128xi32, #tpu.memory_space<vmem>>, vector<16xi32>,
      %add3A_1266 = arith.addi %add3A_1256, %get3A_1265 : vector<16xi32>
      %get3A_1267 = arith.constant 4 : i32
      %get3A_1268 = arith.index_cast %get3A_1267 : i32 to index
      %get3A_1269 = arith.constant 96 : index
      %get3A_1270 = tpu.vector_load %arg11[%get3A_1268, %get3A_1269] {strides = array<i32>} : memref<16x128xf32, #tpu.memory_space<vmem>>, vector<16xf32>,
      %add3A_1271 = arith.addf %add3A_1261, %get3A_1270 : vector<16xf32>
      %get3A_1272 = arith.constant 4 : i32
      %get3A_1273 = arith.index_cast %get3A_1272 : i32 to index
      %get3A_1274 = arith.constant 96 : index
      %get3A_1275 = tpu.vector_load %arg12[%get3A_1273, %get3A_1274] {strides = array<i32>} : memref<16x128xi32, #tpu.memory_space<vmem>>, vector<16xi32>,
      %add3A_1276 = arith.addi %add3A_1266, %get3A_1275 : vector<16xi32>
      %get3A_1277 = arith.constant 5 : i32
      %get3A_1278 = arith.index_cast %get3A_1277 : i32 to index
      %get3A_1279 = arith.constant 96 : index
      %get3A_1280 = tpu.vector_load %arg11[%get3A_1278, %get3A_1279] {strides = array<i32>} : memref<16x128xf32, #tpu.memory_space<vmem>>, vector<16xf32>,
      %add3A_1281 = arith.addf %add3A_1271, %get3A_1280 : vector<16xf32>
      %get3A_1282 = arith.constant 5 : i32
      %get3A_1283 = arith.index_cast %get3A_1282 : i32 to index
      %get3A_1284 = arith.constant 96 : index
      %get3A_1285 = tpu.vector_load %arg12[%get3A_1283, %get3A_1284] {strides = array<i32>} : memref<16x128xi32, #tpu.memory_space<vmem>>, vector<16xi32>,
      %add3A_1286 = arith.addi %add3A_1276, %get3A_1285 : vector<16xi32>
      %get3A_1287 = arith.constant 6 : i32
      %get3A_1288 = arith.index_cast %get3A_1287 : i32 to index
      %get3A_1289 = arith.constant 96 : index
      %get3A_1290 = tpu.vector_load %arg11[%get3A_1288, %get3A_1289] {strides = array<i32>} : memref<16x128xf32, #tpu.memory_space<vmem>>, vector<16xf32>,
      %add3A_1291 = arith.addf %add3A_1281, %get3A_1290 : vector<16xf32>
      %get3A_1292 = arith.constant 6 : i32
      %get3A_1293 = arith.index_cast %get3A_1292 : i32 to index
      %get3A_1294 = arith.constant 96 : index
      %get3A_1295 = tpu.vector_load %arg12[%get3A_1293, %get3A_1294] {strides = array<i32>} : memref<16x128xi32, #tpu.memory_space<vmem>>, vector<16xi32>,
      %add3A_1296 = arith.addi %add3A_1286, %get3A_1295 : vector<16xi32>
      %get3A_1297 = arith.constant 7 : i32
      %get3A_1298 = arith.index_cast %get3A_1297 : i32 to index
      %get3A_1299 = arith.constant 96 : index
      %get3A_1300 = tpu.vector_load %arg11[%get3A_1298, %get3A_1299] {strides = array<i32>} : memref<16x128xf32, #tpu.memory_space<vmem>>, vector<16xf32>,
      %add3A_1301 = arith.addf %add3A_1291, %get3A_1300 : vector<16xf32>
      %get3A_1302 = arith.constant 7 : i32
      %get3A_1303 = arith.index_cast %get3A_1302 : i32 to index
      %get3A_1304 = arith.constant 96 : index
      %get3A_1305 = tpu.vector_load %arg12[%get3A_1303, %get3A_1304] {strides = array<i32>} : memref<16x128xi32, #tpu.memory_space<vmem>>, vector<16xi32>,
      %add3A_1306 = arith.addi %add3A_1296, %get3A_1305 : vector<16xi32>
      %get3A_1307 = arith.constant 8 : i32
      %get3A_1308 = arith.index_cast %get3A_1307 : i32 to index
      %get3A_1309 = arith.constant 96 : index
      %get3A_1310 = tpu.vector_load %arg11[%get3A_1308, %get3A_1309] {strides = array<i32>} : memref<16x128xf32, #tpu.memory_space<vmem>>, vector<16xf32>,
      %add3A_1311 = arith.addf %add3A_1301, %get3A_1310 : vector<16xf32>
      %get3A_1312 = arith.constant 8 : i32
      %get3A_1313 = arith.index_cast %get3A_1312 : i32 to index
      %get3A_1314 = arith.constant 96 : index
      %get3A_1315 = tpu.vector_load %arg12[%get3A_1313, %get3A_1314] {strides = array<i32>} : memref<16x128xi32, #tpu.memory_space<vmem>>, vector<16xi32>,
      %add3A_1316 = arith.addi %add3A_1306, %get3A_1315 : vector<16xi32>
      %get3A_1317 = arith.constant 9 : i32
      %get3A_1318 = arith.index_cast %get3A_1317 : i32 to index
      %get3A_1319 = arith.constant 96 : index
      %get3A_1320 = tpu.vector_load %arg11[%get3A_1318, %get3A_1319] {strides = array<i32>} : memref<16x128xf32, #tpu.memory_space<vmem>>, vector<16xf32>,
      %add3A_1321 = arith.addf %add3A_1311, %get3A_1320 : vector<16xf32>
      %get3A_1322 = arith.constant 9 : i32
      %get3A_1323 = arith.index_cast %get3A_1322 : i32 to index
      %get3A_1324 = arith.constant 96 : index
      %get3A_1325 = tpu.vector_load %arg12[%get3A_1323, %get3A_1324] {strides = array<i32>} : memref<16x128xi32, #tpu.memory_space<vmem>>, vector<16xi32>,
      %add3A_1326 = arith.addi %add3A_1316, %get3A_1325 : vector<16xi32>
      %get3A_1327 = arith.constant 10 : i32
      %get3A_1328 = arith.index_cast %get3A_1327 : i32 to index
      %get3A_1329 = arith.constant 96 : index
      %get3A_1330 = tpu.vector_load %arg11[%get3A_1328, %get3A_1329] {strides = array<i32>} : memref<16x128xf32, #tpu.memory_space<vmem>>, vector<16xf32>,
      %add3A_1331 = arith.addf %add3A_1321, %get3A_1330 : vector<16xf32>
      %get3A_1332 = arith.constant 10 : i32
      %get3A_1333 = arith.index_cast %get3A_1332 : i32 to index
      %get3A_1334 = arith.constant 96 : index
      %get3A_1335 = tpu.vector_load %arg12[%get3A_1333, %get3A_1334] {strides = array<i32>} : memref<16x128xi32, #tpu.memory_space<vmem>>, vector<16xi32>,
      %add3A_1336 = arith.addi %add3A_1326, %get3A_1335 : vector<16xi32>
      %get3A_1337 = arith.constant 11 : i32
      %get3A_1338 = arith.index_cast %get3A_1337 : i32 to index
      %get3A_1339 = arith.constant 96 : index
      %get3A_1340 = tpu.vector_load %arg11[%get3A_1338, %get3A_1339] {strides = array<i32>} : memref<16x128xf32, #tpu.memory_space<vmem>>, vector<16xf32>,
      %add3A_1341 = arith.addf %add3A_1331, %get3A_1340 : vector<16xf32>
      %get3A_1342 = arith.constant 11 : i32
      %get3A_1343 = arith.index_cast %get3A_1342 : i32 to index
      %get3A_1344 = arith.constant 96 : index
      %get3A_1345 = tpu.vector_load %arg12[%get3A_1343, %get3A_1344] {strides = array<i32>} : memref<16x128xi32, #tpu.memory_space<vmem>>, vector<16xi32>,
      %add3A_1346 = arith.addi %add3A_1336, %get3A_1345 : vector<16xi32>
      %get3A_1347 = arith.constant 12 : i32
      %get3A_1348 = arith.index_cast %get3A_1347 : i32 to index
      %get3A_1349 = arith.constant 96 : index
      %get3A_1350 = tpu.vector_load %arg11[%get3A_1348, %get3A_1349] {strides = array<i32>} : memref<16x128xf32, #tpu.memory_space<vmem>>, vector<16xf32>,
      %add3A_1351 = arith.addf %add3A_1341, %get3A_1350 : vector<16xf32>
      %get3A_1352 = arith.constant 12 : i32
      %get3A_1353 = arith.index_cast %get3A_1352 : i32 to index
      %get3A_1354 = arith.constant 96 : index
      %get3A_1355 = tpu.vector_load %arg12[%get3A_1353, %get3A_1354] {strides = array<i32>} : memref<16x128xi32, #tpu.memory_space<vmem>>, vector<16xi32>,
      %add3A_1356 = arith.addi %add3A_1346, %get3A_1355 : vector<16xi32>
      %get3A_1357 = arith.constant 13 : i32
      %get3A_1358 = arith.index_cast %get3A_1357 : i32 to index
      %get3A_1359 = arith.constant 96 : index
      %get3A_1360 = tpu.vector_load %arg11[%get3A_1358, %get3A_1359] {strides = array<i32>} : memref<16x128xf32, #tpu.memory_space<vmem>>, vector<16xf32>,
      %add3A_1361 = arith.addf %add3A_1351, %get3A_1360 : vector<16xf32>
      %get3A_1362 = arith.constant 13 : i32
      %get3A_1363 = arith.index_cast %get3A_1362 : i32 to index
      %get3A_1364 = arith.constant 96 : index
      %get3A_1365 = tpu.vector_load %arg12[%get3A_1363, %get3A_1364] {strides = array<i32>} : memref<16x128xi32, #tpu.memory_space<vmem>>, vector<16xi32>,
      %add3A_1366 = arith.addi %add3A_1356, %get3A_1365 : vector<16xi32>
      %get3A_1367 = arith.constant 14 : i32
      %get3A_1368 = arith.index_cast %get3A_1367 : i32 to index
      %get3A_1369 = arith.constant 96 : index
      %get3A_1370 = tpu.vector_load %arg11[%get3A_1368, %get3A_1369] {strides = array<i32>} : memref<16x128xf32, #tpu.memory_space<vmem>>, vector<16xf32>,
      %add3A_1371 = arith.addf %add3A_1361, %get3A_1370 : vector<16xf32>
      %get3A_1372 = arith.constant 14 : i32
      %get3A_1373 = arith.index_cast %get3A_1372 : i32 to index
      %get3A_1374 = arith.constant 96 : index
      %get3A_1375 = tpu.vector_load %arg12[%get3A_1373, %get3A_1374] {strides = array<i32>} : memref<16x128xi32, #tpu.memory_space<vmem>>, vector<16xi32>,
      %add3A_1376 = arith.addi %add3A_1366, %get3A_1375 : vector<16xi32>
      %get3A_1377 = arith.constant 15 : i32
      %get3A_1378 = arith.index_cast %get3A_1377 : i32 to index
      %get3A_1379 = arith.constant 96 : index
      %get3A_1380 = tpu.vector_load %arg11[%get3A_1378, %get3A_1379] {strides = array<i32>} : memref<16x128xf32, #tpu.memory_space<vmem>>, vector<16xf32>,
      %add3A_1381 = arith.addf %add3A_1371, %get3A_1380 : vector<16xf32>
      %get3A_1382 = arith.constant 15 : i32
      %get3A_1383 = arith.index_cast %get3A_1382 : i32 to index
      %get3A_1384 = arith.constant 96 : index
      %get3A_1385 = tpu.vector_load %arg12[%get3A_1383, %get3A_1384] {strides = array<i32>} : memref<16x128xi32, #tpu.memory_space<vmem>>, vector<16xi32>,
      %add3A_1386 = arith.addi %add3A_1376, %get3A_1385 : vector<16xi32>
      %convert_element_type3A_1387 = arith.sitofp %add3A_1386 : vector<16xi32> to vector<16xf32>
      %sub3A_1388 = arith.constant 1.000000e+00 : f32
      %sub3A_1389 = vector.broadcast %sub3A_1388 : f32 to vector<16xf32>
      %sub3A_1390 = arith.subf %convert_element_type3A_1387, %sub3A_1389 : vector<16xf32>
      %mul3A_1391 = arith.constant 3.000000e+00 : f32
      %mul3A_1392 = vector.broadcast %mul3A_1391 : f32 to vector<16xf32>
      %mul3A_1393 = arith.mulf %mul3A_1392, %sub3A_1390 : vector<16xf32>
      %mul3A_1394 = arith.constant 2.00013194E-4 : f32
      %mul3A_1395 = vector.broadcast %mul3A_1394 : f32 to vector<16xf32>
      %mul3A_1396 = arith.mulf %mul3A_1393, %mul3A_1395 : vector<16xf32>
      %mul3A_1397 = arith.constant 0.999599993 : f32
      %mul3A_1398 = vector.broadcast %mul3A_1397 : f32 to vector<16xf32>
      %mul3A_1399 = arith.mulf %mul3A_1393, %mul3A_1398 : vector<16xf32>
      %mul3A_1400 = arith.constant 5.000000e-01 : f32
      %mul3A_1401 = vector.broadcast %mul3A_1400 : f32 to vector<16xf32>
      %mul3A_1402 = arith.mulf %mul3A_1401, %mul3A_1399 : vector<16xf32>
      %add3A_1403 = arith.addf %mul3A_1396, %mul3A_1402 : vector<16xf32>
      %mul3A_1404 = arith.constant 5.000000e-01 : f32
      %mul3A_1405 = vector.broadcast %mul3A_1404 : f32 to vector<16xf32>
      %mul3A_1406 = arith.mulf %mul3A_1405, %mul3A_1393 : vector<16xf32>
      %sub3A_1407 = arith.subf %add3A_1403, %mul3A_1406 : vector<16xf32>
      %mul3A_1408 = arith.constant 0.000000e+00 : f32
      %mul3A_1409 = vector.broadcast %mul3A_1408 : f32 to vector<16xf32>
      %mul3A_1410 = arith.mulf %convert_element_type3A_1387, %mul3A_1409 : vector<16xf32>
      %mul3A_1411 = arith.mulf %convert_element_type3A_1387, %sub3A_1407 : vector<16xf32>
      %add3A_1412 = arith.addf %mul3A_1410, %mul3A_1411 : vector<16xf32>
      %mul3A_1413 = arith.constant 3.99996643E-4 : f32
      %mul3A_1414 = vector.broadcast %mul3A_1413 : f32 to vector<16xf32>
      %mul3A_1415 = arith.mulf %mul3A_1414, %add3A_1381 : vector<16xf32>
      %mul3A_1416 = arith.constant 5.000000e-01 : f32
      %mul3A_1417 = vector.broadcast %mul3A_1416 : f32 to vector<16xf32>
      %mul3A_1418 = arith.mulf %mul3A_1417, %mul3A_1415 : vector<16xf32>
      %add3A_1419 = arith.addf %add3A_1412, %mul3A_1418 : vector<16xf32>
      %swap3A_1420 = arith.constant 96 : index
      %swap3A_1421 = tpu.vector_load %arg13[%swap3A_1420] {strides = array<i32>} : memref<128xf32, #tpu.memory_space<vmem>>, vector<16xf32>,
      tpu.vector_store %arg13[%swap3A_1420], %add3A_1419 {strides = array<i32>} : memref<128xf32, #tpu.memory_space<vmem>>, vector<16xf32>,
      %get3A_1422 = arith.constant 0 : i32
      %get3A_1423 = arith.index_cast %get3A_1422 : i32 to index
      %get3A_1424 = arith.constant 112 : index
      %get3A_1425 = tpu.vector_load %arg11[%get3A_1423, %get3A_1424] {strides = array<i32>} : memref<16x128xf32, #tpu.memory_space<vmem>>, vector<16xf32>,
      %get3A_1426 = arith.constant 0 : i32
      %get3A_1427 = arith.index_cast %get3A_1426 : i32 to index
      %get3A_1428 = arith.constant 112 : index
      %get3A_1429 = tpu.vector_load %arg12[%get3A_1427, %get3A_1428] {strides = array<i32>} : memref<16x128xi32, #tpu.memory_space<vmem>>, vector<16xi32>,
      %get3A_1430 = arith.constant 1 : i32
      %get3A_1431 = arith.index_cast %get3A_1430 : i32 to index
      %get3A_1432 = arith.constant 112 : index
      %get3A_1433 = tpu.vector_load %arg11[%get3A_1431, %get3A_1432] {strides = array<i32>} : memref<16x128xf32, #tpu.memory_space<vmem>>, vector<16xf32>,
      %add3A_1434 = arith.addf %get3A_1425, %get3A_1433 : vector<16xf32>
      %get3A_1435 = arith.constant 1 : i32
      %get3A_1436 = arith.index_cast %get3A_1435 : i32 to index
      %get3A_1437 = arith.constant 112 : index
      %get3A_1438 = tpu.vector_load %arg12[%get3A_1436, %get3A_1437] {strides = array<i32>} : memref<16x128xi32, #tpu.memory_space<vmem>>, vector<16xi32>,
      %add3A_1439 = arith.addi %get3A_1429, %get3A_1438 : vector<16xi32>
      %get3A_1440 = arith.constant 2 : i32
      %get3A_1441 = arith.index_cast %get3A_1440 : i32 to index
      %get3A_1442 = arith.constant 112 : index
      %get3A_1443 = tpu.vector_load %arg11[%get3A_1441, %get3A_1442] {strides = array<i32>} : memref<16x128xf32, #tpu.memory_space<vmem>>, vector<16xf32>,
      %add3A_1444 = arith.addf %add3A_1434, %get3A_1443 : vector<16xf32>
      %get3A_1445 = arith.constant 2 : i32
      %get3A_1446 = arith.index_cast %get3A_1445 : i32 to index
      %get3A_1447 = arith.constant 112 : index
      %get3A_1448 = tpu.vector_load %arg12[%get3A_1446, %get3A_1447] {strides = array<i32>} : memref<16x128xi32, #tpu.memory_space<vmem>>, vector<16xi32>,
      %add3A_1449 = arith.addi %add3A_1439, %get3A_1448 : vector<16xi32>
      %get3A_1450 = arith.constant 3 : i32
      %get3A_1451 = arith.index_cast %get3A_1450 : i32 to index
      %get3A_1452 = arith.constant 112 : index
      %get3A_1453 = tpu.vector_load %arg11[%get3A_1451, %get3A_1452] {strides = array<i32>} : memref<16x128xf32, #tpu.memory_space<vmem>>, vector<16xf32>,
      %add3A_1454 = arith.addf %add3A_1444, %get3A_1453 : vector<16xf32>
      %get3A_1455 = arith.constant 3 : i32
      %get3A_1456 = arith.index_cast %get3A_1455 : i32 to index
      %get3A_1457 = arith.constant 112 : index
      %get3A_1458 = tpu.vector_load %arg12[%get3A_1456, %get3A_1457] {strides = array<i32>} : memref<16x128xi32, #tpu.memory_space<vmem>>, vector<16xi32>,
      %add3A_1459 = arith.addi %add3A_1449, %get3A_1458 : vector<16xi32>
      %get3A_1460 = arith.constant 4 : i32
      %get3A_1461 = arith.index_cast %get3A_1460 : i32 to index
      %get3A_1462 = arith.constant 112 : index
      %get3A_1463 = tpu.vector_load %arg11[%get3A_1461, %get3A_1462] {strides = array<i32>} : memref<16x128xf32, #tpu.memory_space<vmem>>, vector<16xf32>,
      %add3A_1464 = arith.addf %add3A_1454, %get3A_1463 : vector<16xf32>
      %get3A_1465 = arith.constant 4 : i32
      %get3A_1466 = arith.index_cast %get3A_1465 : i32 to index
      %get3A_1467 = arith.constant 112 : index
      %get3A_1468 = tpu.vector_load %arg12[%get3A_1466, %get3A_1467] {strides = array<i32>} : memref<16x128xi32, #tpu.memory_space<vmem>>, vector<16xi32>,
      %add3A_1469 = arith.addi %add3A_1459, %get3A_1468 : vector<16xi32>
      %get3A_1470 = arith.constant 5 : i32
      %get3A_1471 = arith.index_cast %get3A_1470 : i32 to index
      %get3A_1472 = arith.constant 112 : index
      %get3A_1473 = tpu.vector_load %arg11[%get3A_1471, %get3A_1472] {strides = array<i32>} : memref<16x128xf32, #tpu.memory_space<vmem>>, vector<16xf32>,
      %add3A_1474 = arith.addf %add3A_1464, %get3A_1473 : vector<16xf32>
      %get3A_1475 = arith.constant 5 : i32
      %get3A_1476 = arith.index_cast %get3A_1475 : i32 to index
      %get3A_1477 = arith.constant 112 : index
      %get3A_1478 = tpu.vector_load %arg12[%get3A_1476, %get3A_1477] {strides = array<i32>} : memref<16x128xi32, #tpu.memory_space<vmem>>, vector<16xi32>,
      %add3A_1479 = arith.addi %add3A_1469, %get3A_1478 : vector<16xi32>
      %get3A_1480 = arith.constant 6 : i32
      %get3A_1481 = arith.index_cast %get3A_1480 : i32 to index
      %get3A_1482 = arith.constant 112 : index
      %get3A_1483 = tpu.vector_load %arg11[%get3A_1481, %get3A_1482] {strides = array<i32>} : memref<16x128xf32, #tpu.memory_space<vmem>>, vector<16xf32>,
      %add3A_1484 = arith.addf %add3A_1474, %get3A_1483 : vector<16xf32>
      %get3A_1485 = arith.constant 6 : i32
      %get3A_1486 = arith.index_cast %get3A_1485 : i32 to index
      %get3A_1487 = arith.constant 112 : index
      %get3A_1488 = tpu.vector_load %arg12[%get3A_1486, %get3A_1487] {strides = array<i32>} : memref<16x128xi32, #tpu.memory_space<vmem>>, vector<16xi32>,
      %add3A_1489 = arith.addi %add3A_1479, %get3A_1488 : vector<16xi32>
      %get3A_1490 = arith.constant 7 : i32
      %get3A_1491 = arith.index_cast %get3A_1490 : i32 to index
      %get3A_1492 = arith.constant 112 : index
      %get3A_1493 = tpu.vector_load %arg11[%get3A_1491, %get3A_1492] {strides = array<i32>} : memref<16x128xf32, #tpu.memory_space<vmem>>, vector<16xf32>,
      %add3A_1494 = arith.addf %add3A_1484, %get3A_1493 : vector<16xf32>
      %get3A_1495 = arith.constant 7 : i32
      %get3A_1496 = arith.index_cast %get3A_1495 : i32 to index
      %get3A_1497 = arith.constant 112 : index
      %get3A_1498 = tpu.vector_load %arg12[%get3A_1496, %get3A_1497] {strides = array<i32>} : memref<16x128xi32, #tpu.memory_space<vmem>>, vector<16xi32>,
      %add3A_1499 = arith.addi %add3A_1489, %get3A_1498 : vector<16xi32>
      %get3A_1500 = arith.constant 8 : i32
      %get3A_1501 = arith.index_cast %get3A_1500 : i32 to index
      %get3A_1502 = arith.constant 112 : index
      %get3A_1503 = tpu.vector_load %arg11[%get3A_1501, %get3A_1502] {strides = array<i32>} : memref<16x128xf32, #tpu.memory_space<vmem>>, vector<16xf32>,
      %add3A_1504 = arith.addf %add3A_1494, %get3A_1503 : vector<16xf32>
      %get3A_1505 = arith.constant 8 : i32
      %get3A_1506 = arith.index_cast %get3A_1505 : i32 to index
      %get3A_1507 = arith.constant 112 : index
      %get3A_1508 = tpu.vector_load %arg12[%get3A_1506, %get3A_1507] {strides = array<i32>} : memref<16x128xi32, #tpu.memory_space<vmem>>, vector<16xi32>,
      %add3A_1509 = arith.addi %add3A_1499, %get3A_1508 : vector<16xi32>
      %get3A_1510 = arith.constant 9 : i32
      %get3A_1511 = arith.index_cast %get3A_1510 : i32 to index
      %get3A_1512 = arith.constant 112 : index
      %get3A_1513 = tpu.vector_load %arg11[%get3A_1511, %get3A_1512] {strides = array<i32>} : memref<16x128xf32, #tpu.memory_space<vmem>>, vector<16xf32>,
      %add3A_1514 = arith.addf %add3A_1504, %get3A_1513 : vector<16xf32>
      %get3A_1515 = arith.constant 9 : i32
      %get3A_1516 = arith.index_cast %get3A_1515 : i32 to index
      %get3A_1517 = arith.constant 112 : index
      %get3A_1518 = tpu.vector_load %arg12[%get3A_1516, %get3A_1517] {strides = array<i32>} : memref<16x128xi32, #tpu.memory_space<vmem>>, vector<16xi32>,
      %add3A_1519 = arith.addi %add3A_1509, %get3A_1518 : vector<16xi32>
      %get3A_1520 = arith.constant 10 : i32
      %get3A_1521 = arith.index_cast %get3A_1520 : i32 to index
      %get3A_1522 = arith.constant 112 : index
      %get3A_1523 = tpu.vector_load %arg11[%get3A_1521, %get3A_1522] {strides = array<i32>} : memref<16x128xf32, #tpu.memory_space<vmem>>, vector<16xf32>,
      %add3A_1524 = arith.addf %add3A_1514, %get3A_1523 : vector<16xf32>
      %get3A_1525 = arith.constant 10 : i32
      %get3A_1526 = arith.index_cast %get3A_1525 : i32 to index
      %get3A_1527 = arith.constant 112 : index
      %get3A_1528 = tpu.vector_load %arg12[%get3A_1526, %get3A_1527] {strides = array<i32>} : memref<16x128xi32, #tpu.memory_space<vmem>>, vector<16xi32>,
      %add3A_1529 = arith.addi %add3A_1519, %get3A_1528 : vector<16xi32>
      %get3A_1530 = arith.constant 11 : i32
      %get3A_1531 = arith.index_cast %get3A_1530 : i32 to index
      %get3A_1532 = arith.constant 112 : index
      %get3A_1533 = tpu.vector_load %arg11[%get3A_1531, %get3A_1532] {strides = array<i32>} : memref<16x128xf32, #tpu.memory_space<vmem>>, vector<16xf32>,
      %add3A_1534 = arith.addf %add3A_1524, %get3A_1533 : vector<16xf32>
      %get3A_1535 = arith.constant 11 : i32
      %get3A_1536 = arith.index_cast %get3A_1535 : i32 to index
      %get3A_1537 = arith.constant 112 : index
      %get3A_1538 = tpu.vector_load %arg12[%get3A_1536, %get3A_1537] {strides = array<i32>} : memref<16x128xi32, #tpu.memory_space<vmem>>, vector<16xi32>,
      %add3A_1539 = arith.addi %add3A_1529, %get3A_1538 : vector<16xi32>
      %get3A_1540 = arith.constant 12 : i32
      %get3A_1541 = arith.index_cast %get3A_1540 : i32 to index
      %get3A_1542 = arith.constant 112 : index
      %get3A_1543 = tpu.vector_load %arg11[%get3A_1541, %get3A_1542] {strides = array<i32>} : memref<16x128xf32, #tpu.memory_space<vmem>>, vector<16xf32>,
      %add3A_1544 = arith.addf %add3A_1534, %get3A_1543 : vector<16xf32>
      %get3A_1545 = arith.constant 12 : i32
      %get3A_1546 = arith.index_cast %get3A_1545 : i32 to index
      %get3A_1547 = arith.constant 112 : index
      %get3A_1548 = tpu.vector_load %arg12[%get3A_1546, %get3A_1547] {strides = array<i32>} : memref<16x128xi32, #tpu.memory_space<vmem>>, vector<16xi32>,
      %add3A_1549 = arith.addi %add3A_1539, %get3A_1548 : vector<16xi32>
      %get3A_1550 = arith.constant 13 : i32
      %get3A_1551 = arith.index_cast %get3A_1550 : i32 to index
      %get3A_1552 = arith.constant 112 : index
      %get3A_1553 = tpu.vector_load %arg11[%get3A_1551, %get3A_1552] {strides = array<i32>} : memref<16x128xf32, #tpu.memory_space<vmem>>, vector<16xf32>,
      %add3A_1554 = arith.addf %add3A_1544, %get3A_1553 : vector<16xf32>
      %get3A_1555 = arith.constant 13 : i32
      %get3A_1556 = arith.index_cast %get3A_1555 : i32 to index
      %get3A_1557 = arith.constant 112 : index
      %get3A_1558 = tpu.vector_load %arg12[%get3A_1556, %get3A_1557] {strides = array<i32>} : memref<16x128xi32, #tpu.memory_space<vmem>>, vector<16xi32>,
      %add3A_1559 = arith.addi %add3A_1549, %get3A_1558 : vector<16xi32>
      %get3A_1560 = arith.constant 14 : i32
      %get3A_1561 = arith.index_cast %get3A_1560 : i32 to index
      %get3A_1562 = arith.constant 112 : index
      %get3A_1563 = tpu.vector_load %arg11[%get3A_1561, %get3A_1562] {strides = array<i32>} : memref<16x128xf32, #tpu.memory_space<vmem>>, vector<16xf32>,
      %add3A_1564 = arith.addf %add3A_1554, %get3A_1563 : vector<16xf32>
      %get3A_1565 = arith.constant 14 : i32
      %get3A_1566 = arith.index_cast %get3A_1565 : i32 to index
      %get3A_1567 = arith.constant 112 : index
      %get3A_1568 = tpu.vector_load %arg12[%get3A_1566, %get3A_1567] {strides = array<i32>} : memref<16x128xi32, #tpu.memory_space<vmem>>, vector<16xi32>,
      %add3A_1569 = arith.addi %add3A_1559, %get3A_1568 : vector<16xi32>
      %get3A_1570 = arith.constant 15 : i32
      %get3A_1571 = arith.index_cast %get3A_1570 : i32 to index
      %get3A_1572 = arith.constant 112 : index
      %get3A_1573 = tpu.vector_load %arg11[%get3A_1571, %get3A_1572] {strides = array<i32>} : memref<16x128xf32, #tpu.memory_space<vmem>>, vector<16xf32>,
      %add3A_1574 = arith.addf %add3A_1564, %get3A_1573 : vector<16xf32>
      %get3A_1575 = arith.constant 15 : i32
      %get3A_1576 = arith.index_cast %get3A_1575 : i32 to index
      %get3A_1577 = arith.constant 112 : index
      %get3A_1578 = tpu.vector_load %arg12[%get3A_1576, %get3A_1577] {strides = array<i32>} : memref<16x128xi32, #tpu.memory_space<vmem>>, vector<16xi32>,
      %add3A_1579 = arith.addi %add3A_1569, %get3A_1578 : vector<16xi32>
      %convert_element_type3A_1580 = arith.sitofp %add3A_1579 : vector<16xi32> to vector<16xf32>
      %sub3A_1581 = arith.constant 1.000000e+00 : f32
      %sub3A_1582 = vector.broadcast %sub3A_1581 : f32 to vector<16xf32>
      %sub3A_1583 = arith.subf %convert_element_type3A_1580, %sub3A_1582 : vector<16xf32>
      %mul3A_1584 = arith.constant 3.000000e+00 : f32
      %mul3A_1585 = vector.broadcast %mul3A_1584 : f32 to vector<16xf32>
      %mul3A_1586 = arith.mulf %mul3A_1585, %sub3A_1583 : vector<16xf32>
      %mul3A_1587 = arith.constant 2.00013194E-4 : f32
      %mul3A_1588 = vector.broadcast %mul3A_1587 : f32 to vector<16xf32>
      %mul3A_1589 = arith.mulf %mul3A_1586, %mul3A_1588 : vector<16xf32>
      %mul3A_1590 = arith.constant 0.999599993 : f32
      %mul3A_1591 = vector.broadcast %mul3A_1590 : f32 to vector<16xf32>
      %mul3A_1592 = arith.mulf %mul3A_1586, %mul3A_1591 : vector<16xf32>
      %mul3A_1593 = arith.constant 5.000000e-01 : f32
      %mul3A_1594 = vector.broadcast %mul3A_1593 : f32 to vector<16xf32>
      %mul3A_1595 = arith.mulf %mul3A_1594, %mul3A_1592 : vector<16xf32>
      %add3A_1596 = arith.addf %mul3A_1589, %mul3A_1595 : vector<16xf32>
      %mul3A_1597 = arith.constant 5.000000e-01 : f32
      %mul3A_1598 = vector.broadcast %mul3A_1597 : f32 to vector<16xf32>
      %mul3A_1599 = arith.mulf %mul3A_1598, %mul3A_1586 : vector<16xf32>
      %sub3A_1600 = arith.subf %add3A_1596, %mul3A_1599 : vector<16xf32>
      %mul3A_1601 = arith.constant 0.000000e+00 : f32
      %mul3A_1602 = vector.broadcast %mul3A_1601 : f32 to vector<16xf32>
      %mul3A_1603 = arith.mulf %convert_element_type3A_1580, %mul3A_1602 : vector<16xf32>
      %mul3A_1604 = arith.mulf %convert_element_type3A_1580, %sub3A_1600 : vector<16xf32>
      %add3A_1605 = arith.addf %mul3A_1603, %mul3A_1604 : vector<16xf32>
      %mul3A_1606 = arith.constant 3.99996643E-4 : f32
      %mul3A_1607 = vector.broadcast %mul3A_1606 : f32 to vector<16xf32>
      %mul3A_1608 = arith.mulf %mul3A_1607, %add3A_1574 : vector<16xf32>
      %mul3A_1609 = arith.constant 5.000000e-01 : f32
      %mul3A_1610 = vector.broadcast %mul3A_1609 : f32 to vector<16xf32>
      %mul3A_1611 = arith.mulf %mul3A_1610, %mul3A_1608 : vector<16xf32>
      %add3A_1612 = arith.addf %add3A_1605, %mul3A_1611 : vector<16xf32>
      %swap3A_1613 = arith.constant 112 : index
      %swap3A_1614 = tpu.vector_load %arg13[%swap3A_1613] {strides = array<i32>} : memref<128xf32, #tpu.memory_space<vmem>>, vector<16xf32>,
      tpu.vector_store %arg13[%swap3A_1613], %add3A_1612 {strides = array<i32>} : memref<128xf32, #tpu.memory_space<vmem>>, vector<16xf32>,
      "tpu.region"() ({
        %run_scoped3A = tpu.sem_alloc : memref<!tpu.dma_semaphore, #tpu.memory_space<semaphore_mem>>
        %dma_start3A_1615 = tpu.memref_slice %arg4[%mul3A_72] : memref<1024xf32, #tpu.memory_space<hbm>> -> memref<128xf32, #tpu.memory_space<hbm>>
        %dma_start3A_1616 = tpu.memref_slice %arg4[%mul3A_72] : memref<1024xf32, #tpu.memory_space<hbm>> -> memref<128xf32, #tpu.memory_space<hbm>>
        tpu.enqueue_dma source(%arg13 : memref<128xf32, #tpu.memory_space<vmem>>) target(%dma_start3A_1616 : memref<128xf32, #tpu.memory_space<hbm>>) target_semaphore(%run_scoped3A : memref<!tpu.dma_semaphore, #tpu.memory_space<semaphore_mem>>)
        %dma_wait3A_1617 = tpu.memref_slice %arg4[%mul3A_72] : memref<1024xf32, #tpu.memory_space<hbm>> -> memref<128xf32, #tpu.memory_space<hbm>>
        %dma_wait3A_1618 = tpu.memref_slice %arg4[%mul3A_72] : memref<1024xf32, #tpu.memory_space<hbm>> -> memref<128xf32, #tpu.memory_space<hbm>>
        tpu.wait_dma2 semaphore(%run_scoped3A : memref<!tpu.dma_semaphore, #tpu.memory_space<semaphore_mem>>) src(%arg13 : memref<128xf32, #tpu.memory_space<vmem>>) dst(%dma_wait3A_1618 : memref<128xf32, #tpu.memory_space<hbm>>)
        tpu.yield
      }) : () -> ()
    } else {
    }
    return
  }
}

module attributes {stable_mosaic.version = 14 : i64} {
  func.func @_sq_body(%arg0: i32, %arg1: memref<20x131072xf32, #tpu.memory_space<vmem>>, %arg2: memref<3x131072xf32, #tpu.memory_space<vmem>>, %arg3: memref<1x1x131072xf32, #tpu.memory_space<vmem>>) attributes {dimension_semantics = [#tpu.dimension_semantics<arbitrary>], iteration_bounds = array<i64: 2>, scalar_prefetch = 0 : i64, scratch_operands = 0 : i64, tpu.core_type = #tpu.core_type<tc>, window_params = [{transform_indices = @transform_0, window_bounds = array<i64: 20, 131072>}, {transform_indices = @transform_1, window_bounds = array<i64: 3, 131072>}, {transform_indices = @transform_2, window_bounds = array<i64: 1, 1, 131072>}]} {
    %get3A = arith.constant 0 : index
    %get3A_0 = arith.constant 0 : index
    %get3A_1 = vector.load %arg1[%get3A, %get3A_0] : memref<20x131072xf32, #tpu.memory_space<vmem>>, vector<20x131072xf32>
    %get3A_2 = arith.constant 0 : index
    %get3A_3 = arith.constant 0 : index
    %get3A_4 = vector.load %arg2[%get3A_2, %get3A_3] : memref<3x131072xf32, #tpu.memory_space<vmem>>, vector<3x131072xf32>
    %mul3A = arith.mulf %get3A_1, %get3A_1 : vector<20x131072xf32>
    %reduce_sum3A = arith.constant dense<0.000000e+00> : vector<131072xf32>
    %reduce_sum3A_5 = vector.multi_reduction <add>, %mul3A, %reduce_sum3A [0] : vector<20x131072xf32> to vector<131072xf32>
    %mul3A_6 = arith.mulf %get3A_4, %get3A_4 : vector<3x131072xf32>
    %reduce_sum3A_7 = arith.constant dense<0.000000e+00> : vector<131072xf32>
    %reduce_sum3A_8 = vector.multi_reduction <add>, %mul3A_6, %reduce_sum3A_7 [0] : vector<3x131072xf32> to vector<131072xf32>
    %add3A = arith.addf %reduce_sum3A_5, %reduce_sum3A_8 : vector<131072xf32>
    %reshape3A = vector.shape_cast %add3A : vector<131072xf32> to vector<1x1x131072xf32>
    %swap3A = arith.constant 0 : index
    %swap3A_9 = arith.constant 0 : index
    %swap3A_10 = arith.constant 0 : index
    %swap3A_11 = vector.load %arg3[%swap3A, %swap3A_9, %swap3A_10] : memref<1x1x131072xf32, #tpu.memory_space<vmem>>, vector<1x1x131072xf32>
    tpu.vector_store %arg3[%swap3A, %swap3A_9, %swap3A_10], %reshape3A {strides = array<i32>} : memref<1x1x131072xf32, #tpu.memory_space<vmem>>, vector<1x1x131072xf32>,
    return
  }
  func.func @transform_0(%arg0: i32) -> (i32, i32) {
    %c0_i32 = arith.constant 0 : i32
    %c0_i32_0 = arith.constant 0 : i32
    return %c0_i32, %arg0 : i32, i32
  }
  func.func @transform_1(%arg0: i32) -> (i32, i32) {
    %c0_i32 = arith.constant 0 : i32
    %c0_i32_0 = arith.constant 0 : i32
    return %c0_i32, %arg0 : i32, i32
  }
  func.func @transform_2(%arg0: i32) -> (i32, i32, i32) {
    %c0_i32 = arith.constant 0 : i32
    %c0_i32_0 = arith.constant 0 : i32
    %c0_i32_1 = arith.constant 0 : i32
    return %arg0, %c0_i32, %c0_i32_0 : i32, i32, i32
  }
}

</mosaic_0001>

<sc_bundles>
// kernel: kernel.4.cloned.1.call-start
scs
__scs_entry_jumppad:
0x0: {  	(pc) =	sbr.rel $0x88, $3  }
0x1: {  	(tag) =	ssettag $0x0;
	lr =	simm.s32 $0x1  }
0x2: {  	[smem:$0x3F9E] =	sst lr;
	_ =	strace $0xD0000000  }
0x3: {  	_ = 	snop  }
0x4: {  	_ = 	snop  }
0x5: {  	_ = 	snop  }
0x6: {  	_ = 	snop  }
0x7: {  	_ = 	snop  }
__scs_overlays_trampoline_lowered:
0x8: {  	[smem:$0x3FAD] =	sst s0  }
0x9: {  	[smem:$0x3FAE] =	sst s1  }
0xa: {  	[smem:$0x3FAF] =	sst s2  }
0xb: {  	[smem:$0x3FB0] =	sst s3  }
0xc: {  	[smem:$0x3FB1] =	sst s4  }
0xd: {  	[smem:$0x3FB2] =	sst s5  }
0xe: {  	[smem:$0x3FB3] =	sst s6  }
0xf: {  	[smem:$0x3FB4] =	sst s7  }
0x10: {  	[smem:$0x3FB5] =	sst s8  }
0x11: {  	[smem:$0x3FB6] =	sst s9;
	s0 =	simm.s32 @!p0 $0x0  }
0x12: {  	s1 =	sld [smem:$0x3F9C];
	s0 =	simm.s32 @p0 $0x1  }
0x13: {  	[smem:$0x3FB7] =	sst s0;
	s0 =	simm.s32 @!p1 $0x0  }
0x14: {  	s2 =	sld [smem:$0x3F9B];
	s0 =	simm.s32 @p1 $0x1  }
0x15: {  	[smem:$0x3FB8] =	sst s0;
	s0 =	simm.s32 @!p2 $0x0  }
0x16: {  	s3 =	sld [smem:$0x3FDB];
	s0 =	simm.s32 @p2 $0x1  }
0x17: {  	s4 =	simm.s32 $0x1BF5;
	[smem:$0x3FBA] =	sst s0  }
0x18: {  	s0 =	sld [smem:$0x3F9D];
	_ =	swait.ge [sflag:s4], $0x0  }
0x19: {  	s7 =	sld [smem:$0x3F9E]  }
0x1a: {  	s8 =	sadd.s32 $0xFFFFE003, lr  }
0x1b: {  	s9 =	sadd.s32 $0xFFFFFEF7, lr;
	s5 =	simm.s32 $0xFFFFFFFF;
	p2 =	slt.u32 s8, $0xFFFFF086  }
0x1c: {  	p1 =	slt.u32 s9, $0xF7A;
	s5 =	simm.s32 @!p2 $0x0  }
0x1d: {  	s5 =	simm.s32 @p1 $0x1;
	p0 =	seq.s32 s7, s2  }
0x1e: {  	s7 =	smul.u32 @!p0 $0xF7A, s2;
	p2 =	seq.s32 @!p0 s5, $0x0  }
0x1f: {  	s9 =	smul.u32 $0xF7A, s1;
	s8 =	simm.s32 @!p0 $0x1BF5;
	p2 =	por !p2, p0  }
0x20: {  	[sflag:s8] =	ssyncset.s32 @!p0 $0xFFFFF086;
	s6 =	sadd.s32 @!p0 s3, s7;
	s7 =	simm.s32 @!p0 $0x108  }
0x21: {  	s3 =	sadd.s32 s3, s9;
	s6 =	sadd.s32 @!p0 $0x88, s6;
	s7 =	simm.s32 @p2 $0x1082  }
0x22: {  	[simem:s7], [sflag:s8] =	dma.local @!p0 [hbm:s6], $0xF7A  }
0x23: {  	s9 =	sor.u32 $0xD0000000, s2;
	s6 =	simm.s32 $0x108;
	_ =	swait.ge @!p0 [sflag:s8], $0x0  }
0x24: {  	s3 =	sadd.s32 $0x88, s3;
	s6 =	simm.s32 @!p1 $0x1082;
	[sflag:s4] =	ssyncset.s32 $0xFFFFF086  }
0x25: {  	[simem:s6], [sflag:s4] =	dma.local [hbm:s3], $0xF7A  }
0x26: {  	[smem:$0x3F9E] =	sst s1;
	(tag) =	ssettag s2;
	_ =	strace s9  }
0x27: {  	s1 =	sld [smem:$0x3FAE]  }
0x28: {  	s2 =	sld [smem:$0x3FAF]  }
0x29: {  	s4 =	sld [smem:$0x3FB1]  }
0x2a: {  	p0 =	seq.s32 s5, $0x0;
	s5 =	sld [smem:$0x3FB2]  }
0x2b: {  	s6 =	sld [smem:$0x3FB3]  }
0x2c: {  	s7 =	sld [smem:$0x3FB4]  }
0x2d: {  	s3 =	simm.s32 $0x108;
	s8 =	sld [smem:$0x3FB5]  }
0x2e: {  	s3 =	simm.s32 @!p0 $0x1082;
	s9 =	sld [smem:$0x3FB6]  }
0x2f: {  	lr =	sadd.s32 s0, s3;
	s0 =	sld [smem:$0x3FAD]  }
0x30: {  	s3 =	sld [smem:$0x3FB0]  }
0x31: {  	[smem:$0x3FB9] =	sst s10  }
0x32: {  	s10 =	sld [smem:$0x3FB7];
	_ =	sdelay $0x3  }
0x33: {  	p0 =	seq.s32 s10, $0x1;
	s10 =	sld [smem:$0x3FB9];
	_ =	sdelay $0x3  }
0x34: {  	[smem:$0x3FB9] =	sst s10  }
0x35: {  	s10 =	sld [smem:$0x3FB8];
	_ =	sdelay $0x3  }
0x36: {  	p1 =	seq.s32 s10, $0x1;
	s10 =	sld [smem:$0x3FB9];
	_ =	sdelay $0x3  }
0x37: {  	[smem:$0x3FB9] =	sst s10  }
0x38: {  	s10 =	sld [smem:$0x3FBA]  }
0x39: {  	_ = 	snop;
	(pc) =	sbr.ind lr, $3  }
0x3a: {  	_ = 	snop  }
0x3b: {  	_ = 	snop  }
0x3c: {  	p2 =	seq.s32 s10, $0x1;
	s10 =	sld [smem:$0x3FB9]  }
0x3d: {  	_ =	shalt  }
0x3e: {  	_ =	shalt  }
0x3f: {  	_ =	shalt  }
0x40: {  	_ =	shalt  }
0x41: {  	_ =	shalt  }
0x42: {  	_ =	shalt  }
0x43: {  	_ =	shalt  }
0x44: {  	_ =	shalt  }
0x45: {  	_ =	shalt  }
0x46: {  	_ =	shalt  }
0x47: {  	_ =	shalt  }
0x48: {  	_ =	shalt  }
0x49: {  	_ =	shalt  }
0x4a: {  	_ =	shalt  }
0x4b: {  	_ =	shalt  }
0x4c: {  	_ =	shalt  }
0x4d: {  	_ =	shalt  }
0x4e: {  	_ =	shalt  }
0x4f: {  	_ =	shalt  }
0x50: {  	_ =	shalt  }
0x51: {  	_ =	shalt  }
0x52: {  	_ =	shalt  }
0x53: {  	_ =	shalt  }
0x54: {  	_ =	shalt  }
0x55: {  	_ =	shalt  }
0x56: {  	_ =	shalt  }
0x57: {  	_ =	shalt  }
0x58: {  	_ =	shalt  }
0x59: {  	_ =	shalt  }
0x5a: {  	_ =	shalt  }
0x5b: {  	_ =	shalt  }
0x5c: {  	_ =	shalt  }
0x5d: {  	_ =	shalt  }
0x5e: {  	_ =	shalt  }
0x5f: {  	_ =	shalt  }
0x60: {  	_ =	shalt  }
0x61: {  	_ =	shalt  }
0x62: {  	_ =	shalt  }
0x63: {  	_ =	shalt  }
0x64: {  	_ =	shalt  }
0x65: {  	_ =	shalt  }
0x66: {  	_ =	shalt  }
0x67: {  	_ =	shalt  }
0x68: {  	_ =	shalt  }
0x69: {  	_ =	shalt  }
0x6a: {  	_ =	shalt  }
0x6b: {  	_ =	shalt  }
0x6c: {  	_ =	shalt  }
0x6d: {  	_ =	shalt  }
0x6e: {  	_ =	shalt  }
0x6f: {  	_ =	shalt  }
0x70: {  	_ =	shalt  }
0x71: {  	_ =	shalt  }
0x72: {  	_ =	shalt  }
0x73: {  	_ =	shalt  }
0x74: {  	_ =	shalt  }
0x75: {  	_ =	shalt  }
0x76: {  	_ =	shalt  }
0x77: {  	_ =	shalt  }
0x78: {  	_ =	shalt  }
0x79: {  	_ =	shalt  }
0x7a: {  	_ =	shalt  }
0x7b: {  	_ =	shalt  }
0x7c: {  	_ =	shalt  }
0x7d: {  	_ =	shalt  }
0x7e: {  	_ =	shalt  }
0x7f: {  	_ =	shalt  }
0x80: {  	_ =	shalt  }
0x81: {  	_ =	shalt  }
0x82: {  	_ =	shalt  }
0x83: {  	_ =	shalt  }
0x84: {  	_ =	shalt  }
0x85: {  	_ =	shalt  }
0x86: {  	_ =	shalt  }
0x87: {  	_ =	shalt  }
.Lfunc_end0:
.L_simem_size_0:
called_computation_lowered:
.L_overlay_start_0:
0x88: {  	s0 =	sld [smem:$0x3FD9]  }
0x89: {  	s1 =	sld [smem:$0x3FFE];
	_ =	sdelay $0x3  }
0x8a: {  	s0 =	sadd.s32 s1, s0  }
0x8b: {  	[smem:$0x3FC5] =	sst s0  }
0x8c: {  	_ = 	snop  }
0x8d: {  	s0 =	sld [smem:$0x3FC7]  }
0x8e: {  	s16 =	sld [smem:$0x3FD0];
	(tm) =	ssettm $0x1  }
0x8f: {  	s2 =	sld [smem:$0x3FFB];
	_ =	sdelay $0x3  }
0x90: {  	_ =	strace s2  }
0x91: {  	s2 =	sld [smem:$0x3FFC];
	_ =	sdelay $0x3  }
0x92: {  	_ =	strace s2  }
0x93: {  	s2 =	sld [smem:$0x3FFD];
	_ =	sdelay $0x3  }
0x94: {  	_ =	strace s2  }
0x95: {  	_ =	strace $0x8FFFFFFF  }
0x96: {  	s17 =	sld [smem:$0x3FDB];
	_ =	sdelay $0x1  }
0x97: {  	s3 =	simm.s32 $_scs_section_size  }
0x98: {  	s4 =	simm.s32 $_size__tile_overlayer_lowered;
	s5 =	simm.s32 $_tile_overlayer_lowered  }
0x99: {  	s20 =	simm.s32 $0x1BFF;
	s19 =	sshll.u32 s5, $0x1;
	s2 =	sadd.s32 s3, s17  }
0x9a: {  	s6 =	simm.s32 $0x0;
	s18 =	sshll.u32 s4, $0x1;
	s4 =	sadd.s32 s19, s2  }
0x9b: {  	[timem:s6], [sflag:s20] =	dma.local [hbm:s4], s18  }
0x9c: {  	_ =	swait.ge [sflag:s20], s18  }
0x9d: {  	s3 =	ssub.s32 $0x0, s18;
	[sflag:s20] =	ssyncset.done $0x0  }
0x9e: {  	[sflag:s20] =	ssyncadd.s32 s3;
	_ =	sdelay $0x1  }
0x9f: {  	s21 =	simm.s32 $0x1B8B  }
0xa0: {  	_ =	swait.ge [sflag:s21], $0x1  }
0xa1: {  	[sflag:s21] =	ssyncset.done $0x0  }
0xa2: {  	s23 =	simm.s32 $0x1B8E;
	s22 =	sld [smem:$0x3FFE];
	[sflag:s21] =	ssyncadd.s32 $0xFFFFFFFF  }
0xa3: {  	s24 =	simm.s32 $execute0_lowered;
	[smem:$0x3FD2] =	sst s23  }
0xa4: {  	s4 =	sshll.u32 s24, $0x1;
	_ =	strace $0x80000046;
	[dreg:$0x1] =	wrdreg $0xFFFFFFFF  }
0xa5: {  	s25 =	simm.s32 $_size_execute0_lowered;
	s2 =	sadd.s32 s2, s4;
	[dreg:$0x0] =	wrdreg $0x0  }
0xa6: {  	s4 =	sshll.u32 s25, $0x1;
	[dreg:$0x2] =	wrdreg s2  }
0xa7: {  	[dreg:$0x3] =	wrdreg s4  }
0xa8: {  	[dreg:$0x4] =	wrdreg $0xC0  }
0xa9: {  	_ =	task [dreg:s6], $0x5FFFF  }
0xaa: {  	[dreg:$0x1] =	wrdreg $0xFFFFFFFF  }
0xab: {  	[dreg:$0x0] =	wrdreg $0x60  }
0xac: {  	[dreg:$0x2] =	wrdreg s22  }
0xad: {  	[dreg:$0x3] =	wrdreg s0  }
0xae: {  	[dreg:$0x4] =	wrdreg s16  }
0xaf: {  	[dreg:$0x5] =	wrdreg $0x88800  }
0xb0: {  	[dreg:$0x6] =	wrdreg $0x8C800  }
0xb1: {  	[dreg:$0x7] =	wrdreg $0x9  }
0xb2: {  	_ =	task.clear_ibuf [dreg:s6], $0x8FFFF;
	_ =	strace $0x90000046  }
0xb3: {  	s26 =	simm.s32 $0x9;
	_ =	strace $0x80000048  }
0xb4: {  	_ =	swait.ge [sflag:s26], $0x1  }
0xb5: {  	[sflag:s26] =	ssyncadd.s32 $0xFFFFFFFF  }
0xb6: {  	_ =	strace $0x90000048  }
0xb7: {  	_ =	sfence  }
0xb8: {  	s28 =	sld [smem:$0x0];
	_ =	sdelay $0x1  }
0xb9: {  	s29 =	srdreg.scid  }
0xba: {  	s30 =	sshll.u32 s29, $0xD;
	s31 =	sshrl.u32 s29, $0x2  }
0xbb: {  	s1 =	sand.u32 $0x1, s29;
	s2 =	sand.u32 $0x4000, s30;
	s0 =	sadd.s32 s31, s28  }
0xbc: {  	s1 =	sor.u32 s2, s1;
	s0 =	sshll.u32 s0, $0x11  }
0xbd: {  	s0 =	sor.u32 s0, s1  }
0xbe: {  	s0 =	sadd.s32 $0x8F2B, s0  }
0xbf: {  	[sflag:s0] =	ssyncadd.remote.s32 $0x1  }
0xc0: {  	_ =	sfence.sel $0xFFFF  }
0xc1: {  	[dreg:$0x0] =	wrdreg $0xFFFFFFFF;
	(pc) =	sbr.abs _section_cstart, $3  }
0xc2: {  	[dreg:$0x1] =	wrdreg $0xFFFFFFFF  }
0xc3: {  	_ =	task.clear_ibuf [dreg:s6], $0x2FFFF;
	_ =	strace $0x9FFFFFFF  }
0xc4: {  	(tm) =	ssettm $0x7FFFFFFF  }
0xc5: {  	_ =	shalt  }
tec
execute0_lowered:
.L_overlay_start_1:
0x0: {  	(tag) =	ssettag $0x1  }
0x1: {  	s4 =	rddreg [dreg:$0x0]  }
0x2: {  	s6 =	rddreg [dreg:$0x1]  }
0x3: {  	s2 =	rddreg [dreg:$0x2]  }
0x4: {  	s5 =	rddreg [dreg:$0x3]  }
0x5: {  	s3 =	rddreg [dreg:$0x4];
	s7 =	simm.s32 $0x0;
	s1 =	stileid.u32  }
0x6: {  	[smem:$0x7FF] =	sst s7;
	s4 =	sadd.s32 $0x800, s4;
	s8 =	sshll.u32 s1, $0xB  }
0x7: {  	s0 =	rddreg [dreg:$0x5];
	_ =	strace $0x80000047;
	s9 =	sadd.s32 s4, s8  }
0x8: {  	[tilespmem:s7], [sflag:$0x1] =	stream.linear.gather [hbm4b:s9+s7], $0x2000, $0x38;
	[tilespmem:$0xA100] =	vst v63  }
0x9: {  	s10 =	simm.s32 $0x4000;
	s26 =	sadd.s32 s6, s8;
	s8 =	sor.u32 $0x400, s8  }
0xa: {  	[tilespmem:s10], [sflag:$0x1] =	stream.linear.gather [hbm4b:s26+s7], $0x2000, $0x38;
	[tilespmem:$0xA100] =	vst v63  }
0xb: {  	s28 =	simm.s32 $0x2000;
	s4 =	sadd.s32 s4, s8  }
0xc: {  	[tilespmem:s28], [sflag:$0x2] =	stream.linear.gather [hbm4b:s4+s7], $0x2000, $0x38;
	[tilespmem:$0xA100] =	vst v63  }
0xd: {  	s30 =	simm.s32 $0x6000;
	s29 =	sadd.s32 s6, s8  }
0xe: {  	v0 =	vimm.s32 $0xFFFFFFFF;
	[tilespmem:s30], [sflag:$0x2] =	stream.linear.gather [hbm4b:s29+s7], $0x2000, $0x38;
	[tilespmem:$0xA100] =	vst v63  }
0xf: {  	s31 =	simm.s32 $0x80A0;
	[tilespmem:$0x8000] =	vst v0;
	v0 =	vimm.f32 $0.0e+00  }
0x10: {  	[tilespmem:s31+$0xFFFFFFF0] =	vst v0  }
0x11: {  	[tilespmem:s31+$0x0] =	vst v0  }
0x12: {  	[tilespmem:s31+$0x10] =	vst v0  }
0x13: {  	v1 =	vimm.s32 $0x0;
	s4 =	simm.s32 $0x84A0;
	[tilespmem:s31+$0xFFFFFFE0] =	vst v0  }
0x14: {  	[tilespmem:s4+$0xFFFFFFF0] =	vst v1  }
0x15: {  	[tilespmem:s4+$0x0] =	vst v1  }
0x16: {  	[tilespmem:s4+$0x10] =	vst v1  }
0x17: {  	s6 =	simm.s32 $0x0;
	s7 =	simm.s32 $0x80E0;
	[tilespmem:s4+$0xFFFFFFE0] =	vst v1  }
.LBB2_1:
0x18: {  	[tilespmem:s7+$0xFFFFFFF0] =	vst v0;
	s4 =	sadd.s32 $0x40, s4  }
0x19: {  	s6 =	sadd.s32 $0x4, s6;
	[tilespmem:s4+$0xFFFFFFF0] =	vst v1  }
0x1a: {  	p0 =	slt.u32 s6, $0x3C;
	[tilespmem:s7+$0x0] =	vst v0  }
.Ltmp0:
0x1b: {  	[tilespmem:s4+$0x0] =	vst v1;
	(pc) =	sbr.rel @p0 .LBB2_1-.Ltmp0, $4  }
0x1c: {  	[tilespmem:s7+$0x10] =	vst v0  }
0x1d: {  	[tilespmem:s4+$0x10] =	vst v1  }
0x1e: {  	[tilespmem:s7+$0xFFFFFFE0] =	vst v0  }
0x1f: {  	s7 =	sadd.s32 $0x40, s7;
	[tilespmem:s4+$0xFFFFFFE0] =	vst v1  }
0x20: {  	s4 =	simm.s32 $0x1  }
0x21: {  	_ =	swait.ge [sflag:s4], $0x2000  }
0x22: {  	[sflag:s4] =	ssyncset.done $0x0  }
0x23: {  	[sflag:s4] =	ssyncadd.s32 $0xFFFFE000  }
0x24: {  	_ =	swait.ge [sflag:s4], $0x2000  }
0x25: {  	[sflag:s4] =	ssyncset.done $0x0  }
0x26: {  	[sflag:s4] =	ssyncadd.s32 $0xFFFFE000;
	s4 =	simm.s32 $0x4040  }
0x27: {  	v1 =	vld [tilespmem:s4+$0xFFFFFFE0]  }
0x28: {  	v0 =	vld [tilespmem:s4+$0xFFFFFFE1]  }
0x29: {  	v3 =	vld [tilespmem:s4+$0x1]  }
0x2a: {  	v5 =	vld [tilespmem:s4+$0x0]  }
0x2b: {  	v2 =	vld [tilespmem:s4+$0xFFFFFFF1]  }
0x2c: {  	v7 =	vld [tilespmem:s4+$0xFFFFFFC1]  }
0x2d: {  	s6 =	simm.s32 $0x40;
	v6 =	vld [tilespmem:s4+$0xFFFFFFC0]  }
0x2e: {  	v4 =	vld [tilespmem:s6+$0xFFFFFFC0]  }
0x2f: {  	v14 =	vld [tilespmem:s4+$0x31]  }
0x30: {  	v8 =	vld [tilespmem:s6+$0x30]  }
0x31: {  	v15 =	vld [tilespmem:s4+$0x30]  }
0x32: {  	v9 =	vld [tilespmem:s6+$0x20]  }
0x33: {  	v10 =	vld [tilespmem:s6+$0x10]  }
0x34: {  	v16 =	vld [tilespmem:s6+$0x0];
	(xrf2) =	vadd.scan.msk.f32 $0xffff, v4  }
0x35: {  	v17 =	vld [tilespmem:s6+$0xFFFFFFF0];
	(xrf2) =	vadd.scan.msk.f32 $0xffff, v8  }
0x36: {  	v18 =	vld [tilespmem:s6+$0xFFFFFFE0]  }
0x37: {  	v12 =	vld [tilespmem:s4+$0x11]  }
0x38: {  	vm1 =	vcmask $0x3F3C;
	v11 =	vld [tilespmem:s4+$0x21];
	vm2 =	vne.s32 v6, v7  }
0x39: {  	vm0 =	vmmov $0x7fff;
	v19 =	vld [tilespmem:s4+$0x20];
	vm5 =	vne.s32 v15, v14;
	vm4 =	vmor vm2, vm1  }
0x3a: {  	v13 =	vld [tilespmem:s4+$0x10];
	vm3 =	vmand vm2, vm0;
	vm2 =	vmor vm5, vm1  }
0x3b: {  	v4 =	vld [tilespmem:s6+$0xFFFFFFD0];
	(xrf2) =	vadd.scan.msk.f32 $0xffff, v9  }
0x3c: {  	v8 =	vld [tilespmem:s4+$0xFFFFFFD1];
	(xrf2) =	vadd.scan.msk.f32 $0xffff, v10  }
0x3d: {  	vm5 =	vmand vm5, vm0;
	v9 =	vld [tilespmem:s4+$0xFFFFFFF0]  }
0x3e: {  	s7 =	simm.s32 $0x8080;
	v10 =	vld [tilespmem:s4+$0xFFFFFFD0];
	v20, _, _ =	vpop (xrf2)  }
0x3f: {  	v22 =	vlaneseq.u32;
	vm6 =	vne.s32 v19, v11;
	v21 =	vsub.f32 $0.0e+00, v20;
	[tilespmem:v6+s7+$0x0] =	vst.idx.add.f32.msk vm4, v20;
	v62, _, _ =	vpop (xrf2)  }
0x40: {  	vm7 =	vne.s32 v13, v12;
	vm12 =	vmor vm6, vm1;
	(xrf2) =	vadd.scan.msk.f32 $0xffff, v4;
	[tilespmem:v15+s7+$0x0] =	vst.idx.add.f32.msk vm2, v62  }
0x41: {  	s8 =	simm.s32 $0x8480;
	vm10 =	vmor vm7, vm1;
	v4 =	vadd.s32 $0x1, v22;
	v20 =	vsub.f32 $0.0e+00, v62;
	[tilespmem:v7+s7+$0x0] =	vst.idx.add.f32.msk vm3, v21  }
0x42: {  	v63 =	vmul.u32 $0xFFFFFFFF, v22;
	vm9 =	vmand vm6, vm0;
	(xrf2) =	vadd.scan.msk.f32 $0xffff, v17;
	[tilespmem:v6+s8+$0x0] =	vst.idx.add.s32.msk vm4, v4  }
0x43: {  	vm11 =	vmand vm7, vm0;
	[tilespmem:v14+s7+$0x0] =	vst.idx.add.f32.msk vm5, v20  }
0x44: {  	v6 =	vadd.s32 $0xFFFFFFFF, v63;
	[tilespmem:v15+s8+$0x0] =	vst.idx.add.s32.msk vm2, v4  }
0x45: {  	v15, _, _ =	vpop (xrf2);
	(xrf2) =	vadd.scan.msk.f32 $0xffff, v16;
	[tilespmem:v14+s8+$0x0] =	vst.idx.add.s32.msk vm5, v6  }
0x46: {  	vm8 =	vne.s32 v10, v8;
	[tilespmem:v19+s7+$0x0] =	vst.idx.add.f32.msk vm12, v15;
	v14 =	vsub.f32 $0.0e+00, v15;
	v15, _, _ =	vpop (xrf2)  }
0x47: {  	vm7 =	vmor vm8, vm1;
	vm5 =	vne.s32 v9, v2;
	[tilespmem:v13+s7+$0x0] =	vst.idx.add.f32.msk vm10, v15;
	v15 =	vsub.f32 $0.0e+00, v15  }
0x48: {  	(xrf2) =	vadd.scan.msk.f32 $0xffff, v18;
	vm6 =	vmor vm5, vm1;
	[tilespmem:v11+s7+$0x0] =	vst.idx.add.f32.msk vm9, v14  }
0x49: {  	[tilespmem:v12+s7+$0x0] =	vst.idx.add.f32.msk vm11, v15  }
0x4a: {  	s9 =	simm.s32 $0x0;
	vm4 =	vne.s32 v5, v3;
	vm2 =	vne.s32 v1, v0;
	[tilespmem:v19+s8+$0x0] =	vst.idx.add.s32.msk vm12, v4;
	v14, _, _ =	vpop (xrf2)  }
.LBB2_3:
0x4b: {  	s9 =	sadd.s32 $0x8, s9;
	[tilespmem:v13+s8+$0x0] =	vst.idx.add.s32.msk vm10, v4;
	s4 =	sadd.s32 $0x80, s4;
	s6 =	sadd.s32 $0x80, s6  }
0x4c: {  	p0 =	slt.u32 s9, $0x1F0;
	[tilespmem:v12+s8+$0x0] =	vst.idx.add.s32.msk vm11, v6;
	v12, _, _ =	vpop (xrf2)  }
0x4d: {  	vm10 =	vmor vm4, vm1;
	[tilespmem:v10+s7+$0x0] =	vst.idx.add.f32.msk vm7, v14  }
0x4e: {  	vm4 =	vmand vm4, vm0;
	[tilespmem:v9+s7+$0x0] =	vst.idx.add.f32.msk vm6, v12  }
0x4f: {  	[tilespmem:v11+s8+$0x0] =	vst.idx.add.s32.msk vm9, v6;
	v11, _, _ =	vpop (xrf2)  }
0x50: {  	[tilespmem:v7+s8+$0x0] =	vst.idx.add.s32.msk vm3, v6  }
0x51: {  	v13 =	vsub.f32 $0.0e+00, v14;
	vm3 =	vmor vm2, vm1;
	v7 =	vld [tilespmem:s4+$0xFFFFFFE0]  }
0x52: {  	vm9 =	vmand vm2, vm0;
	v15 =	vsub.f32 $0.0e+00, v11;
	v14 =	vld [tilespmem:s4+$0xFFFFFFE1];
	v16, _, _ =	vpop (xrf2)  }
0x53: {  	[tilespmem:v5+s7+$0x0] =	vst.idx.add.f32.msk vm10, v11  }
0x54: {  	vm8 =	vmand vm8, vm0;
	[tilespmem:v3+s7+$0x0] =	vst.idx.add.f32.msk vm4, v15  }
0x55: {  	[tilespmem:v5+s8+$0x0] =	vst.idx.add.s32.msk vm10, v4  }
0x56: {  	vm5 =	vmand vm5, vm0;
	v5 =	vsub.f32 $0.0e+00, v16;
	[tilespmem:v3+s8+$0x0] =	vst.idx.add.s32.msk vm4, v6  }
0x57: {  	v3 =	vsub.f32 $0.0e+00, v12;
	vm2 =	vne.s32 v7, v14;
	[tilespmem:v1+s7+$0x0] =	vst.idx.add.f32.msk vm3, v16  }
0x58: {  	[tilespmem:v0+s7+$0x0] =	vst.idx.add.f32.msk vm9, v5  }
0x59: {  	[tilespmem:v1+s8+$0x0] =	vst.idx.add.s32.msk vm3, v4;
	v1 =	vmov v7  }
0x5a: {  	[tilespmem:v8+s7+$0x0] =	vst.idx.add.f32.msk vm8, v13  }
0x5b: {  	[tilespmem:v10+s8+$0x0] =	vst.idx.add.s32.msk vm7, v4  }
0x5c: {  	[tilespmem:v2+s7+$0x0] =	vst.idx.add.f32.msk vm5, v3  }
0x5d: {  	[tilespmem:v0+s8+$0x0] =	vst.idx.add.s32.msk vm9, v6;
	v0 =	vmov v14  }
0x5e: {  	[tilespmem:v9+s8+$0x0] =	vst.idx.add.s32.msk vm6, v4  }
0x5f: {  	[tilespmem:v2+s8+$0x0] =	vst.idx.add.s32.msk vm5, v6  }
0x60: {  	[tilespmem:v8+s8+$0x0] =	vst.idx.add.s32.msk vm8, v6  }
0x61: {  	v3 =	vld [tilespmem:s4+$0x1]  }
0x62: {  	v5 =	vld [tilespmem:s4+$0x0]  }
0x63: {  	v2 =	vld [tilespmem:s4+$0xFFFFFFF1]  }
0x64: {  	v7 =	vld [tilespmem:s4+$0xFFFFFFC1]  }
0x65: {  	v14 =	vld [tilespmem:s4+$0xFFFFFFC0]  }
0x66: {  	v8 =	vld [tilespmem:s6+$0xFFFFFFC0]  }
0x67: {  	vm4 =	vne.s32 v5, v3;
	v15 =	vld [tilespmem:s4+$0x31]  }
0x68: {  	v16 =	vld [tilespmem:s4+$0x30]  }
0x69: {  	v9 =	vld [tilespmem:s6+$0x30]  }
0x6a: {  	v10 =	vld [tilespmem:s6+$0x20]  }
0x6b: {  	v17 =	vld [tilespmem:s6+$0x10];
	(xrf2) =	vadd.scan.msk.f32 $0xffff, v8  }
0x6c: {  	v18 =	vld [tilespmem:s6+$0x0]  }
0x6d: {  	v19 =	vld [tilespmem:s6+$0xFFFFFFF0];
	vm5 =	vne.s32 v16, v15  }
0x6e: {  	v20 =	vld [tilespmem:s6+$0xFFFFFFE0];
	(xrf2) =	vadd.scan.msk.f32 $0xffff, v9  }
0x6f: {  	v21 =	vld [tilespmem:s6+$0xFFFFFFD0]  }
0x70: {  	vm3 =	vne.s32 v14, v7;
	v12 =	vld [tilespmem:s4+$0x11]  }
0x71: {  	vm7 =	vmor vm3, vm1;
	v11 =	vld [tilespmem:s4+$0x21];
	(xrf2) =	vadd.scan.msk.f32 $0xffff, v10  }
0x72: {  	vm3 =	vmand vm3, vm0;
	v22 =	vld [tilespmem:s4+$0x20]  }
0x73: {  	vm6 =	vmor vm5, vm1;
	v13 =	vld [tilespmem:s4+$0x10]  }
0x74: {  	v9 =	vld [tilespmem:s4+$0xFFFFFFF0];
	(xrf2) =	vadd.scan.msk.f32 $0xffff, v17  }
0x75: {  	vm13 =	vmand vm5, vm0;
	v8 =	vld [tilespmem:s4+$0xFFFFFFD1];
	v17, _, _ =	vpop (xrf2)  }
0x76: {  	v23 =	vsub.f32 $0.0e+00, v17;
	v10 =	vld [tilespmem:s4+$0xFFFFFFD0]  }
0x77: {  	[tilespmem:v14+s7+$0x0] =	vst.idx.add.f32.msk vm7, v17;
	vm8 =	vne.s32 v22, v11;
	(xrf2) =	vadd.scan.msk.f32 $0xffff, v21  }
0x78: {  	[tilespmem:v7+s7+$0x0] =	vst.idx.add.f32.msk vm3, v23;
	vm11 =	vne.s32 v13, v12;
	vm12 =	vmor vm8, vm1;
	v17, _, _ =	vpop (xrf2)  }
0x79: {  	vm5 =	vne.s32 v9, v2;
	vm10 =	vmor vm11, vm1;
	[tilespmem:v16+s7+$0x0] =	vst.idx.add.f32.msk vm6, v17;
	v17 =	vsub.f32 $0.0e+00, v17  }
0x7a: {  	vm9 =	vmand vm8, vm0;
	[tilespmem:v14+s8+$0x0] =	vst.idx.add.s32.msk vm7, v4;
	(xrf2) =	vadd.scan.msk.f32 $0xffff, v19  }
0x7b: {  	vm11 =	vmand vm11, vm0;
	vm8 =	vne.s32 v10, v8;
	[tilespmem:v15+s7+$0x0] =	vst.idx.add.f32.msk vm13, v17;
	v14, _, _ =	vpop (xrf2)  }
0x7c: {  	[tilespmem:v16+s8+$0x0] =	vst.idx.add.s32.msk vm6, v4  }
0x7d: {  	[tilespmem:v15+s8+$0x0] =	vst.idx.add.s32.msk vm13, v6;
	(xrf2) =	vadd.scan.msk.f32 $0xffff, v18  }
.Ltmp1:
0x7e: {  	v16 =	vsub.f32 $0.0e+00, v14;
	[tilespmem:v22+s7+$0x0] =	vst.idx.add.f32.msk vm12, v14;
	v15, _, _ =	vpop (xrf2);
	(pc) =	sbr.rel @p0 .LBB2_3-.Ltmp1, $4  }
0x7f: {  	vm7 =	vmor vm8, vm1;
	[tilespmem:v13+s7+$0x0] =	vst.idx.add.f32.msk vm10, v15;
	v15 =	vsub.f32 $0.0e+00, v15  }
0x80: {  	vm6 =	vmor vm5, vm1;
	[tilespmem:v11+s7+$0x0] =	vst.idx.add.f32.msk vm9, v16;
	(xrf2) =	vadd.scan.msk.f32 $0xffff, v20  }
0x81: {  	[tilespmem:v12+s7+$0x0] =	vst.idx.add.f32.msk vm11, v15;
	v14, _, _ =	vpop (xrf2)  }
0x82: {  	[tilespmem:v22+s8+$0x0] =	vst.idx.add.s32.msk vm12, v4  }
0x83: {  	_ =	sdelay $0x4  }
0x84: {  	[tilespmem:v13+s8+$0x0] =	vst.idx.add.s32.msk vm10, v4;
	vm10 =	vmor vm4, vm1  }
0x85: {  	vm4 =	vmand vm4, vm0;
	[tilespmem:v10+s7+$0x0] =	vst.idx.add.f32.msk vm7, v14  }
0x86: {  	[tilespmem:v11+s8+$0x0] =	vst.idx.add.s32.msk vm9, v6  }
0x87: {  	[tilespmem:v12+s8+$0x0] =	vst.idx.add.s32.msk vm11, v6;
	v12, _, _ =	vpop (xrf2)  }
0x88: {  	vm9 =	vmor vm2, vm1;
	[tilespmem:v7+s8+$0x0] =	vst.idx.add.s32.msk vm3, v6;
	v11, _, _ =	vpop (xrf2)  }
0x89: {  	vm3 =	vmand vm8, vm0;
	[tilespmem:v9+s7+$0x0] =	vst.idx.add.f32.msk vm6, v12;
	v7 =	vsub.f32 $0.0e+00, v11  }
0x8a: {  	vm2 =	vmand vm2, vm0;
	[tilespmem:v5+s7+$0x0] =	vst.idx.add.f32.msk vm10, v11  }
0x8b: {  	[tilespmem:v3+s7+$0x0] =	vst.idx.add.f32.msk vm4, v7  }
0x8c: {  	[tilespmem:v5+s8+$0x0] =	vst.idx.add.s32.msk vm10, v4  }
0x8d: {  	v7, _, _ =	vpop (xrf2);
	[tilespmem:v3+s8+$0x0] =	vst.idx.add.s32.msk vm4, v6;
	v3 =	vsub.f32 $0.0e+00, v14  }
0x8e: {  	v5 =	vsub.f32 $0.0e+00, v7;
	[tilespmem:v1+s7+$0x0] =	vst.idx.add.f32.msk vm9, v7  }
0x8f: {  	vm5 =	vmand vm5, vm0;
	[tilespmem:v8+s7+$0x0] =	vst.idx.add.f32.msk vm3, v3  }
0x90: {  	[tilespmem:v0+s7+$0x0] =	vst.idx.add.f32.msk vm2, v5  }
0x91: {  	[tilespmem:v10+s8+$0x0] =	vst.idx.add.s32.msk vm7, v4  }
0x92: {  	[tilespmem:v1+s8+$0x0] =	vst.idx.add.s32.msk vm9, v4  }
0x93: {  	v1 =	vsub.f32 $0.0e+00, v12;
	[tilespmem:v8+s8+$0x0] =	vst.idx.add.s32.msk vm3, v6  }
0x94: {  	[tilespmem:v0+s8+$0x0] =	vst.idx.add.s32.msk vm2, v6  }
0x95: {  	[tilespmem:v2+s7+$0x0] =	vst.idx.add.f32.msk vm5, v1  }
0x96: {  	[tilespmem:v9+s8+$0x0] =	vst.idx.add.s32.msk vm6, v4  }
0x97: {  	s4 =	simm.s32 $0x2;
	[tilespmem:v2+s8+$0x0] =	vst.idx.add.s32.msk vm5, v6  }
0x98: {  	_ =	swait.ge [sflag:s4], $0x2000  }
0x99: {  	[sflag:s4] =	ssyncset.done $0x0  }
0x9a: {  	[sflag:s4] =	ssyncadd.s32 $0xFFFFE000  }
0x9b: {  	_ =	swait.ge [sflag:s4], $0x2000  }
0x9c: {  	[sflag:s4] =	ssyncset.done $0x0  }
0x9d: {  	[sflag:s4] =	ssyncadd.s32 $0xFFFFE000;
	s4 =	simm.s32 $0x5FF1  }
0x9e: {  	v1 =	vld [tilespmem:s4+$0xFFFFFFAF]  }
0x9f: {  	v0 =	vld [tilespmem:s4+$0xFFFFFFB0]  }
0xa0: {  	v3 =	vld [tilespmem:s4+$0xFFFFFFD0]  }
0xa1: {  	v5 =	vld [tilespmem:s4+$0xFFFFFFCF]  }
0xa2: {  	v2 =	vld [tilespmem:s4+$0xFFFFFFC0]  }
0xa3: {  	v7 =	vld [tilespmem:s4+$0xFFFFFF90]  }
0xa4: {  	s7 =	simm.s32 $0x1FF0;
	v6 =	vld [tilespmem:s4+$0xFFFFFF8F]  }
0xa5: {  	v4 =	vld [tilespmem:s7+$0xFFFFFF90]  }
0xa6: {  	v14 =	vld [tilespmem:s4+$0x0]  }
0xa7: {  	v8 =	vld [tilespmem:s7+$0x0]  }
0xa8: {  	v15 =	vld [tilespmem:s4+$0xFFFFFFFF]  }
0xa9: {  	v9 =	vld [tilespmem:s7+$0xFFFFFFF0]  }
0xaa: {  	v10 =	vld [tilespmem:s7+$0xFFFFFFE0]  }
0xab: {  	v16 =	vld [tilespmem:s7+$0xFFFFFFD0];
	(xrf2) =	vadd.scan.msk.f32 $0xffff, v4  }
0xac: {  	v17 =	vld [tilespmem:s7+$0xFFFFFFC0];
	(xrf2) =	vadd.scan.msk.f32 $0xffff, v8  }
0xad: {  	v18 =	vld [tilespmem:s7+$0xFFFFFFB0]  }
0xae: {  	v12 =	vld [tilespmem:s4+$0xFFFFFFE0]  }
0xaf: {  	v11 =	vld [tilespmem:s4+$0xFFFFFFF0];
	vm2 =	vne.s32 v6, v7  }
0xb0: {  	v19 =	vld [tilespmem:s4+$0xFFFFFFEF];
	vm5 =	vne.s32 v15, v14;
	vm4 =	vmor vm2, vm1  }
0xb1: {  	v13 =	vld [tilespmem:s4+$0xFFFFFFDF];
	vm3 =	vmand vm2, vm0;
	vm2 =	vmor vm5, vm1  }
0xb2: {  	v4 =	vld [tilespmem:s7+$0xFFFFFFA0];
	(xrf2) =	vadd.scan.msk.f32 $0xffff, v9  }
0xb3: {  	v8 =	vld [tilespmem:s4+$0xFFFFFFA0];
	(xrf2) =	vadd.scan.msk.f32 $0xffff, v10  }
0xb4: {  	vm5 =	vmand vm5, vm0;
	v9 =	vld [tilespmem:s4+$0xFFFFFFBF]  }
0xb5: {  	s6 =	simm.s32 $0x8080;
	v10 =	vld [tilespmem:s4+$0xFFFFFF9F];
	v20, _, _ =	vpop (xrf2)  }
0xb6: {  	v22 =	vlaneseq.u32;
	vm6 =	vne.s32 v19, v11;
	v21 =	vsub.f32 $0.0e+00, v20;
	[tilespmem:v6+s6+$0x0] =	vst.idx.add.f32.msk vm4, v20;
	v62, _, _ =	vpop (xrf2)  }
0xb7: {  	vm7 =	vne.s32 v13, v12;
	vm12 =	vmor vm6, vm1;
	(xrf2) =	vadd.scan.msk.f32 $0xffff, v4;
	[tilespmem:v15+s6+$0x0] =	vst.idx.add.f32.msk vm2, v62  }
0xb8: {  	s8 =	simm.s32 $0x8480;
	vm10 =	vmor vm7, vm1;
	v4 =	vadd.s32 $0x1, v22;
	v20 =	vsub.f32 $0.0e+00, v62;
	[tilespmem:v7+s6+$0x0] =	vst.idx.add.f32.msk vm3, v21  }
0xb9: {  	v63 =	vmul.u32 $0xFFFFFFFF, v22;
	vm9 =	vmand vm6, vm0;
	(xrf2) =	vadd.scan.msk.f32 $0xffff, v17;
	[tilespmem:v6+s8+$0x0] =	vst.idx.add.s32.msk vm4, v4  }
0xba: {  	vm11 =	vmand vm7, vm0;
	[tilespmem:v14+s6+$0x0] =	vst.idx.add.f32.msk vm5, v20  }
0xbb: {  	v6 =	vadd.s32 $0xFFFFFFFF, v63;
	[tilespmem:v15+s8+$0x0] =	vst.idx.add.s32.msk vm2, v4  }
0xbc: {  	v15, _, _ =	vpop (xrf2);
	(xrf2) =	vadd.scan.msk.f32 $0xffff, v16;
	[tilespmem:v14+s8+$0x0] =	vst.idx.add.s32.msk vm5, v6  }
0xbd: {  	vm8 =	vne.s32 v10, v8;
	[tilespmem:v19+s6+$0x0] =	vst.idx.add.f32.msk vm12, v15;
	v14 =	vsub.f32 $0.0e+00, v15;
	v15, _, _ =	vpop (xrf2)  }
0xbe: {  	vm6 =	vne.s32 v9, v2;
	vm7 =	vmor vm8, vm1;
	[tilespmem:v13+s6+$0x0] =	vst.idx.add.f32.msk vm10, v15;
	v15 =	vsub.f32 $0.0e+00, v15  }
0xbf: {  	vm5 =	vmor vm6, vm1;
	(xrf2) =	vadd.scan.msk.f32 $0xffff, v18;
	[tilespmem:v11+s6+$0x0] =	vst.idx.add.f32.msk vm9, v14  }
0xc0: {  	[tilespmem:v12+s6+$0x0] =	vst.idx.add.f32.msk vm11, v15  }
0xc1: {  	s9 =	simm.s32 $0x1F8;
	vm4 =	vne.s32 v5, v3;
	vm2 =	vne.s32 v1, v0;
	[tilespmem:v19+s8+$0x0] =	vst.idx.add.s32.msk vm12, v4;
	v14, _, _ =	vpop (xrf2)  }
.LBB2_5:
0xc2: {  	s9 =	sadd.s32 $0x8, s9;
	[tilespmem:v13+s8+$0x0] =	vst.idx.add.s32.msk vm10, v4;
	s4 =	sadd.s32 $0x80, s4;
	s7 =	sadd.s32 $0x80, s7  }
0xc3: {  	p0 =	slt.u32 s9, $0x3F8;
	[tilespmem:v12+s8+$0x0] =	vst.idx.add.s32.msk vm11, v6;
	v12, _, _ =	vpop (xrf2)  }
0xc4: {  	vm10 =	vmor vm4, vm1;
	[tilespmem:v10+s6+$0x0] =	vst.idx.add.f32.msk vm7, v14  }
0xc5: {  	vm4 =	vmand vm4, vm0;
	[tilespmem:v9+s6+$0x0] =	vst.idx.add.f32.msk vm5, v12  }
0xc6: {  	[tilespmem:v11+s8+$0x0] =	vst.idx.add.s32.msk vm9, v6;
	v11, _, _ =	vpop (xrf2)  }
0xc7: {  	[tilespmem:v7+s8+$0x0] =	vst.idx.add.s32.msk vm3, v6  }
0xc8: {  	v13 =	vsub.f32 $0.0e+00, v14;
	vm3 =	vmor vm2, vm1;
	v7 =	vld [tilespmem:s4+$0xFFFFFFAF]  }
0xc9: {  	vm9 =	vmand vm2, vm0;
	v15 =	vsub.f32 $0.0e+00, v11;
	v14 =	vld [tilespmem:s4+$0xFFFFFFB0];
	v16, _, _ =	vpop (xrf2)  }
0xca: {  	[tilespmem:v5+s6+$0x0] =	vst.idx.add.f32.msk vm10, v11  }
0xcb: {  	vm8 =	vmand vm8, vm0;
	[tilespmem:v3+s6+$0x0] =	vst.idx.add.f32.msk vm4, v15  }
0xcc: {  	[tilespmem:v5+s8+$0x0] =	vst.idx.add.s32.msk vm10, v4  }
0xcd: {  	vm6 =	vmand vm6, vm0;
	v5 =	vsub.f32 $0.0e+00, v16;
	[tilespmem:v3+s8+$0x0] =	vst.idx.add.s32.msk vm4, v6  }
0xce: {  	v3 =	vsub.f32 $0.0e+00, v12;
	vm2 =	vne.s32 v7, v14;
	[tilespmem:v1+s6+$0x0] =	vst.idx.add.f32.msk vm3, v16  }
0xcf: {  	[tilespmem:v0+s6+$0x0] =	vst.idx.add.f32.msk vm9, v5  }
0xd0: {  	[tilespmem:v1+s8+$0x0] =	vst.idx.add.s32.msk vm3, v4;
	v1 =	vmov v7  }
0xd1: {  	[tilespmem:v8+s6+$0x0] =	vst.idx.add.f32.msk vm8, v13  }
0xd2: {  	[tilespmem:v10+s8+$0x0] =	vst.idx.add.s32.msk vm7, v4  }
0xd3: {  	[tilespmem:v2+s6+$0x0] =	vst.idx.add.f32.msk vm6, v3  }
0xd4: {  	[tilespmem:v0+s8+$0x0] =	vst.idx.add.s32.msk vm9, v6;
	v0 =	vmov v14  }
0xd5: {  	[tilespmem:v9+s8+$0x0] =	vst.idx.add.s32.msk vm5, v4  }
0xd6: {  	[tilespmem:v2+s8+$0x0] =	vst.idx.add.s32.msk vm6, v6  }
0xd7: {  	[tilespmem:v8+s8+$0x0] =	vst.idx.add.s32.msk vm8, v6  }
0xd8: {  	v3 =	vld [tilespmem:s4+$0xFFFFFFD0]  }
0xd9: {  	v5 =	vld [tilespmem:s4+$0xFFFFFFCF]  }
0xda: {  	v2 =	vld [tilespmem:s4+$0xFFFFFFC0]  }
0xdb: {  	v7 =	vld [tilespmem:s4+$0xFFFFFF90]  }
0xdc: {  	v14 =	vld [tilespmem:s4+$0xFFFFFF8F]  }
0xdd: {  	v8 =	vld [tilespmem:s7+$0xFFFFFF90]  }
0xde: {  	vm4 =	vne.s32 v5, v3;
	v15 =	vld [tilespmem:s4+$0x0]  }
0xdf: {  	v16 =	vld [tilespmem:s4+$0xFFFFFFFF]  }
0xe0: {  	v9 =	vld [tilespmem:s7+$0x0]  }
0xe1: {  	v10 =	vld [tilespmem:s7+$0xFFFFFFF0]  }
0xe2: {  	v17 =	vld [tilespmem:s7+$0xFFFFFFE0];
	(xrf2) =	vadd.scan.msk.f32 $0xffff, v8  }
0xe3: {  	v18 =	vld [tilespmem:s7+$0xFFFFFFD0]  }
0xe4: {  	v19 =	vld [tilespmem:s7+$0xFFFFFFC0];
	vm6 =	vne.s32 v16, v15  }
0xe5: {  	v20 =	vld [tilespmem:s7+$0xFFFFFFB0];
	(xrf2) =	vadd.scan.msk.f32 $0xffff, v9  }
0xe6: {  	v21 =	vld [tilespmem:s7+$0xFFFFFFA0]  }
0xe7: {  	vm3 =	vne.s32 v14, v7;
	v12 =	vld [tilespmem:s4+$0xFFFFFFE0]  }
0xe8: {  	vm7 =	vmor vm3, vm1;
	v11 =	vld [tilespmem:s4+$0xFFFFFFF0];
	(xrf2) =	vadd.scan.msk.f32 $0xffff, v10  }
0xe9: {  	vm3 =	vmand vm3, vm0;
	v22 =	vld [tilespmem:s4+$0xFFFFFFEF]  }
0xea: {  	vm5 =	vmor vm6, vm1;
	v13 =	vld [tilespmem:s4+$0xFFFFFFDF]  }
0xeb: {  	v9 =	vld [tilespmem:s4+$0xFFFFFFBF];
	(xrf2) =	vadd.scan.msk.f32 $0xffff, v17  }
0xec: {  	vm13 =	vmand vm6, vm0;
	v8 =	vld [tilespmem:s4+$0xFFFFFFA0];
	v17, _, _ =	vpop (xrf2)  }
0xed: {  	v23 =	vsub.f32 $0.0e+00, v17;
	v10 =	vld [tilespmem:s4+$0xFFFFFF9F]  }
0xee: {  	[tilespmem:v14+s6+$0x0] =	vst.idx.add.f32.msk vm7, v17;
	vm8 =	vne.s32 v22, v11;
	(xrf2) =	vadd.scan.msk.f32 $0xffff, v21  }
0xef: {  	[tilespmem:v7+s6+$0x0] =	vst.idx.add.f32.msk vm3, v23;
	vm11 =	vne.s32 v13, v12;
	vm12 =	vmor vm8, vm1;
	v17, _, _ =	vpop (xrf2)  }
0xf0: {  	vm6 =	vne.s32 v9, v2;
	vm10 =	vmor vm11, vm1;
	[tilespmem:v16+s6+$0x0] =	vst.idx.add.f32.msk vm5, v17;
	v17 =	vsub.f32 $0.0e+00, v17  }
0xf1: {  	vm9 =	vmand vm8, vm0;
	[tilespmem:v14+s8+$0x0] =	vst.idx.add.s32.msk vm7, v4;
	(xrf2) =	vadd.scan.msk.f32 $0xffff, v19  }
0xf2: {  	vm11 =	vmand vm11, vm0;
	vm8 =	vne.s32 v10, v8;
	[tilespmem:v15+s6+$0x0] =	vst.idx.add.f32.msk vm13, v17;
	v14, _, _ =	vpop (xrf2)  }
0xf3: {  	[tilespmem:v16+s8+$0x0] =	vst.idx.add.s32.msk vm5, v4  }
0xf4: {  	[tilespmem:v15+s8+$0x0] =	vst.idx.add.s32.msk vm13, v6;
	(xrf2) =	vadd.scan.msk.f32 $0xffff, v18  }
.Ltmp2:
0xf5: {  	v16 =	vsub.f32 $0.0e+00, v14;
	[tilespmem:v22+s6+$0x0] =	vst.idx.add.f32.msk vm12, v14;
	v15, _, _ =	vpop (xrf2);
	(pc) =	sbr.rel @p0 .LBB2_5-.Ltmp2, $4  }
0xf6: {  	vm7 =	vmor vm8, vm1;
	[tilespmem:v13+s6+$0x0] =	vst.idx.add.f32.msk vm10, v15;
	v15 =	vsub.f32 $0.0e+00, v15  }
0xf7: {  	vm5 =	vmor vm6, vm1;
	[tilespmem:v11+s6+$0x0] =	vst.idx.add.f32.msk vm9, v16;
	(xrf2) =	vadd.scan.msk.f32 $0xffff, v20  }
0xf8: {  	[tilespmem:v12+s6+$0x0] =	vst.idx.add.f32.msk vm11, v15;
	v14, _, _ =	vpop (xrf2)  }
0xf9: {  	[tilespmem:v22+s8+$0x0] =	vst.idx.add.s32.msk vm12, v4  }
0xfa: {  	_ =	sdelay $0x4  }
0xfb: {  	[tilespmem:v13+s8+$0x0] =	vst.idx.add.s32.msk vm10, v4;
	vm15 =	vmor vm4, vm1  }
0xfc: {  	[tilespmem:v10+s6+$0x0] =	vst.idx.add.f32.msk vm7, v14;
	vm14 =	vmand vm8, vm0  }
0xfd: {  	[tilespmem:v12+s8+$0x0] =	vst.idx.add.s32.msk vm11, v6;
	vm11 =	vmand vm4, vm0  }
0xfe: {  	[tilespmem:v11+s8+$0x0] =	vst.idx.add.s32.msk vm9, v6  }
0xff: {  	[tilespmem:v7+s8+$0x0] =	vst.idx.add.s32.msk vm3, v6;
	v57, _, _ =	vpop (xrf2)  }
0x100: {  	vm12 =	vmor vm2, vm1;
	v62 =	vsub.f32 $0.0e+00, v14;
	[tilespmem:v9+s6+$0x0] =	vst.idx.add.f32.msk vm5, v57;
	v58, _, _ =	vpop (xrf2)  }
0x101: {  	v59 =	vsub.f32 $0.0e+00, v58;
	[tilespmem:v5+s6+$0x0] =	vst.idx.add.f32.msk vm15, v58  }
0x102: {  	[tilespmem:v8+s6+$0x0] =	vst.idx.add.f32.msk vm14, v62  }
0x103: {  	vm13 =	vmand vm2, vm0;
	[tilespmem:v3+s6+$0x0] =	vst.idx.add.f32.msk vm11, v59  }
0x104: {  	[tilespmem:v10+s8+$0x0] =	vst.idx.add.s32.msk vm7, v4  }
0x105: {  	v60, _, _ =	vpop (xrf2);
	[tilespmem:v5+s8+$0x0] =	vst.idx.add.s32.msk vm15, v4;
	vm15 =	vmand vm6, vm0  }
0x106: {  	[tilespmem:v1+s6+$0x0] =	vst.idx.add.f32.msk vm12, v60  }
0x107: {  	v61 =	vsub.f32 $0.0e+00, v60;
	[tilespmem:v8+s8+$0x0] =	vst.idx.add.s32.msk vm14, v6  }
0x108: {  	[tilespmem:v3+s8+$0x0] =	vst.idx.add.s32.msk vm11, v6  }
0x109: {  	v63 =	vsub.f32 $0.0e+00, v57;
	[tilespmem:v0+s6+$0x0] =	vst.idx.add.f32.msk vm13, v61  }
0x10a: {  	[tilespmem:v1+s8+$0x0] =	vst.idx.add.s32.msk vm12, v4  }
0x10b: {  	s4 =	sshll.u32 s1, $0x7;
	[tilespmem:v2+s6+$0x0] =	vst.idx.add.f32.msk vm15, v63;
	s6 =	sshll.u32 s1, $0xA  }
0x10c: {  	[tilespmem:v0+s8+$0x0] =	vst.idx.add.s32.msk vm13, v6;
	s4 =	sor.u32 s4, s6  }
0x10d: {  	s30 =	simm.s32 $0x80;
	[tilespmem:v9+s8+$0x0] =	vst.idx.add.s32.msk vm5, v4;
	s9 =	sand.u32 $0x2380, s4  }
0x10e: {  	s7 =	simm.s32 $0x400;
	s10 =	simm.s32 $0x8080;
	[tilespmem:v2+s8+$0x0] =	vst.idx.add.s32.msk vm15, v6;
	s4 =	sadd.s32 s9, s5  }
0x10f: {  	[spmem:s4] =	stream.strided.scatter [tilespmem:s10], [sflag:$0x3], $0x400, s7, s30, $0x38;
	[tilespmem:$0xA100] =	vst v63  }
0x110: {  	s4 =	simm.s32 $0x3  }
0x111: {  	_ =	swait.ge [sflag:s4], $0x400  }
0x112: {  	s31 =	simm.s32 $0x8480;
	[sflag:s4] =	ssyncset.done $0x0  }
0x113: {  	p0 =	sgt.u32 s1, $0x7;
	s9 =	sadd.s32 s9, s3;
	[sflag:s4] =	ssyncadd.s32 $0xFFFFFC00  }
0x114: {  	[spmem:s9] =	stream.strided.scatter [tilespmem:s31], [sflag:$0x3], $0x400, s7, s30, $0x38;
	[tilespmem:$0xA100] =	vst v63  }
.Ltmp3:
0x115: {  	_ =	swait.ge [sflag:s4], $0x400;
	(pc) =	sbr.rel @p0 .LBB2_8-.Ltmp3, $3  }
0x116: {  	[sflag:s4] =	ssyncset.done $0x0  }
0x117: {  	[sflag:s4] =	ssyncadd.s32 $0xFFFFFC00  }
0x118: {  	[bflag:$0x0] =	sbarrier.arrive $0xFFFF;
	_ =	sdelay $0x1  }
0x119: {  	s5 =	sadd.s32 s6, s5;
	s8 =	simm.s32 $0x2000;
	s9 =	simm.s32 $0x9080  }
0x11a: {  	[tilespmem:s9], [sflag:$0x3] =	stream.strided.gather [spmem:s5], $0x800, s8, s7, $0x38;
	[tilespmem:$0xA100] =	vst v63  }
0x11b: {  	_ =	swait.ge [sflag:s4], $0x800  }
0x11c: {  	[sflag:s4] =	ssyncset.done $0x0  }
0x11d: {  	s3 =	sadd.s32 s6, s3;
	s28 =	simm.s32 $0x9880;
	[sflag:s4] =	ssyncadd.s32 $0xFFFFF800  }
0x11e: {  	[tilespmem:s28], [sflag:$0x3] =	stream.strided.gather [spmem:s3], $0x800, s8, s7, $0x38;
	[tilespmem:$0xA100] =	vst v63  }
0x11f: {  	_ =	swait.ge [sflag:s4], $0x800  }
0x120: {  	[sflag:s4] =	ssyncset.done $0x0  }
0x121: {  	[sflag:s4] =	ssyncadd.s32 $0xFFFFF800  }
0x122: {  	v3 =	vld [tilespmem:$0x9080]  }
0x123: {  	v8 =	vld [tilespmem:$0x9880]  }
0x124: {  	v0 =	vld [tilespmem:$0x9100]  }
0x125: {  	v1 =	vld [tilespmem:$0x9900]  }
0x126: {  	v2 =	vld [tilespmem:$0x9180]  }
0x127: {  	v4 =	vld [tilespmem:$0x9980]  }
0x128: {  	v9 =	vld [tilespmem:$0x9200]  }
0x129: {  	v6 =	vld [tilespmem:$0x9A00]  }
0x12a: {  	v16 =	vld [tilespmem:$0x9280]  }
0x12b: {  	v7 =	vld [tilespmem:$0x9A80]  }
0x12c: {  	v22 =	vld [tilespmem:$0x9300]  }
0x12d: {  	v12 =	vld [tilespmem:$0x9B00]  }
0x12e: {  	v26 =	vld [tilespmem:$0x9380]  }
0x12f: {  	v10 =	vld [tilespmem:$0x9B80]  }
0x130: {  	v30 =	vld [tilespmem:$0x9400]  }
0x131: {  	v14 =	vld [tilespmem:$0x9C00]  }
0x132: {  	v62 =	vld [tilespmem:$0x9480]  }
0x133: {  	v13 =	vld [tilespmem:$0x9C80]  }
0x134: {  	v59 =	vld [tilespmem:$0x9500]  }
0x135: {  	v17 =	vld [tilespmem:$0x9D00]  }
0x136: {  	v44 =	vld [tilespmem:$0x9580]  }
0x137: {  	v18 =	vld [tilespmem:$0x9D80]  }
0x138: {  	v49 =	vld [tilespmem:$0x9600]  }
0x139: {  	v20 =	vld [tilespmem:$0x9E00]  }
0x13a: {  	v54 =	vld [tilespmem:$0x9680]  }
0x13b: {  	v19 =	vld [tilespmem:$0x9E80]  }
0x13c: {  	v61 =	vld [tilespmem:$0x9700]  }
0x13d: {  	v21 =	vld [tilespmem:$0x9F00]  }
0x13e: {  	v5 =	vld [tilespmem:$0x9780]  }
0x13f: {  	v23 =	vld [tilespmem:$0x9F80]  }
0x140: {  	v45 =	vld [tilespmem:$0x9800]  }
0x141: {  	v24 =	vld [tilespmem:$0xA000]  }
0x142: {  	v11 =	vld [tilespmem:$0x9090]  }
0x143: {  	v29 =	vld [tilespmem:$0x9890]  }
0x144: {  	v27 =	vld [tilespmem:$0x9910]  }
0x145: {  	v15 =	vld [tilespmem:$0x9190]  }
0x146: {  	v28 =	vld [tilespmem:$0x9990]  }
0x147: {  	v63 =	vld [tilespmem:$0x9320]  }
0x148: {  	v25 =	vld [tilespmem:$0x9210]  }
0x149: {  	v31 =	vld [tilespmem:$0x9A10]  }
0x14a: {  	v32 =	vld [tilespmem:$0x9290]  }
0x14b: {  	v33 =	vld [tilespmem:$0x9A90]  }
0x14c: {  	[tilespmem:$0x1FAE0] =	vst v63;
	v63 =	vld [tilespmem:$0x93A0]  }
0x14d: {  	v36 =	vld [tilespmem:$0x9310]  }
0x14e: {  	v34 =	vld [tilespmem:$0x9B10]  }
0x14f: {  	v40 =	vld [tilespmem:$0x9390]  }
0x150: {  	v35 =	vld [tilespmem:$0x9B90]  }
0x151: {  	[tilespmem:$0x1FB20] =	vst v63;
	v63 =	vld [tilespmem:$0x9420]  }
0x152: {  	v47 =	vld [tilespmem:$0x9410]  }
0x153: {  	v39 =	vld [tilespmem:$0x9C10]  }
0x154: {  	v53 =	vld [tilespmem:$0x9490]  }
0x155: {  	v37 =	vld [tilespmem:$0x9C90]  }
0x156: {  	[tilespmem:$0x1FB50] =	vst v63;
	v63 =	vld [tilespmem:$0x94A0]  }
0x157: {  	v60 =	vld [tilespmem:$0x9510]  }
0x158: {  	v42 =	vld [tilespmem:$0x9D10]  }
0x159: {  	v38 =	vld [tilespmem:$0x9590]  }
0x15a: {  	v46 =	vld [tilespmem:$0x9610]  }
0x15b: {  	[tilespmem:$0x1FB80] =	vst v63;
	v63 =	vld [tilespmem:$0x9520]  }
0x15c: {  	v48 =	vld [tilespmem:$0x9690]  }
0x15d: {  	v50 =	vld [tilespmem:$0x9710]  }
0x15e: {  	v52 =	vld [tilespmem:$0x9F10]  }
0x15f: {  	v51 =	vld [tilespmem:$0x9790]  }
0x160: {  	[tilespmem:$0x1FBC0] =	vst v63;
	v63 =	vld [tilespmem:$0x95A0]  }
0x161: {  	v55 =	vld [tilespmem:$0x9810]  }
0x162: {  	v57 =	vld [tilespmem:$0xA010]  }
0x163: {  	v41 =	vld [tilespmem:$0x90A0]  }
0x164: {  	v56 =	vld [tilespmem:$0x98A0]  }
0x165: {  	[tilespmem:$0x1FC10] =	vst v63;
	v63 =	vld [tilespmem:$0x9620]  }
0x166: {  	v43 =	vld [tilespmem:$0x9920]  }
0x167: {  	v58 =	vld [tilespmem:$0x9AA0]  }
0x168: {  	[tilespmem:$0x1FA60] =	vst v5;
	v5 =	vld [tilespmem:$0x9110]  }
0x169: {  	[tilespmem:$0x1FA70] =	vst v45;
	v45 =	vld [tilespmem:$0x9D90]  }
0x16a: {  	[tilespmem:$0x1FC80] =	vst v63;
	v63 =	vld [tilespmem:$0x96A0]  }
0x16b: {  	[tilespmem:$0x1FAB0] =	vst v46;
	v46 =	vld [tilespmem:$0x9E10]  }
0x16c: {  	[tilespmem:$0x1FAF0] =	vst v48;
	v48 =	vld [tilespmem:$0x9E90]  }
0x16d: {  	[tilespmem:$0x1FB30] =	vst v50;
	v50 =	vld [tilespmem:$0x9F90]  }
0x16e: {  	[tilespmem:$0x1FA80] =	vst v38;
	v38 =	vld [tilespmem:$0x9120]  }
0x16f: {  	[tilespmem:$0x1FCD0] =	vst v63;
	v63 =	vld [tilespmem:$0x9720]  }
0x170: {  	[tilespmem:$0x1FAA0] =	vst v43;
	v43 =	vld [tilespmem:$0x91A0]  }
0x171: {  	[tilespmem:$0x1FBF0] =	vst v51;
	v51 =	vld [tilespmem:$0x99A0]  }
0x172: {  	[tilespmem:$0x1FC70] =	vst v55;
	v55 =	vld [tilespmem:$0x9A20]  }
0x173: {  	[tilespmem:$0x1FA90] =	vst v56;
	v56 =	vld [tilespmem:$0x92A0]  }
0x174: {  	[tilespmem:$0x1FD10] =	vst v63;
	v63 =	vld [tilespmem:$0x97A0]  }
0x175: {  	[tilespmem:$0x1FB00] =	vst v58;
	v58 =	vld [tilespmem:$0x9B20]  }
0x176: {  	v1 =	vadd.s32 v8, v1;
	v8 =	vld [tilespmem:$0x9AC0]  }
0x177: {  	v0 =	vadd.f32 v0, v3;
	v27 =	vadd.s32 v29, v27;
	v29 =	vld [tilespmem:$0x9640]  }
0x178: {  	v1 =	vadd.s32 v4, v1;
	v4 =	vld [tilespmem:$0x9A40]  }
0x179: {  	v0 =	vadd.f32 v2, v0;
	[tilespmem:$0x1FD50] =	vst v63;
	v63 =	vld [tilespmem:$0x9820]  }
0x17a: {  	v1 =	vadd.s32 v6, v1;
	v6 =	vld [tilespmem:$0x92C0]  }
0x17b: {  	v1 =	vadd.s32 v7, v1;
	v0 =	vadd.f32 v9, v0;
	v9 =	vld [tilespmem:$0x9340]  }
0x17c: {  	v1 =	vadd.s32 v12, v1;
	v12 =	vld [tilespmem:$0x93C0]  }
0x17d: {  	[tilespmem:$0x1FAC0] =	vst v51;
	v51 =	vld [tilespmem:$0x9220]  }
0x17e: {  	[tilespmem:$0x1FDD0] =	vst v63;
	v63 =	vld [tilespmem:$0x98B0]  }
0x17f: {  	[tilespmem:$0x1FB10] =	vst v58;
	v58 =	vld [tilespmem:$0x9BA0]  }
0x180: {  	[tilespmem:$0x1FAD0] =	vst v55;
	v55 =	vld [tilespmem:$0x9130]  }
0x181: {  	v1 =	vadd.s32 v10, v1;
	v10 =	vld [tilespmem:$0x9B40]  }
0x182: {  	v1 =	vadd.s32 v14, v1;
	v14 =	vld [tilespmem:$0x9BC0]  }
0x183: {  	[tilespmem:$0x1FC90] =	vst v63;
	v63 =	vld [tilespmem:$0x9930]  }
0x184: {  	v0 =	vadd.f32 v16, v0;
	v16 =	vld [tilespmem:$0x9440]  }
0x185: {  	[tilespmem:$0x1FFC0] =	vst v29;
	v29 =	vld [tilespmem:$0x1FB10];
	v1 =	vadd.s32 v13, v1  }
0x186: {  	v1 =	vadd.s32 v17, v1;
	v17 =	vld [tilespmem:$0x9C40]  }
0x187: {  	v0 =	vadd.f32 v22, v0;
	v22 =	vld [tilespmem:$0x9D40]  }
0x188: {  	[tilespmem:$0x1FCA0] =	vst v63;
	v63 =	vld [tilespmem:$0x91B0]  }
0x189: {  	v1 =	vadd.s32 v18, v1;
	v18 =	vld [tilespmem:$0x94C0]  }
0x18a: {  	[tilespmem:$0x1FB40] =	vst v58;
	v58 =	vld [tilespmem:$0x9C20]  }
0x18b: {  	v0 =	vadd.f32 v26, v0;
	v1 =	vadd.s32 v20, v1;
	v26 =	vld [tilespmem:$0x9DC0]  }
0x18c: {  	v1 =	vadd.s32 v19, v1;
	v19 =	vld [tilespmem:$0x9CC0]  }
0x18d: {  	[tilespmem:$0x1FBA0] =	vst v63;
	v63 =	vld [tilespmem:$0x99B0]  }
0x18e: {  	[tilespmem:$0x1FEC0] =	vst v14;
	v14 =	vld [tilespmem:$0x9FC0]  }
0x18f: {  	v20 =	vadd.f32 v5, v11;
	[tilespmem:$0x1FF70] =	vst v16;
	v16 =	vld [tilespmem:$0x9150]  }
0x190: {  	v1 =	vadd.s32 v21, v1;
	v21 =	vld [tilespmem:$0x9540]  }
0x191: {  	v2 =	vadd.f32 v15, v20;
	v20 =	vld [tilespmem:$0x1FAA0]  }
0x192: {  	[tilespmem:$0x1FCC0] =	vst v63;
	v63 =	vld [tilespmem:$0x9230]  }
0x193: {  	v0 =	vadd.f32 v30, v0;
	v1 =	vadd.s32 v23, v1;
	v23 =	vld [tilespmem:$0x95C0]  }
0x194: {  	[tilespmem:$0x1FF30] =	vst v22;
	v22 =	vld [tilespmem:$0x1FAC0]  }
0x195: {  	v0 =	vadd.f32 v62, v0;
	v62 =	vld [tilespmem:$0x9E40]  }
0x196: {  	[tilespmem:$0x1FF90] =	vst v18;
	v18 =	vld [tilespmem:$0x1FA80]  }
0x197: {  	[tilespmem:$0x1FBE0] =	vst v63;
	v63 =	vld [tilespmem:$0x9A30]  }
0x198: {  	v2 =	vadd.f32 v25, v2;
	v25 =	vld [tilespmem:$0x1FAE0]  }
0x199: {  	v1 =	vadd.s32 v24, v1;
	[tilespmem:$0x1FB60] =	vst v58;
	v58 =	vld [tilespmem:$0x9CA0]  }
0x19a: {  	v24 =	vcvt.s32.f32 v1;
	v1 =	vadd.s32 v28, v27;
	v27 =	vld [tilespmem:$0x9250]  }
0x19b: {  	[tilespmem:$0x1FF50] =	vst v26;
	v26 =	vld [tilespmem:$0x1FAF0]  }
0x19c: {  	[tilespmem:$0x1FCE0] =	vst v63;
	v63 =	vld [tilespmem:$0x92B0]  }
0x19d: {  	v28 =	vld [tilespmem:$0x1FB00]  }
0x19e: {  	v2 =	vadd.f32 v32, v2;
	v32 =	vld [tilespmem:$0x96C0]  }
0x19f: {  	v0 =	vadd.f32 v59, v0;
	v59 =	vld [tilespmem:$0x9EC0]  }
0x1a0: {  	[tilespmem:$0x1FF00] =	vst v19;
	v19 =	vld [tilespmem:$0x1FA90]  }
0x1a1: {  	[tilespmem:$0x1FC30] =	vst v63;
	v63 =	vld [tilespmem:$0x9AB0]  }
0x1a2: {  	v1 =	vadd.s32 v31, v1;
	v31 =	vld [tilespmem:$0x1FB30]  }
0x1a3: {  	[tilespmem:$0x1FFA0] =	vst v21;
	v1 =	vadd.s32 v33, v1;
	v21 =	vld [tilespmem:$0x1FAB0]  }
0x1a4: {  	v1 =	vadd.s32 v34, v1;
	v34 =	vld [tilespmem:$0x9740]  }
0x1a5: {  	v30 =	vadd.f32 $-1.000000000e+00, v24;
	v0 =	vadd.f32 v44, v0;
	v44 =	vld [tilespmem:$0x9F40]  }
0x1a6: {  	[tilespmem:$0x1FD00] =	vst v63;
	v63 =	vld [tilespmem:$0x9330]  }
0x1a7: {  	[tilespmem:$0x1FE60] =	vst v4;
	v4 =	vmul.f32 $3.000000000e+00, v30;
	v30 =	vld [tilespmem:$0x1FB20]  }
0x1a8: {  	v1 =	vadd.s32 v35, v1;
	v35 =	vld [tilespmem:$0x1FB60]  }
0x1a9: {  	[tilespmem:$0x1FB70] =	vst v58;
	v58 =	vld [tilespmem:$0x9D20]  }
0x1aa: {  	v1 =	vadd.s32 v39, v1;
	v39 =	vld [tilespmem:$0x97C0]  }
0x1ab: {  	[tilespmem:$0x1FC60] =	vst v63;
	v63 =	vld [tilespmem:$0x9B30]  }
0x1ac: {  	v0 =	vadd.f32 v49, v0;
	v49 =	vld [tilespmem:$0x1FA70]  }
0x1ad: {  	v11 =	vadd.s32 v19, v20;
	v19 =	vld [tilespmem:$0x9B50]  }
0x1ae: {  	[tilespmem:$0x1FFD0] =	vst v32;
	v32 =	vld [tilespmem:$0x1FB40]  }
0x1af: {  	v20 =	vld [tilespmem:$0x93D0]  }
0x1b0: {  	[tilespmem:$0x1FD20] =	vst v63;
	v63 =	vld [tilespmem:$0x93B0]  }
0x1b1: {  	v1 =	vadd.s32 v37, v1;
	v37 =	vld [tilespmem:$0x1FB70]  }
0x1b2: {  	v1 =	vadd.s32 v42, v1;
	v42 =	vld [tilespmem:$0x1FA60]  }
0x1b3: {  	v2 =	vadd.f32 v36, v2;
	v11 =	vadd.s32 v22, v11;
	v22 =	vld [tilespmem:$0x9BD0]  }
0x1b4: {  	v0 =	vadd.f32 v54, v0;
	[tilespmem:$0x1FFE0] =	vst v34;
	v34 =	vld [tilespmem:$0x1FB50]  }
0x1b5: {  	v2 =	vadd.f32 v40, v2;
	[tilespmem:$0x1FCB0] =	vst v63;
	v63 =	vld [tilespmem:$0x9BB0]  }
0x1b6: {  	v1 =	vadd.s32 v45, v1;
	v0 =	vadd.f32 v61, v0;
	v61 =	vld [tilespmem:$0x9840]  }
0x1b7: {  	v36 =	vmul.f32 $9.995999930e-01, v4;
	v2 =	vadd.f32 v47, v2;
	v47 =	vadd.s32 v46, v1;
	v1 =	vld [tilespmem:$0x90D0]  }
0x1b8: {  	v46 =	vld [tilespmem:$0x1FBC0]  }
0x1b9: {  	v40 =	vmul.f32 $2.000131940e-04, v4;
	v5 =	vmul.f32 $5.000000000e-01, v36;
	[tilespmem:$0x1FB90] =	vst v58;
	v58 =	vld [tilespmem:$0x9DA0]  }
0x1ba: {  	[tilespmem:$0x1FD40] =	vst v63;
	v63 =	vld [tilespmem:$0x9430]  }
0x1bb: {  	v2 =	vadd.f32 v53, v2;
	v5 =	vadd.f32 v5, v40;
	v40 =	vld [tilespmem:$0x98D0]  }
0x1bc: {  	v54 =	vadd.f32 v38, v41;
	[tilespmem:$0x1FFF0] =	vst v39;
	v39 =	vld [tilespmem:$0x1FB80]  }
0x1bd: {  	[tilespmem:$0x1FF20] =	vst v12;
	v12 =	vadd.f32 v60, v2;
	v2 =	vld [tilespmem:$0x91D0]  }
0x1be: {  	[tilespmem:$0x1FEA0] =	vst v6;
	v6 =	vadd.f32 v43, v54;
	v41 =	vld [tilespmem:$0x1FB90]  }
0x1bf: {  	[tilespmem:$0x1FCF0] =	vst v63;
	v63 =	vld [tilespmem:$0x9C30]  }
0x1c0: {  	v6 =	vadd.f32 v51, v6;
	v51 =	vld [tilespmem:$0x1FC10]  }
0x1c1: {  	v4 =	vmul.f32 $5.000000000e-01, v4;
	v60 =	vld [tilespmem:$0x1FC70]  }
0x1c2: {  	v0 =	vadd.f32 v42, v0;
	v42 =	vld [tilespmem:$0xA040]  }
0x1c3: {  	v4 =	vsub.f32 v5, v4;
	v5 =	vld [tilespmem:$0x9950]  }
0x1c4: {  	[tilespmem:$0x1FD60] =	vst v63;
	v63 =	vld [tilespmem:$0x94B0]  }
0x1c5: {  	[tilespmem:$0x1FE80] =	vst v8;
	v8 =	vadd.f32 v18, v12;
	v12 =	vld [tilespmem:$0x9AD0]  }
0x1c6: {  	v18 =	vld [tilespmem:$0x9350]  }
0x1c7: {  	v3 =	vand.u32 $0x80000000, v24;
	v4 =	vmul.f32 v24, v4;
	v24 =	vld [tilespmem:$0x1FAD0]  }
0x1c8: {  	v7 =	vadd.f32 v49, v0;
	v49 =	vld [tilespmem:$0x1FBF0]  }
0x1c9: {  	[tilespmem:$0x1FD30] =	vst v63;
	v63 =	vld [tilespmem:$0x9CB0]  }
0x1ca: {  	v1 =	vadd.f32 v16, v1;
	v16 =	vld [tilespmem:$0x9360]  }
0x1cb: {  	v53 =	vadd.s32 v48, v47;
	[tilespmem:$0x1FBB0] =	vst v58;
	v58 =	vld [tilespmem:$0x9E20]  }
0x1cc: {  	v15 =	vimm.f32 $0.0e+00;
	v0 =	vadd.s32 v52, v53;
	v8 =	vadd.f32 v21, v8;
	v21 =	vld [tilespmem:$0x9C50]  }
0x1cd: {  	v13 =	vadd.s32 v50, v0;
	v0 =	vand.u32 $0x7FFFFFFF, v15;
	v15 =	vld [tilespmem:$0x94D0]  }
0x1ce: {  	[tilespmem:$0x1FD80] =	vst v63;
	v63 =	vld [tilespmem:$0x9530]  }
0x1cf: {  	[tilespmem:$0x1FEE0] =	vst v17;
	v6 =	vadd.f32 v56, v6;
	v17 =	vor.u32 v3, v0;
	v3 =	vld [tilespmem:$0x99D0]  }
0x1d0: {  	v45 =	vld [tilespmem:$0x1FBB0]  }
0x1d1: {  	v6 =	vadd.f32 v25, v6;
	v25 =	vld [tilespmem:$0x1FC80]  }
0x1d2: {  	v1 =	vadd.f32 v2, v1;
	v2 =	vld [tilespmem:$0x93E0]  }
0x1d3: {  	[tilespmem:$0x1FD70] =	vst v63;
	v63 =	vld [tilespmem:$0x9D30]  }
0x1d4: {  	[tilespmem:$0x1FEB0] =	vst v10;
	v10 =	vadd.f32 v4, v17;
	v4 =	vld [tilespmem:$0x9A50]  }
0x1d5: {  	v17 =	vld [tilespmem:$0x92D0]  }
0x1d6: {  	[tilespmem:$0x1FED0] =	vst v9;
	v9 =	vadd.s32 v57, v13;
	v5 =	vadd.s32 v40, v5;
	v40 =	vld [tilespmem:$0x9C60]  }
0x1d7: {  	[tilespmem:$0x1FFB0] =	vst v23;
	v9 =	vcvt.s32.f32 v9;
	v1 =	vadd.f32 v27, v1;
	v27 =	vld [tilespmem:$0x9460]  }
0x1d8: {  	[tilespmem:$0x1FD90] =	vst v63;
	v63 =	vld [tilespmem:$0x95B0]  }
0x1d9: {  	v23 =	vadd.f32 $-1.000000000e+00, v9;
	v11 =	vadd.s32 v24, v11;
	[tilespmem:$0x1FBD0] =	vst v58;
	v58 =	vld [tilespmem:$0x9EA0]  }
0x1da: {  	v7 =	vmul.f32 $3.999966430e-04, v7;
	v11 =	vadd.s32 v28, v11;
	v28 =	vld [tilespmem:$0x9CD0]  }
0x1db: {  	v6 =	vadd.f32 v30, v6;
	v13 =	vmul.f32 $3.000000000e+00, v23;
	v23 =	vld [tilespmem:$0x9450]  }
0x1dc: {  	v7 =	vmul.f32 $5.000000000e-01, v7;
	v47 =	vld [tilespmem:$0x1FBD0]  }
0x1dd: {  	v6 =	vadd.f32 v34, v6;
	[tilespmem:$0x1FDA0] =	vst v63;
	v63 =	vld [tilespmem:$0x9DB0]  }
0x1de: {  	v54 =	vadd.f32 v10, v7;
	v7 =	vadd.s32 v29, v11;
	v29 =	vld [tilespmem:$0x9D50]  }
0x1df: {  	v6 =	vadd.f32 v39, v6;
	v39 =	vld [tilespmem:$0x9ED0]  }
0x1e0: {  	v5 =	vadd.s32 v3, v5;
	v3 =	vld [tilespmem:$0x94E0];
	v7 =	vadd.s32 v32, v7  }
0x1e1: {  	v4 =	vadd.s32 v4, v5;
	v7 =	vadd.s32 v35, v7;
	v35 =	vld [tilespmem:$0x9DD0]  }
0x1e2: {  	v4 =	vadd.s32 v12, v4;
	[tilespmem:$0x1FDE0] =	vst v63;
	v63 =	vld [tilespmem:$0x9630]  }
0x1e3: {  	v4 =	vadd.s32 v19, v4;
	v19 =	vld [tilespmem:$0x9D60]  }
0x1e4: {  	v8 =	vadd.f32 v26, v8;
	[tilespmem:$0x1FC00] =	vst v58;
	v58 =	vld [tilespmem:$0x9F20]  }
0x1e5: {  	v4 =	vadd.s32 v22, v4;
	v22 =	vld [tilespmem:$0x9E60]  }
0x1e6: {  	v8 =	vadd.f32 v31, v8;
	v50 =	vld [tilespmem:$0x1FC00]  }
0x1e7: {  	v33 =	vmul.f32 $9.995999930e-01, v13;
	[tilespmem:$0x1FDF0] =	vst v63;
	v63 =	vld [tilespmem:$0x9E30]  }
0x1e8: {  	v8 =	vadd.f32 v49, v8;
	v49 =	vld [tilespmem:$0x1FD10]  }
0x1e9: {  	v38 =	vmul.f32 $2.000131940e-04, v13;
	v10 =	vmul.f32 $5.000000000e-01, v33;
	v4 =	vadd.s32 v21, v4;
	v21 =	vld [tilespmem:$0x9EE0]  }
0x1ea: {  	[tilespmem:$0x1FC20] =	vst v58;
	v58 =	vld [tilespmem:$0x9FA0]  }
0x1eb: {  	v10 =	vadd.f32 v10, v38;
	v38 =	vld [tilespmem:$0x9E50]  }
0x1ec: {  	v13 =	vmul.f32 $5.000000000e-01, v13;
	[tilespmem:$0x1FE30] =	vst v63;
	v63 =	vld [tilespmem:$0x96B0]  }
0x1ed: {  	v4 =	vadd.s32 v28, v4;
	v28 =	vld [tilespmem:$0x9F60]  }
0x1ee: {  	v10 =	vsub.f32 v10, v13;
	v13 =	vld [tilespmem:$0x9550]  }
0x1ef: {  	v4 =	vadd.s32 v29, v4;
	[tilespmem:$0x1FC40] =	vst v58;
	v58 =	vld [tilespmem:$0xA020]  }
0x1f0: {  	v4 =	vadd.s32 v35, v4;
	v35 =	vld [tilespmem:$0xA060]  }
0x1f1: {  	[tilespmem:$0x1FE50] =	vst v63;
	v63 =	vld [tilespmem:$0x9EB0]  }
0x1f2: {  	v52 =	vld [tilespmem:$0x1FC20]  }
0x1f3: {  	v56 =	vand.u32 $0x80000000, v9;
	v10 =	vmul.f32 v9, v10;
	v9 =	vld [tilespmem:$0x95D0]  }
0x1f4: {  	[tilespmem:$0x1FC50] =	vst v58;
	v58 =	vld [tilespmem:$0x90B0]  }
0x1f5: {  	v4 =	vadd.s32 v38, v4;
	v38 =	vld [tilespmem:$0x90F0]  }
0x1f6: {  	[tilespmem:$0x1FE70] =	vst v63;
	v63 =	vld [tilespmem:$0x9730]  }
0x1f7: {  	v4 =	vadd.s32 v39, v4;
	v39 =	vld [tilespmem:$0x9170]  }
0x1f8: {  	v7 =	vadd.s32 v37, v7;
	v57 =	vld [tilespmem:$0x1FC50]  }
0x1f9: {  	v7 =	vadd.s32 v41, v7;
	v36 =	vadd.f32 v55, v58;
	v55 =	vld [tilespmem:$0x1FC40]  }
0x1fa: {  	v7 =	vadd.s32 v45, v7;
	v30 =	vld [tilespmem:$0x1FC90]  }
0x1fb: {  	v6 =	vadd.f32 v46, v6;
	v7 =	vadd.s32 v47, v7;
	[tilespmem:$0x1FE90] =	vst v63;
	v63 =	vld [tilespmem:$0x9F30]  }
0x1fc: {  	v7 =	vadd.s32 v50, v7;
	v31 =	vld [tilespmem:$0x1FCA0]  }
0x1fd: {  	v24 =	vadd.f32 v51, v6;
	v6 =	vadd.s32 v52, v7;
	v43 =	vld [tilespmem:$0x1FBA0]  }
0x1fe: {  	v6 =	vadd.s32 v55, v6;
	v55 =	vld [tilespmem:$0x1FD50]  }
0x1ff: {  	v48 =	vld [tilespmem:$0x1FBE0]  }
0x200: {  	[tilespmem:$0x1FEF0] =	vst v63;
	v63 =	vld [tilespmem:$0x97B0]  }
0x201: {  	v6 =	vadd.s32 v57, v6;
	v53 =	vld [tilespmem:$0x1FC30]  }
0x202: {  	v26 =	vcvt.s32.f32 v6;
	v6 =	vld [tilespmem:$0x9650];
	v11 =	vadd.f32 v43, v36  }
0x203: {  	v8 =	vadd.f32 v60, v8;
	v33 =	vld [tilespmem:$0x1FCC0]  }
0x204: {  	v43 =	vld [tilespmem:$0x1FCD0];
	v11 =	vadd.f32 v48, v11  }
0x205: {  	v8 =	vmul.f32 $3.999966430e-04, v8;
	[tilespmem:$0x1FF10] =	vst v63;
	v63 =	vld [tilespmem:$0x9FB0]  }
0x206: {  	v45 =	vld [tilespmem:$0x1FCE0];
	v7 =	vadd.f32 v53, v11;
	v11 =	vor.u32 v56, v0  }
0x207: {  	v48 =	vmul.f32 $5.000000000e-01, v8;
	v8 =	vld [tilespmem:$0x9750];
	v10 =	vadd.f32 v10, v11;
	v11 =	vadd.f32 v25, v24  }
0x208: {  	v47 =	vld [tilespmem:$0x1FD00]  }
0x209: {  	v11 =	vadd.f32 v43, v11;
	v43 =	vld [tilespmem:$0x9F50]  }
0x20a: {  	v24 =	vadd.s32 v30, v31;
	[tilespmem:$0x1FF40] =	vst v63;
	v63 =	vld [tilespmem:$0x9830]  }
0x20b: {  	v24 =	vadd.s32 v33, v24;
	v36 =	vadd.f32 v10, v48;
	v10 =	vld [tilespmem:$0x97D0]  }
0x20c: {  	v24 =	vadd.s32 v45, v24;
	v45 =	vld [tilespmem:$0x9FD0]  }
0x20d: {  	v48 =	vld [tilespmem:$0x1FDD0]  }
0x20e: {  	v58 =	vld [tilespmem:$0x1FC60]  }
0x20f: {  	[tilespmem:$0x1FF80] =	vst v63;
	v63 =	vld [tilespmem:$0xA030]  }
0x210: {  	v50 =	vld [tilespmem:$0x1FD20]  }
0x211: {  	v32 =	vld [tilespmem:$0x1FCB0]  }
0x212: {  	v52 =	vld [tilespmem:$0x1FD40]  }
0x213: {  	v46 =	vld [tilespmem:$0x1FCF0]  }
0x214: {  	[tilespmem:$0x1FF60] =	vst v63;
	v63 =	vld [tilespmem:$0x90C0]  }
0x215: {  	v7 =	vadd.f32 v58, v7;
	v56 =	vld [tilespmem:$0x1FD60]  }
0x216: {  	v51 =	vld [tilespmem:$0x1FD30]  }
0x217: {  	v25 =	vadd.f32 v32, v7;
	v58 =	vld [tilespmem:$0x1FD80]  }
0x218: {  	v57 =	vld [tilespmem:$0x1FD70]  }
0x219: {  	v34 =	vadd.f32 $-1.000000000e+00, v26;
	v24 =	vadd.s32 v47, v24;
	v25 =	vadd.f32 v46, v25;
	[tilespmem:$0x1FDB0] =	vst v63;
	v63 =	vld [tilespmem:$0x98C0]  }
0x21a: {  	v11 =	vadd.f32 v49, v11;
	v4 =	vadd.s32 v43, v4;
	v43 =	vld [tilespmem:$0x9970];
	v24 =	vadd.s32 v50, v24  }
0x21b: {  	v4 =	vadd.s32 v45, v4;
	v45 =	vld [tilespmem:$0x99F0];
	v24 =	vadd.s32 v52, v24;
	v25 =	vadd.f32 v51, v25  }
0x21c: {  	v7 =	vld [tilespmem:$0x96D0];
	v32 =	vadd.f32 v55, v11;
	v11 =	vadd.s32 v56, v24  }
0x21d: {  	v30 =	vmul.f32 $3.000000000e+00, v34;
	v24 =	vadd.f32 v57, v25;
	v25 =	vadd.s32 v58, v11;
	v11 =	vld [tilespmem:$0x9850]  }
0x21e: {  	[tilespmem:$0x1FE00] =	vst v63;
	v63 =	vld [tilespmem:$0x9140]  }
0x21f: {  	v53 =	vmul.f32 $9.995999930e-01, v30;
	v37 =	vld [tilespmem:$0x1FD90]  }
0x220: {  	v60 =	vmul.f32 $2.000131940e-04, v30;
	v58 =	vmul.f32 $5.000000000e-01, v30;
	v30 =	vld [tilespmem:$0x9160]  }
0x221: {  	v41 =	vld [tilespmem:$0x1FDA0]  }
0x222: {  	v49 =	vld [tilespmem:$0x1FDE0]  }
0x223: {  	[tilespmem:$0x1FDC0] =	vst v63;
	v63 =	vld [tilespmem:$0x9940]  }
0x224: {  	v51 =	vld [tilespmem:$0x1FDF0]  }
0x225: {  	v56 =	vld [tilespmem:$0x1FE30]  }
0x226: {  	v25 =	vadd.s32 v37, v25;
	v34 =	vadd.f32 v41, v24;
	v24 =	vld [tilespmem:$0x90E0]  }
0x227: {  	v50 =	vadd.s32 v49, v25;
	v25 =	vld [tilespmem:$0x98E0]  }
0x228: {  	[tilespmem:$0x1FE10] =	vst v63;
	v63 =	vld [tilespmem:$0x91C0]  }
0x229: {  	v33 =	vadd.f32 v51, v34;
	v51 =	vld [tilespmem:$0x1FE80]  }
0x22a: {  	v41 =	vadd.s32 v56, v50;
	v56 =	vld [tilespmem:$0x1FEB0]  }
0x22b: {  	v50 =	vld [tilespmem:$0x1FE70]  }
0x22c: {  	v46 =	vld [tilespmem:$0x1FDB0]  }
0x22d: {  	[tilespmem:$0x1FE20] =	vst v63;
	v63 =	vld [tilespmem:$0x99C0]  }
0x22e: {  	v47 =	vld [tilespmem:$0x1FDC0]  }
0x22f: {  	v52 =	vld [tilespmem:$0x1FE00]  }
0x230: {  	v55 =	vld [tilespmem:$0x1FE20]  }
0x231: {  	v31 =	vmul.f32 $5.000000000e-01, v53;
	v53 =	vld [tilespmem:$0x1FE10]  }
0x232: {  	[tilespmem:$0x1FE40] =	vst v63;
	v63 =	vld [tilespmem:$0x9240]  }
0x233: {  	v37 =	vadd.f32 v47, v46;
	v46 =	vld [tilespmem:$0xA050]  }
0x234: {  	v47 =	vadd.f32 v48, v32;
	v57 =	vld [tilespmem:$0x1FE40]  }
0x235: {  	v32 =	vadd.f32 v31, v60;
	v60 =	vld [tilespmem:$0x1FE50];
	v37 =	vadd.f32 v55, v37  }
0x236: {  	v34 =	vadd.s32 v52, v53;
	v53 =	vld [tilespmem:$0x1FEA0]  }
0x237: {  	v37 =	vadd.f32 v63, v37;
	v63 =	vld [tilespmem:$0x1FE60]  }
0x238: {  	v52 =	vld [tilespmem:$0x1FE90]  }
0x239: {  	v31 =	vadd.s32 v57, v34;
	v34 =	vsub.f32 v32, v58;
	v58 =	vld [tilespmem:$0x1FED0]  }
0x23a: {  	v57 =	vld [tilespmem:$0x1FEC0]  }
0x23b: {  	v33 =	vadd.f32 v60, v33;
	v60 =	vld [tilespmem:$0x1FEE0]  }
0x23c: {  	v4 =	vadd.s32 v46, v4;
	v46 =	vld [tilespmem:$0x9AF0];
	v55 =	vadd.f32 v53, v37;
	v48 =	vadd.s32 v63, v31  }
0x23d: {  	v41 =	vadd.s32 v50, v41;
	v32 =	vld [tilespmem:$0x91E0];
	v48 =	vadd.s32 v51, v48  }
0x23e: {  	v49 =	vadd.f32 v52, v33;
	v50 =	vadd.f32 v58, v55;
	v55 =	vld [tilespmem:$0x1FF00];
	v33 =	vadd.s32 v56, v48  }
0x23f: {  	v48 =	vadd.s32 v57, v33;
	v57 =	vld [tilespmem:$0x1FF10]  }
0x240: {  	v58 =	vld [tilespmem:$0x1FF20]  }
0x241: {  	v34 =	vmul.f32 v26, v34;
	v26 =	vand.u32 $0x80000000, v26;
	v48 =	vadd.s32 v60, v48;
	v60 =	vld [tilespmem:$0x1FF30]  }
0x242: {  	v53 =	vld [tilespmem:$0x1FEF0];
	v63 =	vor.u32 v26, v0  }
0x243: {  	v51 =	vadd.f32 v34, v63;
	v63 =	vld [tilespmem:$0x1FF40]  }
0x244: {  	v56 =	vadd.s32 v55, v48;
	v48 =	vadd.f32 v57, v49;
	v57 =	vld [tilespmem:$0x1FF60]  }
0x245: {  	v49 =	vadd.f32 v58, v50;
	v58 =	vld [tilespmem:$0x1FF70]  }
0x246: {  	v50 =	vadd.s32 v60, v56;
	v56 =	vld [tilespmem:$0x1FF50]  }
0x247: {  	v37 =	vld [tilespmem:$0x99E0]  }
0x248: {  	v31 =	vld [tilespmem:$0x9960];
	v52 =	vadd.s32 v53, v41  }
0x249: {  	v1 =	vadd.f32 v17, v1;
	v26 =	vld [tilespmem:$0x9A60];
	v52 =	vadd.s32 v63, v52  }
0x24a: {  	v34 =	vld [tilespmem:$0x92E0];
	v52 =	vadd.s32 v57, v52  }
0x24b: {  	v41 =	vld [tilespmem:$0x9AE0];
	v49 =	vadd.f32 v58, v49;
	v58 =	vadd.f32 v18, v1;
	v50 =	vadd.s32 v56, v50  }
0x24c: {  	v60 =	vld [tilespmem:$0x1FF90];
	v52 =	vcvt.s32.f32 v52;
	v50 =	vadd.s32 v62, v50  }
0x24d: {  	v12 =	vadd.f32 v20, v58;
	v50 =	vadd.s32 v59, v50;
	v59 =	vld [tilespmem:$0x1FF80]  }
0x24e: {  	v63 =	vld [tilespmem:$0x1FFA0];
	v62 =	vadd.f32 $-1.000000000e+00, v52;
	v44 =	vadd.s32 v44, v50  }
0x24f: {  	v53 =	vld [tilespmem:$0x9B60];
	v12 =	vadd.f32 v23, v12;
	v14 =	vadd.s32 v14, v44  }
0x250: {  	v56 =	vld [tilespmem:$0x1FFB0];
	v14 =	vadd.s32 v42, v14;
	v42 =	vmul.f32 $3.000000000e+00, v62  }
0x251: {  	v33 =	vld [tilespmem:$0x9260];
	v49 =	vadd.f32 v60, v49;
	v12 =	vadd.f32 v15, v12  }
0x252: {  	v14 =	vcvt.s32.f32 v14;
	v48 =	vadd.f32 v59, v48;
	v57 =	vmul.f32 $9.995999930e-01, v42;
	v59 =	vld [tilespmem:$0x1FFC0]  }
0x253: {  	v1 =	vld [tilespmem:$0x9560];
	v49 =	vadd.f32 v63, v49;
	v12 =	vadd.f32 v13, v12  }
0x254: {  	v20 =	vld [tilespmem:$0x9DE0];
	v62 =	vmul.f32 $2.000131940e-04, v42;
	v60 =	vadd.f32 $-1.000000000e+00, v14;
	v5 =	vmul.f32 $5.000000000e-01, v57  }
0x255: {  	v63 =	vld [tilespmem:$0x1FFD0];
	v17 =	vadd.f32 v56, v49;
	v42 =	vmul.f32 $5.000000000e-01, v42;
	v9 =	vadd.f32 v9, v12  }
0x256: {  	v13 =	vld [tilespmem:$0x98F0];
	v55 =	vand.u32 $0x80000000, v14;
	v18 =	vmul.f32 $3.000000000e+00, v60;
	v5 =	vadd.f32 v5, v62  }
0x257: {  	v57 =	vld [tilespmem:$0x1FFE0];
	v62 =	vand.u32 $0x80000000, v52;
	v6 =	vadd.f32 v6, v9;
	v17 =	vadd.f32 v59, v17  }
0x258: {  	v50 =	vld [tilespmem:$0x9BE0];
	v58 =	vmul.f32 $9.995999930e-01, v18;
	v59 =	vmul.f32 $2.000131940e-04, v18;
	v29 =	vor.u32 v62, v0  }
0x259: {  	v44 =	vld [tilespmem:$0x9CE0];
	v18 =	vmul.f32 $5.000000000e-01, v18;
	v62 =	vadd.f32 v30, v24;
	v5 =	vsub.f32 v5, v42  }
0x25a: {  	v60 =	vld [tilespmem:$0x1FFF0];
	v6 =	vadd.f32 v7, v6;
	v17 =	vadd.f32 v63, v17;
	v23 =	vmul.f32 $5.000000000e-01, v58  }
0x25b: {  	v15 =	vld [tilespmem:$0x9FE0];
	v13 =	vadd.s32 v13, v43;
	v63 =	vmul.f32 $3.999966430e-04, v47;
	v5 =	vmul.f32 v52, v5  }
0x25c: {  	v12 =	vld [tilespmem:$0x91F0];
	v52 =	vmul.f32 $3.999966430e-04, v48;
	v8 =	vadd.f32 v8, v6;
	v17 =	vadd.f32 v57, v17  }
0x25d: {  	v9 =	vld [tilespmem:$0x9270];
	v23 =	vadd.f32 v23, v59;
	v49 =	vmul.f32 $5.000000000e-01, v63;
	v5 =	vadd.f32 v5, v29  }
0x25e: {  	v24 =	vld [tilespmem:$0x9BF0];
	v57 =	vmul.f32 $5.000000000e-01, v52;
	v8 =	vadd.f32 v10, v8;
	v52 =	vadd.f32 v32, v62  }
0x25f: {  	v7 =	vld [tilespmem:$0x92F0];
	v29 =	vcvt.s32.f32 v4;
	v17 =	vadd.f32 v60, v17;
	v18 =	vsub.f32 v23, v18  }
0x260: {  	v13 =	vadd.s32 v45, v13;
	v47 =	vld [tilespmem:$0x9A70];
	v6 =	vadd.f32 v51, v49;
	v49 =	vadd.f32 v39, v38  }
0x261: {  	v58 =	vor.u32 v55, v0;
	v55 =	vld [tilespmem:$0x9C70];
	v56 =	vadd.f32 $-1.000000000e+00, v29;
	v5 =	vadd.f32 v5, v57  }
0x262: {  	v48 =	vld [tilespmem:$0x9B70];
	v63 =	vadd.s32 v25, v31;
	v8 =	vadd.f32 v11, v8;
	v17 =	vadd.f32 v61, v17  }
0x263: {  	v10 =	vld [tilespmem:$0x93F0];
	v11 =	vadd.s32 v37, v63;
	v14 =	vmul.f32 v14, v18;
	v42 =	vmul.f32 $3.000000000e+00, v56  }
0x264: {  	v62 =	vld [tilespmem:$0x9DF0];
	v11 =	vadd.s32 v26, v11;
	v12 =	vadd.f32 v12, v49;
	v17 =	vmul.f32 $3.999966430e-04, v17  }
0x265: {  	v23 =	vld [tilespmem:$0x9370];
	v11 =	vadd.s32 v41, v11;
	v14 =	vadd.f32 v14, v58;
	v59 =	vmul.f32 $9.995999930e-01, v42  }
0x266: {  	v51 =	vld [tilespmem:$0x9470];
	v11 =	vadd.s32 v53, v11;
	v9 =	vadd.f32 v9, v12;
	v17 =	vmul.f32 $5.000000000e-01, v17  }
0x267: {  	v57 =	vld [tilespmem:$0x9CF0];
	v58 =	vadd.s32 v47, v13;
	v60 =	vmul.f32 $2.000131940e-04, v42;
	v61 =	vmul.f32 $5.000000000e-01, v59  }
0x268: {  	v63 =	vld [tilespmem:$0x9E70];
	v11 =	vadd.s32 v50, v11;
	v4 =	vadd.f32 v14, v17;
	v17 =	vadd.f32 v33, v52  }
0x269: {  	v12 =	vadd.s32 v46, v58;
	v7 =	vadd.f32 v7, v9;
	v14 =	vadd.f32 v61, v60;
	v60 =	vld [tilespmem:$0x9D70]  }
0x26a: {  	v26 =	vld [tilespmem:$0x9FF0];
	v37 =	vmul.f32 $5.000000000e-01, v42;
	v61 =	vadd.s32 v48, v12;
	v17 =	vadd.f32 v34, v17  }
0x26b: {  	v56 =	vld [tilespmem:$0x94F0];
	v11 =	vadd.s32 v40, v11;
	v7 =	vadd.f32 v23, v7;
	v9 =	vadd.s32 v24, v61  }
0x26c: {  	v11 =	vadd.s32 v44, v11;
	v23 =	vld [tilespmem:$0x9EF0];
	v9 =	vadd.s32 v55, v9;
	v16 =	vadd.f32 v16, v17  }
0x26d: {  	v11 =	vadd.s32 v19, v11;
	v24 =	vld [tilespmem:$0x9F70];
	v7 =	vadd.f32 v10, v7;
	v9 =	vadd.s32 v57, v9  }
0x26e: {  	v59 =	vld [tilespmem:$0x9570];
	v11 =	vadd.s32 v20, v11;
	v2 =	vadd.f32 v2, v16;
	v9 =	vadd.s32 v60, v9  }
0x26f: {  	v31 =	vld [tilespmem:$0xA070];
	v11 =	vadd.s32 v22, v11;
	v7 =	vadd.f32 v51, v7;
	v9 =	vadd.s32 v62, v9  }
0x270: {  	v34 =	vld [tilespmem:$0x95F0];
	v11 =	vadd.s32 v21, v11;
	v2 =	vadd.f32 v27, v2;
	v9 =	vadd.s32 v63, v9  }
0x271: {  	v32 =	vld [tilespmem:$0x95E0];
	v11 =	vadd.s32 v28, v11;
	v7 =	vadd.f32 v56, v7;
	v9 =	vadd.s32 v23, v9  }
0x272: {  	v38 =	vld [tilespmem:$0x9670];
	v33 =	vadd.s32 v15, v11;
	v2 =	vadd.f32 v3, v2;
	v9 =	vadd.s32 v24, v9  }
0x273: {  	v7 =	vadd.f32 v59, v7;
	v3 =	vadd.s32 v35, v33;
	v35 =	vld [tilespmem:$0x9660];
	v9 =	vadd.s32 v26, v9  }
0x274: {  	v42 =	vld [tilespmem:$0x96F0];
	v3 =	vcvt.s32.f32 v3;
	v1 =	vadd.f32 v1, v2;
	v9 =	vadd.s32 v31, v9  }
0x275: {  	v39 =	vld [tilespmem:$0x96E0];
	v40 =	vsub.f32 v14, v37;
	v7 =	vadd.f32 v34, v7;
	v9 =	vcvt.s32.f32 v9  }
0x276: {  	v45 =	vld [tilespmem:$0x9770];
	v41 =	vadd.f32 $-1.000000000e+00, v3;
	v1 =	vadd.f32 v32, v1  }
0x277: {  	v43 =	vld [tilespmem:$0x9760];
	v44 =	vand.u32 $0x80000000, v29;
	v7 =	vadd.f32 v38, v7;
	v46 =	vadd.f32 $-1.000000000e+00, v9  }
0x278: {  	v49 =	vld [tilespmem:$0x97F0];
	v61 =	vmul.f32 $3.999966430e-04, v8;
	v12 =	vmul.f32 $3.000000000e+00, v41;
	v1 =	vadd.f32 v35, v1  }
0x279: {  	v47 =	vld [tilespmem:$0x97E0];
	v10 =	vmul.f32 v29, v40;
	v7 =	vadd.f32 v42, v7;
	v17 =	vmul.f32 $3.000000000e+00, v46  }
0x27a: {  	v53 =	vld [tilespmem:$0x9870];
	v11 =	vor.u32 v44, v0;
	v48 =	vmul.f32 $9.995999930e-01, v12;
	v1 =	vadd.f32 v39, v1  }
0x27b: {  	v50 =	vld [tilespmem:$0x9860];
	v10 =	vadd.f32 v10, v11;
	v7 =	vadd.f32 v45, v7;
	v55 =	vmul.f32 $9.995999930e-01, v17  }
0x27c: {  	v51 =	vmul.f32 $2.000131940e-04, v12;
	v52 =	vmul.f32 $5.000000000e-01, v48;
	v1 =	vadd.f32 v43, v1  }
0x27d: {  	v7 =	vadd.f32 v49, v7;
	v56 =	vmul.f32 $2.000131940e-04, v17;
	v57 =	vmul.f32 $5.000000000e-01, v55  }
0x27e: {  	v12 =	vmul.f32 $5.000000000e-01, v12;
	v11 =	vadd.f32 v52, v51;
	v1 =	vadd.f32 v47, v1  }
0x27f: {  	v59 =	vmul.f32 $5.000000000e-01, v17;
	v60 =	vadd.f32 v53, v7;
	v58 =	vadd.f32 v57, v56  }
0x280: {  	v11 =	vsub.f32 v11, v12;
	v1 =	vadd.f32 v50, v1  }
0x281: {  	v7 =	vmul.f32 $5.000000000e-01, v61;
	v2 =	vmul.f32 $3.999966430e-04, v60;
	v62 =	vsub.f32 v58, v59  }
0x282: {  	[tilespmem:$0xA080] =	vst v54;
	v11 =	vmul.f32 v3, v11;
	v3 =	vand.u32 $0x80000000, v3;
	v1 =	vmul.f32 $3.999966430e-04, v1  }
0x283: {  	[tilespmem:$0xA090] =	vst v36;
	v3 =	vor.u32 v3, v0;
	v8 =	vmul.f32 v9, v62;
	v9 =	vand.u32 $0x80000000, v9  }
0x284: {  	[tilespmem:$0xA0A0] =	vst v6;
	v3 =	vadd.f32 v11, v3;
	v0 =	vor.u32 v9, v0;
	v1 =	vmul.f32 $5.000000000e-01, v1  }
0x285: {  	[tilespmem:$0xA0B0] =	vst v5;
	v63 =	vadd.f32 v10, v7;
	v2 =	vmul.f32 $5.000000000e-01, v2;
	v0 =	vadd.f32 v8, v0  }
0x286: {  	[tilespmem:$0xA0C0] =	vst v4;
	v1 =	vadd.f32 v3, v1  }
0x287: {  	[tilespmem:$0xA0D0] =	vst v63;
	v0 =	vadd.f32 v0, v2  }
0x288: {  	s29 =	sshll.u32 s1, $0x4;
	[tilespmem:$0xA0E0] =	vst v1  }
0x289: {  	s30 =	simm.s32 $0x0;
	s31 =	simm.s32 $0xA080;
	s2 =	sadd.s32 s2, s29;
	[tilespmem:$0xA0F0] =	vst v0  }
0x28a: {  	[hbm4b:s2+s30] =	stream.linear.scatter [tilespmem:s31], [sflag:$0x3], $0x80, $0x38;
	[tilespmem:$0xA100] =	vst v63  }
0x28b: {  	_ =	swait.ge [sflag:s4], $0x80  }
0x28c: {  	[sflag:s4] =	ssyncset.done $0x0  }
0x28d: {  	[sflag:s4] =	ssyncadd.s32 $0xFFFFFF80  }
.LBB2_8:
0x28e: {  	_ =	sfence.sel $0x180000  }
0x28f: {  	[bflag:$0x0] =	sbarrier.arrive $0xFFFF  }
0x290: {  	p0 =	sne.s32 s1, $0x0;
	_ =	strace $0x90000047  }
0x291: {  	s0 =	sadd.s32 @!p0 $0x100000, s0;
	[bflag:$0x2] =	sbarrier.arrive $0xFFFF  }
0x292: {  	[sflag:s0] =	ssyncadd.tile.s32 @!p0 $0x1;
	_ =	shalt  }
.Lfunc_end2:
_tile_overlayer_lowered:
.L_overlay_start_2:
0x293: {  	(tag) =	ssettag $0x2  }
0x294: {  	s0 =	rddreg [dreg:$0x0];
	s2 =	stileid.u32  }
0x295: {  	s1 =	rddreg [dreg:$0x1];
	p0 =	sne.s32 s2, $0x0  }
0x296: {  	s3 =	rddreg [dreg:$0x2];
	[bflag:$0x3] =	sbarrier.arrive $0xFFFF;
	s2 =	simm.s32 @!p0 $0x1C03  }
0x297: {  	[timem:s3], [sflag:s2] =	dma.local @!p0 [hbm:s0], s1  }
0x298: {  	s0 =	simm.s32 @!p0 $0x3  }
0x299: {  	_ =	swait.ge @!p0 [sflag:s0], s1  }
0x29a: {  	s1 =	ssub.s32 @!p0 $0x0, s1;
	[sflag:s0] =	ssyncset.done @!p0 $0x0  }
0x29b: {  	[sflag:s0] =	ssyncadd.s32 @!p0 s1  }
0x29c: {  	[bflag:$0x3] =	sbarrier.arrive $0xFFFF  }
0x29d: {  	_ =	shalt  }

</sc_bundles>
